<compile_context>
chip_gen: v7x
topology: tpu7x:2x2x1
jax: 0.10.2.dev20260603
libtpu: 0.0.44.dev20260713+nightly
codegen_flags: <defaults>
</compile_context>

<pallas_src>
import functools

import jax
import jax.numpy as jnp
from jax import lax
from jax.experimental import pallas as pl
from jax.experimental.pallas import tpu as pltpu
from jax.experimental.pallas import tpu_sc as plsc

_NC = 2
_NS = 16
_NW = _NC * _NS
_L = 16
_ROWS = 8192
_COLS = 1024
_CHR = 8
_NBUF = 4


def _sc_quant_body(x_hbm, c1_hbm, c2_hbm, o_hbm, *refs):
    xbs = refs[0:_NBUF]
    obs = refs[_NBUF:2 * _NBUF]
    c1buf, c2buf = refs[2 * _NBUF:2 * _NBUF + 2]
    sis = refs[2 * _NBUF + 2:3 * _NBUF + 2]
    sos = refs[3 * _NBUF + 2:4 * _NBUF + 2]

    wid = lax.axis_index("s") * _NC + lax.axis_index("c")
    per_w = _ROWS // _NW
    base = wid * per_w
    nch = per_w // _CHR

    pltpu.sync_copy(c1_hbm, c1buf)
    pltpu.sync_copy(c2_hbm, c2buf)
    c1 = c1buf[...]
    c2 = c2buf[...]

    def compute(xb, ob):
        for r in range(0, _CHR, 8):
            @plsc.parallel_loop(0, _COLS, step=_L, unroll=2)
            def _vec(i):
                for rr in range(r, r + 8):
                    t = xb[rr, pl.ds(i, _L)] * c1
                    t = jnp.minimum(jnp.maximum(t, -127.0), 127.0)
                    k = (t + 12582912.0) - 12582912.0
                    ob[rr, pl.ds(i, _L)] = k * c2

    for b in range(_NBUF):
        pltpu.async_copy(x_hbm.at[pl.ds(base + b * _CHR, _CHR)], xbs[b], sis[b])

    @pl.loop(0, nch, step=_NBUF)
    def _group(c):
        for b in range(_NBUF):
            xb, ob, si, so = xbs[b], obs[b], sis[b], sos[b]
            cc = c + b
            pltpu.make_async_copy(x_hbm.at[pl.ds(base, _CHR)], xb, si).wait()

            @pl.when(cc >= _NBUF)
            def _wait_out():
                pltpu.make_async_copy(ob, o_hbm.at[pl.ds(base, _CHR)], so).wait()

            compute(xb, ob)
            pltpu.async_copy(ob, o_hbm.at[pl.ds(base + cc * _CHR, _CHR)], so)

            @pl.when(cc + _NBUF < nch)
            def _next_in():
                pltpu.async_copy(
                    x_hbm.at[pl.ds(base + (cc + _NBUF) * _CHR, _CHR)], xb, si)

    for b in range(_NBUF):
        pltpu.make_async_copy(obs[b], o_hbm.at[pl.ds(base, _CHR)], sos[b]).wait()


def kernel(x, quant_grid, alpha):
    maxval = jnp.max(quant_grid)
    n_levels = quant_grid.shape[0]
    step = (maxval - jnp.min(quant_grid)) / jnp.float32(n_levels - 1)
    c1 = (maxval / (alpha * step)).astype(jnp.float32)
    c2 = (step * alpha / maxval).astype(jnp.float32)
    c1v = jnp.full((_L,), c1, dtype=jnp.float32)
    c2v = jnp.full((_L,), c2, dtype=jnp.float32)

    xf = x.reshape(_ROWS, _COLS)

    scratch = (
        [pltpu.VMEM((_CHR, _COLS), jnp.float32) for _ in range(2 * _NBUF)]
        + [pltpu.VMEM((_L,), jnp.float32) for _ in range(2)]
        + [pltpu.SemaphoreType.DMA for _ in range(2 * _NBUF)]
    )

    run = functools.partial(
        pl.kernel,
        out_type=jax.ShapeDtypeStruct((_ROWS, _COLS), jnp.float32),
        mesh=plsc.VectorSubcoreMesh(core_axis_name="c", subcore_axis_name="s"),
        scratch_types=scratch,
    )(_sc_quant_body)
    out = run(xf, c1v, c2v)
    return out.reshape(x.shape)

# --- scband reference (transcript-rebuilt; emitter-appended) ---
"""Pipeline reference for scband-quantizer-2946347566037 (READ-ONLY COPY).

The authoritative reference and input builder live on the scoring server;
editing this copy changes nothing except your own understanding.
"""

import jax, jax.numpy as jnp
import numpy as np

BIT = 8
IS_SIGNED = True
CHUNK = 65536


def int_grid():
    # Faithful port of Quantizer.int_value() for bit=8, signed
    B = BIT - 1 if IS_SIGNED else BIT
    vals = [0.0]
    for i in range(1, 2 ** B):
        vals.append(float(i))
        if IS_SIGNED:
            vals.append(float(-i))
    vals = np.sort(np.asarray(vals, dtype=np.float32))
    vals = vals * (32.0 / 2 ** B)
    return jnp.asarray(vals, dtype=jnp.float32)


def setup_inputs(seed: int = 0) -> dict:
    key = jax.random.key(seed)
    k1, k2 = jax.random.split(key)
    x = jax.random.normal(k1, (2, 4096, 1024), dtype=jnp.float32)
    quant_grid = int_grid()  # [255] sorted signed int grid scaled to max 31.75
    # alpha would normally come from search_mse; use a plausible clipping scale
    alpha = jnp.asarray(3.0, dtype=jnp.float32)
    return {"x": x, "quant_grid": quant_grid, "alpha": alpha}


def _nearest_chunk(chunk, grid):
    # quant_cuda.quant semantics: snap each element to nearest grid value
    d = jnp.abs(chunk[:, None] - grid[None, :])
    idx = jnp.argmin(d, axis=1)
    return jnp.take(grid, idx, axis=0)


def reference(x, quant_grid, alpha):
    # Quantizer._forward (per-tensor / is_input path):
    #   scale into grid range, snap to nearest grid value, rescale back.
    maxval = jnp.max(quant_grid)
    scaled = x / alpha * maxval
    flat = scaled.reshape(-1)
    n = flat.shape[0]
    pad = (-n) % CHUNK
    flat_p = jnp.pad(flat, (0, pad))
    chunks = flat_p.reshape(-1, CHUNK)
    q = jax.lax.map(lambda c: _nearest_chunk(c, quant_grid), chunks)
    q = q.reshape(-1)[:n].reshape(x.shape)
    return q / maxval * alpha

if __name__ == "__main__":
    import jax
    _d = setup_inputs()
    print(jax.jit(kernel)(*tuple(_d.values())))

</pallas_src>

<mosaic_0001>
#map = affine_map<(d0, d1) -> (0, 0)>
#map1 = affine_map<(d0, d1) -> (0)>
module attributes {stable_mosaic.version = 14 : i64} {
  func.func @_sc_quant_body(%arg0: i32, %arg1: i32, %arg2: memref<8192x1024xf32, #tpu.memory_space<hbm>>, %arg3: memref<16xf32, #tpu.memory_space<hbm>>, %arg4: memref<16xf32, #tpu.memory_space<hbm>>, %arg5: memref<8192x1024xf32, #tpu.memory_space<hbm>>, %arg6: memref<8x1024xf32, #tpu.memory_space<vmem>>, %arg7: memref<8x1024xf32, #tpu.memory_space<vmem>>, %arg8: memref<8x1024xf32, #tpu.memory_space<vmem>>, %arg9: memref<8x1024xf32, #tpu.memory_space<vmem>>, %arg10: memref<8x1024xf32, #tpu.memory_space<vmem>>, %arg11: memref<8x1024xf32, #tpu.memory_space<vmem>>, %arg12: memref<8x1024xf32, #tpu.memory_space<vmem>>, %arg13: memref<8x1024xf32, #tpu.memory_space<vmem>>, %arg14: memref<16xf32, #tpu.memory_space<vmem>>, %arg15: memref<16xf32, #tpu.memory_space<vmem>>, %arg16: memref<!tpu.dma_semaphore, #tpu.memory_space<semaphore_mem>>, %arg17: memref<!tpu.dma_semaphore, #tpu.memory_space<semaphore_mem>>, %arg18: memref<!tpu.dma_semaphore, #tpu.memory_space<semaphore_mem>>, %arg19: memref<!tpu.dma_semaphore, #tpu.memory_space<semaphore_mem>>, %arg20: memref<!tpu.dma_semaphore, #tpu.memory_space<semaphore_mem>>, %arg21: memref<!tpu.dma_semaphore, #tpu.memory_space<semaphore_mem>>, %arg22: memref<!tpu.dma_semaphore, #tpu.memory_space<semaphore_mem>>, %arg23: memref<!tpu.dma_semaphore, #tpu.memory_space<semaphore_mem>>) attributes {dimension_semantics = [#tpu.dimension_semantics<core_parallel>, #tpu.dimension_semantics<subcore_parallel>], iteration_bounds = array<i64: 2, 16>, scalar_prefetch = 0 : i64, scratch_operands = 18 : i64, tpu.core_type = #tpu.core_type<sc_vector_subcore>, window_params = [{transform_indices = #map}, {transform_indices = #map1}, {transform_indices = #map1}, {transform_indices = #map}]} {
    %mul3A = arith.constant 2 : i32
    %mul3A_0 = arith.muli %arg1, %mul3A : i32
    %add3A = arith.addi %mul3A_0, %arg0 : i32
    %mul3A_1 = arith.constant 256 : i32
    %mul3A_2 = arith.muli %add3A, %mul3A_1 : i32
    "tpu.region"() ({
      %run_scoped3A = tpu.sem_alloc : memref<!tpu.dma_semaphore, #tpu.memory_space<semaphore_mem>>
      tpu.enqueue_dma source(%arg3 : memref<16xf32, #tpu.memory_space<hbm>>) target(%arg14 : memref<16xf32, #tpu.memory_space<vmem>>) target_semaphore(%run_scoped3A : memref<!tpu.dma_semaphore, #tpu.memory_space<semaphore_mem>>)
      tpu.wait_dma2 semaphore(%run_scoped3A : memref<!tpu.dma_semaphore, #tpu.memory_space<semaphore_mem>>) src(%arg3 : memref<16xf32, #tpu.memory_space<hbm>>) dst(%arg14 : memref<16xf32, #tpu.memory_space<vmem>>)
      tpu.yield
    }) : () -> ()
    "tpu.region"() ({
      %run_scoped3A = tpu.sem_alloc : memref<!tpu.dma_semaphore, #tpu.memory_space<semaphore_mem>>
      tpu.enqueue_dma source(%arg4 : memref<16xf32, #tpu.memory_space<hbm>>) target(%arg15 : memref<16xf32, #tpu.memory_space<vmem>>) target_semaphore(%run_scoped3A : memref<!tpu.dma_semaphore, #tpu.memory_space<semaphore_mem>>)
      tpu.wait_dma2 semaphore(%run_scoped3A : memref<!tpu.dma_semaphore, #tpu.memory_space<semaphore_mem>>) src(%arg4 : memref<16xf32, #tpu.memory_space<hbm>>) dst(%arg15 : memref<16xf32, #tpu.memory_space<vmem>>)
      tpu.yield
    }) : () -> ()
    %get3A = arith.constant 0 : index
    %get3A_3 = tpu.vector_load %arg14[%get3A] {strides = array<i32>} : memref<16xf32, #tpu.memory_space<vmem>>, vector<16xf32>,
    %get3A_4 = vector.shape_cast %get3A_3 : vector<16xf32> to vector<16xf32>
    %get3A_5 = arith.constant 0 : index
    %get3A_6 = tpu.vector_load %arg15[%get3A_5] {strides = array<i32>} : memref<16xf32, #tpu.memory_space<vmem>>, vector<16xf32>,
    %get3A_7 = vector.shape_cast %get3A_6 : vector<16xf32> to vector<16xf32>
    %add3A_8 = arith.constant 0 : i32
    %add3A_9 = arith.addi %mul3A_2, %add3A_8 : i32
    %dma_start3A = arith.constant 0 : i32
    %dma_start3A_10 = tpu.memref_slice %arg2[%add3A_9, %dma_start3A] : memref<8192x1024xf32, #tpu.memory_space<hbm>> -> memref<8x1024xf32, #tpu.memory_space<hbm>>
    %dma_start3A_11 = arith.constant 0 : i32
    %dma_start3A_12 = tpu.memref_slice %arg2[%add3A_9, %dma_start3A_11] : memref<8192x1024xf32, #tpu.memory_space<hbm>> -> memref<8x1024xf32, #tpu.memory_space<hbm>>
    tpu.enqueue_dma source(%dma_start3A_12 : memref<8x1024xf32, #tpu.memory_space<hbm>>) target(%arg6 : memref<8x1024xf32, #tpu.memory_space<vmem>>) target_semaphore(%arg16 : memref<!tpu.dma_semaphore, #tpu.memory_space<semaphore_mem>>)
    %add3A_13 = arith.constant 8 : i32
    %add3A_14 = arith.addi %mul3A_2, %add3A_13 : i32
    %dma_start3A_15 = arith.constant 0 : i32
    %dma_start3A_16 = tpu.memref_slice %arg2[%add3A_14, %dma_start3A_15] : memref<8192x1024xf32, #tpu.memory_space<hbm>> -> memref<8x1024xf32, #tpu.memory_space<hbm>>
    %dma_start3A_17 = arith.constant 0 : i32
    %dma_start3A_18 = tpu.memref_slice %arg2[%add3A_14, %dma_start3A_17] : memref<8192x1024xf32, #tpu.memory_space<hbm>> -> memref<8x1024xf32, #tpu.memory_space<hbm>>
    tpu.enqueue_dma source(%dma_start3A_18 : memref<8x1024xf32, #tpu.memory_space<hbm>>) target(%arg7 : memref<8x1024xf32, #tpu.memory_space<vmem>>) target_semaphore(%arg17 : memref<!tpu.dma_semaphore, #tpu.memory_space<semaphore_mem>>)
    %add3A_19 = arith.constant 16 : i32
    %add3A_20 = arith.addi %mul3A_2, %add3A_19 : i32
    %dma_start3A_21 = arith.constant 0 : i32
    %dma_start3A_22 = tpu.memref_slice %arg2[%add3A_20, %dma_start3A_21] : memref<8192x1024xf32, #tpu.memory_space<hbm>> -> memref<8x1024xf32, #tpu.memory_space<hbm>>
    %dma_start3A_23 = arith.constant 0 : i32
    %dma_start3A_24 = tpu.memref_slice %arg2[%add3A_20, %dma_start3A_23] : memref<8192x1024xf32, #tpu.memory_space<hbm>> -> memref<8x1024xf32, #tpu.memory_space<hbm>>
    tpu.enqueue_dma source(%dma_start3A_24 : memref<8x1024xf32, #tpu.memory_space<hbm>>) target(%arg8 : memref<8x1024xf32, #tpu.memory_space<vmem>>) target_semaphore(%arg18 : memref<!tpu.dma_semaphore, #tpu.memory_space<semaphore_mem>>)
    %add3A_25 = arith.constant 24 : i32
    %add3A_26 = arith.addi %mul3A_2, %add3A_25 : i32
    %dma_start3A_27 = arith.constant 0 : i32
    %dma_start3A_28 = tpu.memref_slice %arg2[%add3A_26, %dma_start3A_27] : memref<8192x1024xf32, #tpu.memory_space<hbm>> -> memref<8x1024xf32, #tpu.memory_space<hbm>>
    %dma_start3A_29 = arith.constant 0 : i32
    %dma_start3A_30 = tpu.memref_slice %arg2[%add3A_26, %dma_start3A_29] : memref<8192x1024xf32, #tpu.memory_space<hbm>> -> memref<8x1024xf32, #tpu.memory_space<hbm>>
    tpu.enqueue_dma source(%dma_start3A_30 : memref<8x1024xf32, #tpu.memory_space<hbm>>) target(%arg9 : memref<8x1024xf32, #tpu.memory_space<vmem>>) target_semaphore(%arg19 : memref<!tpu.dma_semaphore, #tpu.memory_space<semaphore_mem>>)
    %scan3A = arith.constant 0 : i32
    %scan3A_31 = arith.constant 8 : i32
    %scan3A_32 = arith.addi %scan3A, %scan3A_31 : i32
    %scan3A_33 = arith.constant 1 : i32
    scf.for %scan3A_50 = %scan3A to %scan3A_32 step %scan3A_33  : i32 {
      %mul3A_51 = arith.constant 4 : i32
      %mul3A_52 = arith.muli %scan3A_50, %mul3A_51 : i32
      %add3A_53 = arith.constant 0 : i32
      %add3A_54 = arith.addi %add3A_53, %mul3A_52 : i32
      %add3A_55 = arith.constant 0 : i32
      %add3A_56 = arith.addi %add3A_54, %add3A_55 : i32
      %dma_wait3A_57 = arith.constant 0 : i32
      %dma_wait3A_58 = tpu.memref_slice %arg2[%mul3A_2, %dma_wait3A_57] : memref<8192x1024xf32, #tpu.memory_space<hbm>> -> memref<8x1024xf32, #tpu.memory_space<hbm>>
      %dma_wait3A_59 = arith.constant 0 : i32
      %dma_wait3A_60 = tpu.memref_slice %arg2[%mul3A_2, %dma_wait3A_59] : memref<8192x1024xf32, #tpu.memory_space<hbm>> -> memref<8x1024xf32, #tpu.memory_space<hbm>>
      tpu.wait_dma2 semaphore(%arg16 : memref<!tpu.dma_semaphore, #tpu.memory_space<semaphore_mem>>) src(%dma_wait3A_60 : memref<8x1024xf32, #tpu.memory_space<hbm>>) dst(%arg6 : memref<8x1024xf32, #tpu.memory_space<vmem>>)
      %ge3A = arith.constant 4 : i32
      %ge3A_61 = arith.cmpi sge, %add3A_56, %ge3A : i32
      %convert_element_type3A = arith.extui %ge3A_61 : i1 to i32
      %cond3A = arith.constant 0 : i32
      %cond3A_62 = arith.cmpi ne, %convert_element_type3A, %cond3A : i32
      scf.if %cond3A_62 {
        %dma_wait3A_162 = arith.constant 0 : i32
        %dma_wait3A_163 = tpu.memref_slice %arg5[%mul3A_2, %dma_wait3A_162] : memref<8192x1024xf32, #tpu.memory_space<hbm>> -> memref<8x1024xf32, #tpu.memory_space<hbm>>
        %dma_wait3A_164 = arith.constant 0 : i32
        %dma_wait3A_165 = tpu.memref_slice %arg5[%mul3A_2, %dma_wait3A_164] : memref<8192x1024xf32, #tpu.memory_space<hbm>> -> memref<8x1024xf32, #tpu.memory_space<hbm>>
        tpu.wait_dma2 semaphore(%arg20 : memref<!tpu.dma_semaphore, #tpu.memory_space<semaphore_mem>>) src(%arg10 : memref<8x1024xf32, #tpu.memory_space<vmem>>) dst(%dma_wait3A_165 : memref<8x1024xf32, #tpu.memory_space<hbm>>)
      } else {
      }
      %parallel_loop3A = arith.constant 0 : i32
      %parallel_loop3A_63 = arith.constant 1024 : i32
      %parallel_loop3A_64 = arith.constant 16 : i32
      scf.for %parallel_loop3A_162 = %parallel_loop3A to %parallel_loop3A_63 step %parallel_loop3A_64  : i32 {
        %parallel_loop3A_163 = arith.constant 0 : i32
        %parallel_loop3A_164 = arith.index_cast %parallel_loop3A_163 : i32 to index
        %parallel_loop3A_165 = arith.index_cast %parallel_loop3A_162 : i32 to index
        %parallel_loop3A_166 = tpu.vector_load %arg6[%parallel_loop3A_164, %parallel_loop3A_165] {strides = array<i32>} : memref<8x1024xf32, #tpu.memory_space<vmem>>, vector<1x16xf32>,
        %parallel_loop3A_167 = vector.shape_cast %parallel_loop3A_166 : vector<1x16xf32> to vector<16xf32>
        %parallel_loop3A_168 = arith.mulf %parallel_loop3A_167, %get3A_4 : vector<16xf32>
        %parallel_loop3A_169 = arith.constant -1.270000e+02 : f32
        %parallel_loop3A_170 = vector.broadcast %parallel_loop3A_169 : f32 to vector<16xf32>
        %parallel_loop3A_171 = arith.maximumf %parallel_loop3A_168, %parallel_loop3A_170 : vector<16xf32>
        %parallel_loop3A_172 = arith.constant 1.270000e+02 : f32
        %parallel_loop3A_173 = vector.broadcast %parallel_loop3A_172 : f32 to vector<16xf32>
        %parallel_loop3A_174 = arith.minimumf %parallel_loop3A_171, %parallel_loop3A_173 : vector<16xf32>
        %parallel_loop3A_175 = arith.constant 0x4B400000 : f32
        %parallel_loop3A_176 = vector.broadcast %parallel_loop3A_175 : f32 to vector<16xf32>
        %parallel_loop3A_177 = arith.addf %parallel_loop3A_174, %parallel_loop3A_176 : vector<16xf32>
        %parallel_loop3A_178 = arith.constant 0x4B400000 : f32
        %parallel_loop3A_179 = vector.broadcast %parallel_loop3A_178 : f32 to vector<16xf32>
        %parallel_loop3A_180 = arith.subf %parallel_loop3A_177, %parallel_loop3A_179 : vector<16xf32>
        %parallel_loop3A_181 = arith.mulf %parallel_loop3A_180, %get3A_7 : vector<16xf32>
        %parallel_loop3A_182 = arith.constant 0 : i32
        %parallel_loop3A_183 = arith.index_cast %parallel_loop3A_182 : i32 to index
        %parallel_loop3A_184 = arith.index_cast %parallel_loop3A_162 : i32 to index
        %parallel_loop3A_185 = tpu.vector_load %arg10[%parallel_loop3A_183, %parallel_loop3A_184] {strides = array<i32>} : memref<8x1024xf32, #tpu.memory_space<vmem>>, vector<1x16xf32>,
        %parallel_loop3A_186 = vector.shape_cast %parallel_loop3A_185 : vector<1x16xf32> to vector<16xf32>
        %parallel_loop3A_187 = vector.shape_cast %parallel_loop3A_181 : vector<16xf32> to vector<1x16xf32>
        tpu.vector_store %arg10[%parallel_loop3A_183, %parallel_loop3A_184], %parallel_loop3A_187 {strides = array<i32>} : memref<8x1024xf32, #tpu.memory_space<vmem>>, vector<1x16xf32>,
        %parallel_loop3A_188 = arith.constant 1 : i32
        %parallel_loop3A_189 = arith.index_cast %parallel_loop3A_188 : i32 to index
        %parallel_loop3A_190 = arith.index_cast %parallel_loop3A_162 : i32 to index
        %parallel_loop3A_191 = tpu.vector_load %arg6[%parallel_loop3A_189, %parallel_loop3A_190] {strides = array<i32>} : memref<8x1024xf32, #tpu.memory_space<vmem>>, vector<1x16xf32>,
        %parallel_loop3A_192 = vector.shape_cast %parallel_loop3A_191 : vector<1x16xf32> to vector<16xf32>
        %parallel_loop3A_193 = arith.mulf %parallel_loop3A_192, %get3A_4 : vector<16xf32>
        %parallel_loop3A_194 = arith.constant -1.270000e+02 : f32
        %parallel_loop3A_195 = vector.broadcast %parallel_loop3A_194 : f32 to vector<16xf32>
        %parallel_loop3A_196 = arith.maximumf %parallel_loop3A_193, %parallel_loop3A_195 : vector<16xf32>
        %parallel_loop3A_197 = arith.constant 1.270000e+02 : f32
        %parallel_loop3A_198 = vector.broadcast %parallel_loop3A_197 : f32 to vector<16xf32>
        %parallel_loop3A_199 = arith.minimumf %parallel_loop3A_196, %parallel_loop3A_198 : vector<16xf32>
        %parallel_loop3A_200 = arith.constant 0x4B400000 : f32
        %parallel_loop3A_201 = vector.broadcast %parallel_loop3A_200 : f32 to vector<16xf32>
        %parallel_loop3A_202 = arith.addf %parallel_loop3A_199, %parallel_loop3A_201 : vector<16xf32>
        %parallel_loop3A_203 = arith.constant 0x4B400000 : f32
        %parallel_loop3A_204 = vector.broadcast %parallel_loop3A_203 : f32 to vector<16xf32>
        %parallel_loop3A_205 = arith.subf %parallel_loop3A_202, %parallel_loop3A_204 : vector<16xf32>
        %parallel_loop3A_206 = arith.mulf %parallel_loop3A_205, %get3A_7 : vector<16xf32>
        %parallel_loop3A_207 = arith.constant 1 : i32
        %parallel_loop3A_208 = arith.index_cast %parallel_loop3A_207 : i32 to index
        %parallel_loop3A_209 = arith.index_cast %parallel_loop3A_162 : i32 to index
        %parallel_loop3A_210 = tpu.vector_load %arg10[%parallel_loop3A_208, %parallel_loop3A_209] {strides = array<i32>} : memref<8x1024xf32, #tpu.memory_space<vmem>>, vector<1x16xf32>,
        %parallel_loop3A_211 = vector.shape_cast %parallel_loop3A_210 : vector<1x16xf32> to vector<16xf32>
        %parallel_loop3A_212 = vector.shape_cast %parallel_loop3A_206 : vector<16xf32> to vector<1x16xf32>
        tpu.vector_store %arg10[%parallel_loop3A_208, %parallel_loop3A_209], %parallel_loop3A_212 {strides = array<i32>} : memref<8x1024xf32, #tpu.memory_space<vmem>>, vector<1x16xf32>,
        %parallel_loop3A_213 = arith.constant 2 : i32
        %parallel_loop3A_214 = arith.index_cast %parallel_loop3A_213 : i32 to index
        %parallel_loop3A_215 = arith.index_cast %parallel_loop3A_162 : i32 to index
        %parallel_loop3A_216 = tpu.vector_load %arg6[%parallel_loop3A_214, %parallel_loop3A_215] {strides = array<i32>} : memref<8x1024xf32, #tpu.memory_space<vmem>>, vector<1x16xf32>,
        %parallel_loop3A_217 = vector.shape_cast %parallel_loop3A_216 : vector<1x16xf32> to vector<16xf32>
        %parallel_loop3A_218 = arith.mulf %parallel_loop3A_217, %get3A_4 : vector<16xf32>
        %parallel_loop3A_219 = arith.constant -1.270000e+02 : f32
        %parallel_loop3A_220 = vector.broadcast %parallel_loop3A_219 : f32 to vector<16xf32>
        %parallel_loop3A_221 = arith.maximumf %parallel_loop3A_218, %parallel_loop3A_220 : vector<16xf32>
        %parallel_loop3A_222 = arith.constant 1.270000e+02 : f32
        %parallel_loop3A_223 = vector.broadcast %parallel_loop3A_222 : f32 to vector<16xf32>
        %parallel_loop3A_224 = arith.minimumf %parallel_loop3A_221, %parallel_loop3A_223 : vector<16xf32>
        %parallel_loop3A_225 = arith.constant 0x4B400000 : f32
        %parallel_loop3A_226 = vector.broadcast %parallel_loop3A_225 : f32 to vector<16xf32>
        %parallel_loop3A_227 = arith.addf %parallel_loop3A_224, %parallel_loop3A_226 : vector<16xf32>
        %parallel_loop3A_228 = arith.constant 0x4B400000 : f32
        %parallel_loop3A_229 = vector.broadcast %parallel_loop3A_228 : f32 to vector<16xf32>
        %parallel_loop3A_230 = arith.subf %parallel_loop3A_227, %parallel_loop3A_229 : vector<16xf32>
        %parallel_loop3A_231 = arith.mulf %parallel_loop3A_230, %get3A_7 : vector<16xf32>
        %parallel_loop3A_232 = arith.constant 2 : i32
        %parallel_loop3A_233 = arith.index_cast %parallel_loop3A_232 : i32 to index
        %parallel_loop3A_234 = arith.index_cast %parallel_loop3A_162 : i32 to index
        %parallel_loop3A_235 = tpu.vector_load %arg10[%parallel_loop3A_233, %parallel_loop3A_234] {strides = array<i32>} : memref<8x1024xf32, #tpu.memory_space<vmem>>, vector<1x16xf32>,
        %parallel_loop3A_236 = vector.shape_cast %parallel_loop3A_235 : vector<1x16xf32> to vector<16xf32>
        %parallel_loop3A_237 = vector.shape_cast %parallel_loop3A_231 : vector<16xf32> to vector<1x16xf32>
        tpu.vector_store %arg10[%parallel_loop3A_233, %parallel_loop3A_234], %parallel_loop3A_237 {strides = array<i32>} : memref<8x1024xf32, #tpu.memory_space<vmem>>, vector<1x16xf32>,
        %parallel_loop3A_238 = arith.constant 3 : i32
        %parallel_loop3A_239 = arith.index_cast %parallel_loop3A_238 : i32 to index
        %parallel_loop3A_240 = arith.index_cast %parallel_loop3A_162 : i32 to index
        %parallel_loop3A_241 = tpu.vector_load %arg6[%parallel_loop3A_239, %parallel_loop3A_240] {strides = array<i32>} : memref<8x1024xf32, #tpu.memory_space<vmem>>, vector<1x16xf32>,
        %parallel_loop3A_242 = vector.shape_cast %parallel_loop3A_241 : vector<1x16xf32> to vector<16xf32>
        %parallel_loop3A_243 = arith.mulf %parallel_loop3A_242, %get3A_4 : vector<16xf32>
        %parallel_loop3A_244 = arith.constant -1.270000e+02 : f32
        %parallel_loop3A_245 = vector.broadcast %parallel_loop3A_244 : f32 to vector<16xf32>
        %parallel_loop3A_246 = arith.maximumf %parallel_loop3A_243, %parallel_loop3A_245 : vector<16xf32>
        %parallel_loop3A_247 = arith.constant 1.270000e+02 : f32
        %parallel_loop3A_248 = vector.broadcast %parallel_loop3A_247 : f32 to vector<16xf32>
        %parallel_loop3A_249 = arith.minimumf %parallel_loop3A_246, %parallel_loop3A_248 : vector<16xf32>
        %parallel_loop3A_250 = arith.constant 0x4B400000 : f32
        %parallel_loop3A_251 = vector.broadcast %parallel_loop3A_250 : f32 to vector<16xf32>
        %parallel_loop3A_252 = arith.addf %parallel_loop3A_249, %parallel_loop3A_251 : vector<16xf32>
        %parallel_loop3A_253 = arith.constant 0x4B400000 : f32
        %parallel_loop3A_254 = vector.broadcast %parallel_loop3A_253 : f32 to vector<16xf32>
        %parallel_loop3A_255 = arith.subf %parallel_loop3A_252, %parallel_loop3A_254 : vector<16xf32>
        %parallel_loop3A_256 = arith.mulf %parallel_loop3A_255, %get3A_7 : vector<16xf32>
        %parallel_loop3A_257 = arith.constant 3 : i32
        %parallel_loop3A_258 = arith.index_cast %parallel_loop3A_257 : i32 to index
        %parallel_loop3A_259 = arith.index_cast %parallel_loop3A_162 : i32 to index
        %parallel_loop3A_260 = tpu.vector_load %arg10[%parallel_loop3A_258, %parallel_loop3A_259] {strides = array<i32>} : memref<8x1024xf32, #tpu.memory_space<vmem>>, vector<1x16xf32>,
        %parallel_loop3A_261 = vector.shape_cast %parallel_loop3A_260 : vector<1x16xf32> to vector<16xf32>
        %parallel_loop3A_262 = vector.shape_cast %parallel_loop3A_256 : vector<16xf32> to vector<1x16xf32>
        tpu.vector_store %arg10[%parallel_loop3A_258, %parallel_loop3A_259], %parallel_loop3A_262 {strides = array<i32>} : memref<8x1024xf32, #tpu.memory_space<vmem>>, vector<1x16xf32>,
        %parallel_loop3A_263 = arith.constant 4 : i32
        %parallel_loop3A_264 = arith.index_cast %parallel_loop3A_263 : i32 to index
        %parallel_loop3A_265 = arith.index_cast %parallel_loop3A_162 : i32 to index
        %parallel_loop3A_266 = tpu.vector_load %arg6[%parallel_loop3A_264, %parallel_loop3A_265] {strides = array<i32>} : memref<8x1024xf32, #tpu.memory_space<vmem>>, vector<1x16xf32>,
        %parallel_loop3A_267 = vector.shape_cast %parallel_loop3A_266 : vector<1x16xf32> to vector<16xf32>
        %parallel_loop3A_268 = arith.mulf %parallel_loop3A_267, %get3A_4 : vector<16xf32>
        %parallel_loop3A_269 = arith.constant -1.270000e+02 : f32
        %parallel_loop3A_270 = vector.broadcast %parallel_loop3A_269 : f32 to vector<16xf32>
        %parallel_loop3A_271 = arith.maximumf %parallel_loop3A_268, %parallel_loop3A_270 : vector<16xf32>
        %parallel_loop3A_272 = arith.constant 1.270000e+02 : f32
        %parallel_loop3A_273 = vector.broadcast %parallel_loop3A_272 : f32 to vector<16xf32>
        %parallel_loop3A_274 = arith.minimumf %parallel_loop3A_271, %parallel_loop3A_273 : vector<16xf32>
        %parallel_loop3A_275 = arith.constant 0x4B400000 : f32
        %parallel_loop3A_276 = vector.broadcast %parallel_loop3A_275 : f32 to vector<16xf32>
        %parallel_loop3A_277 = arith.addf %parallel_loop3A_274, %parallel_loop3A_276 : vector<16xf32>
        %parallel_loop3A_278 = arith.constant 0x4B400000 : f32
        %parallel_loop3A_279 = vector.broadcast %parallel_loop3A_278 : f32 to vector<16xf32>
        %parallel_loop3A_280 = arith.subf %parallel_loop3A_277, %parallel_loop3A_279 : vector<16xf32>
        %parallel_loop3A_281 = arith.mulf %parallel_loop3A_280, %get3A_7 : vector<16xf32>
        %parallel_loop3A_282 = arith.constant 4 : i32
        %parallel_loop3A_283 = arith.index_cast %parallel_loop3A_282 : i32 to index
        %parallel_loop3A_284 = arith.index_cast %parallel_loop3A_162 : i32 to index
        %parallel_loop3A_285 = tpu.vector_load %arg10[%parallel_loop3A_283, %parallel_loop3A_284] {strides = array<i32>} : memref<8x1024xf32, #tpu.memory_space<vmem>>, vector<1x16xf32>,
        %parallel_loop3A_286 = vector.shape_cast %parallel_loop3A_285 : vector<1x16xf32> to vector<16xf32>
        %parallel_loop3A_287 = vector.shape_cast %parallel_loop3A_281 : vector<16xf32> to vector<1x16xf32>
        tpu.vector_store %arg10[%parallel_loop3A_283, %parallel_loop3A_284], %parallel_loop3A_287 {strides = array<i32>} : memref<8x1024xf32, #tpu.memory_space<vmem>>, vector<1x16xf32>,
        %parallel_loop3A_288 = arith.constant 5 : i32
        %parallel_loop3A_289 = arith.index_cast %parallel_loop3A_288 : i32 to index
        %parallel_loop3A_290 = arith.index_cast %parallel_loop3A_162 : i32 to index
        %parallel_loop3A_291 = tpu.vector_load %arg6[%parallel_loop3A_289, %parallel_loop3A_290] {strides = array<i32>} : memref<8x1024xf32, #tpu.memory_space<vmem>>, vector<1x16xf32>,
        %parallel_loop3A_292 = vector.shape_cast %parallel_loop3A_291 : vector<1x16xf32> to vector<16xf32>
        %parallel_loop3A_293 = arith.mulf %parallel_loop3A_292, %get3A_4 : vector<16xf32>
        %parallel_loop3A_294 = arith.constant -1.270000e+02 : f32
        %parallel_loop3A_295 = vector.broadcast %parallel_loop3A_294 : f32 to vector<16xf32>
        %parallel_loop3A_296 = arith.maximumf %parallel_loop3A_293, %parallel_loop3A_295 : vector<16xf32>
        %parallel_loop3A_297 = arith.constant 1.270000e+02 : f32
        %parallel_loop3A_298 = vector.broadcast %parallel_loop3A_297 : f32 to vector<16xf32>
        %parallel_loop3A_299 = arith.minimumf %parallel_loop3A_296, %parallel_loop3A_298 : vector<16xf32>
        %parallel_loop3A_300 = arith.constant 0x4B400000 : f32
        %parallel_loop3A_301 = vector.broadcast %parallel_loop3A_300 : f32 to vector<16xf32>
        %parallel_loop3A_302 = arith.addf %parallel_loop3A_299, %parallel_loop3A_301 : vector<16xf32>
        %parallel_loop3A_303 = arith.constant 0x4B400000 : f32
        %parallel_loop3A_304 = vector.broadcast %parallel_loop3A_303 : f32 to vector<16xf32>
        %parallel_loop3A_305 = arith.subf %parallel_loop3A_302, %parallel_loop3A_304 : vector<16xf32>
        %parallel_loop3A_306 = arith.mulf %parallel_loop3A_305, %get3A_7 : vector<16xf32>
        %parallel_loop3A_307 = arith.constant 5 : i32
        %parallel_loop3A_308 = arith.index_cast %parallel_loop3A_307 : i32 to index
        %parallel_loop3A_309 = arith.index_cast %parallel_loop3A_162 : i32 to index
        %parallel_loop3A_310 = tpu.vector_load %arg10[%parallel_loop3A_308, %parallel_loop3A_309] {strides = array<i32>} : memref<8x1024xf32, #tpu.memory_space<vmem>>, vector<1x16xf32>,
        %parallel_loop3A_311 = vector.shape_cast %parallel_loop3A_310 : vector<1x16xf32> to vector<16xf32>
        %parallel_loop3A_312 = vector.shape_cast %parallel_loop3A_306 : vector<16xf32> to vector<1x16xf32>
        tpu.vector_store %arg10[%parallel_loop3A_308, %parallel_loop3A_309], %parallel_loop3A_312 {strides = array<i32>} : memref<8x1024xf32, #tpu.memory_space<vmem>>, vector<1x16xf32>,
        %parallel_loop3A_313 = arith.constant 6 : i32
        %parallel_loop3A_314 = arith.index_cast %parallel_loop3A_313 : i32 to index
        %parallel_loop3A_315 = arith.index_cast %parallel_loop3A_162 : i32 to index
        %parallel_loop3A_316 = tpu.vector_load %arg6[%parallel_loop3A_314, %parallel_loop3A_315] {strides = array<i32>} : memref<8x1024xf32, #tpu.memory_space<vmem>>, vector<1x16xf32>,
        %parallel_loop3A_317 = vector.shape_cast %parallel_loop3A_316 : vector<1x16xf32> to vector<16xf32>
        %parallel_loop3A_318 = arith.mulf %parallel_loop3A_317, %get3A_4 : vector<16xf32>
        %parallel_loop3A_319 = arith.constant -1.270000e+02 : f32
        %parallel_loop3A_320 = vector.broadcast %parallel_loop3A_319 : f32 to vector<16xf32>
        %parallel_loop3A_321 = arith.maximumf %parallel_loop3A_318, %parallel_loop3A_320 : vector<16xf32>
        %parallel_loop3A_322 = arith.constant 1.270000e+02 : f32
        %parallel_loop3A_323 = vector.broadcast %parallel_loop3A_322 : f32 to vector<16xf32>
        %parallel_loop3A_324 = arith.minimumf %parallel_loop3A_321, %parallel_loop3A_323 : vector<16xf32>
        %parallel_loop3A_325 = arith.constant 0x4B400000 : f32
        %parallel_loop3A_326 = vector.broadcast %parallel_loop3A_325 : f32 to vector<16xf32>
        %parallel_loop3A_327 = arith.addf %parallel_loop3A_324, %parallel_loop3A_326 : vector<16xf32>
        %parallel_loop3A_328 = arith.constant 0x4B400000 : f32
        %parallel_loop3A_329 = vector.broadcast %parallel_loop3A_328 : f32 to vector<16xf32>
        %parallel_loop3A_330 = arith.subf %parallel_loop3A_327, %parallel_loop3A_329 : vector<16xf32>
        %parallel_loop3A_331 = arith.mulf %parallel_loop3A_330, %get3A_7 : vector<16xf32>
        %parallel_loop3A_332 = arith.constant 6 : i32
        %parallel_loop3A_333 = arith.index_cast %parallel_loop3A_332 : i32 to index
        %parallel_loop3A_334 = arith.index_cast %parallel_loop3A_162 : i32 to index
        %parallel_loop3A_335 = tpu.vector_load %arg10[%parallel_loop3A_333, %parallel_loop3A_334] {strides = array<i32>} : memref<8x1024xf32, #tpu.memory_space<vmem>>, vector<1x16xf32>,
        %parallel_loop3A_336 = vector.shape_cast %parallel_loop3A_335 : vector<1x16xf32> to vector<16xf32>
        %parallel_loop3A_337 = vector.shape_cast %parallel_loop3A_331 : vector<16xf32> to vector<1x16xf32>
        tpu.vector_store %arg10[%parallel_loop3A_333, %parallel_loop3A_334], %parallel_loop3A_337 {strides = array<i32>} : memref<8x1024xf32, #tpu.memory_space<vmem>>, vector<1x16xf32>,
        %parallel_loop3A_338 = arith.constant 7 : i32
        %parallel_loop3A_339 = arith.index_cast %parallel_loop3A_338 : i32 to index
        %parallel_loop3A_340 = arith.index_cast %parallel_loop3A_162 : i32 to index
        %parallel_loop3A_341 = tpu.vector_load %arg6[%parallel_loop3A_339, %parallel_loop3A_340] {strides = array<i32>} : memref<8x1024xf32, #tpu.memory_space<vmem>>, vector<1x16xf32>,
        %parallel_loop3A_342 = vector.shape_cast %parallel_loop3A_341 : vector<1x16xf32> to vector<16xf32>
        %parallel_loop3A_343 = arith.mulf %parallel_loop3A_342, %get3A_4 : vector<16xf32>
        %parallel_loop3A_344 = arith.constant -1.270000e+02 : f32
        %parallel_loop3A_345 = vector.broadcast %parallel_loop3A_344 : f32 to vector<16xf32>
        %parallel_loop3A_346 = arith.maximumf %parallel_loop3A_343, %parallel_loop3A_345 : vector<16xf32>
        %parallel_loop3A_347 = arith.constant 1.270000e+02 : f32
        %parallel_loop3A_348 = vector.broadcast %parallel_loop3A_347 : f32 to vector<16xf32>
        %parallel_loop3A_349 = arith.minimumf %parallel_loop3A_346, %parallel_loop3A_348 : vector<16xf32>
        %parallel_loop3A_350 = arith.constant 0x4B400000 : f32
        %parallel_loop3A_351 = vector.broadcast %parallel_loop3A_350 : f32 to vector<16xf32>
        %parallel_loop3A_352 = arith.addf %parallel_loop3A_349, %parallel_loop3A_351 : vector<16xf32>
        %parallel_loop3A_353 = arith.constant 0x4B400000 : f32
        %parallel_loop3A_354 = vector.broadcast %parallel_loop3A_353 : f32 to vector<16xf32>
        %parallel_loop3A_355 = arith.subf %parallel_loop3A_352, %parallel_loop3A_354 : vector<16xf32>
        %parallel_loop3A_356 = arith.mulf %parallel_loop3A_355, %get3A_7 : vector<16xf32>
        %parallel_loop3A_357 = arith.constant 7 : i32
        %parallel_loop3A_358 = arith.index_cast %parallel_loop3A_357 : i32 to index
        %parallel_loop3A_359 = arith.index_cast %parallel_loop3A_162 : i32 to index
        %parallel_loop3A_360 = tpu.vector_load %arg10[%parallel_loop3A_358, %parallel_loop3A_359] {strides = array<i32>} : memref<8x1024xf32, #tpu.memory_space<vmem>>, vector<1x16xf32>,
        %parallel_loop3A_361 = vector.shape_cast %parallel_loop3A_360 : vector<1x16xf32> to vector<16xf32>
        %parallel_loop3A_362 = vector.shape_cast %parallel_loop3A_356 : vector<16xf32> to vector<1x16xf32>
        tpu.vector_store %arg10[%parallel_loop3A_358, %parallel_loop3A_359], %parallel_loop3A_362 {strides = array<i32>} : memref<8x1024xf32, #tpu.memory_space<vmem>>, vector<1x16xf32>,
      } {sc.loop_unroll_factor = 2 : i64, sc.parallel_access}
      %mul3A_65 = arith.constant 8 : i32
      %mul3A_66 = arith.muli %add3A_56, %mul3A_65 : i32
      %add3A_67 = arith.addi %mul3A_2, %mul3A_66 : i32
      %dma_start3A_68 = arith.constant 0 : i32
      %dma_start3A_69 = tpu.memref_slice %arg5[%add3A_67, %dma_start3A_68] : memref<8192x1024xf32, #tpu.memory_space<hbm>> -> memref<8x1024xf32, #tpu.memory_space<hbm>>
      %dma_start3A_70 = arith.constant 0 : i32
      %dma_start3A_71 = tpu.memref_slice %arg5[%add3A_67, %dma_start3A_70] : memref<8192x1024xf32, #tpu.memory_space<hbm>> -> memref<8x1024xf32, #tpu.memory_space<hbm>>
      tpu.enqueue_dma source(%arg10 : memref<8x1024xf32, #tpu.memory_space<vmem>>) target(%dma_start3A_71 : memref<8x1024xf32, #tpu.memory_space<hbm>>) target_semaphore(%arg20 : memref<!tpu.dma_semaphore, #tpu.memory_space<semaphore_mem>>)
      %add3A_72 = arith.constant 4 : i32
      %add3A_73 = arith.addi %add3A_56, %add3A_72 : i32
      %lt3A = arith.constant 32 : i32
      %lt3A_74 = arith.cmpi slt, %add3A_73, %lt3A : i32
      %convert_element_type3A_75 = arith.extui %lt3A_74 : i1 to i32
      %cond3A_76 = arith.constant 0 : i32
      %cond3A_77 = arith.cmpi ne, %convert_element_type3A_75, %cond3A_76 : i32
      scf.if %cond3A_77 {
        %add3A_162 = arith.constant 4 : i32
        %add3A_163 = arith.addi %add3A_56, %add3A_162 : i32
        %mul3A_164 = arith.constant 8 : i32
        %mul3A_165 = arith.muli %add3A_163, %mul3A_164 : i32
        %add3A_166 = arith.addi %mul3A_2, %mul3A_165 : i32
        %dma_start3A_167 = arith.constant 0 : i32
        %dma_start3A_168 = tpu.memref_slice %arg2[%add3A_166, %dma_start3A_167] : memref<8192x1024xf32, #tpu.memory_space<hbm>> -> memref<8x1024xf32, #tpu.memory_space<hbm>>
        %dma_start3A_169 = arith.constant 0 : i32
        %dma_start3A_170 = tpu.memref_slice %arg2[%add3A_166, %dma_start3A_169] : memref<8192x1024xf32, #tpu.memory_space<hbm>> -> memref<8x1024xf32, #tpu.memory_space<hbm>>
        tpu.enqueue_dma source(%dma_start3A_170 : memref<8x1024xf32, #tpu.memory_space<hbm>>) target(%arg6 : memref<8x1024xf32, #tpu.memory_space<vmem>>) target_semaphore(%arg16 : memref<!tpu.dma_semaphore, #tpu.memory_space<semaphore_mem>>)
      } else {
      }
      %add3A_78 = arith.constant 1 : i32
      %add3A_79 = arith.addi %add3A_54, %add3A_78 : i32
      %dma_wait3A_80 = arith.constant 0 : i32
      %dma_wait3A_81 = tpu.memref_slice %arg2[%mul3A_2, %dma_wait3A_80] : memref<8192x1024xf32, #tpu.memory_space<hbm>> -> memref<8x1024xf32, #tpu.memory_space<hbm>>
      %dma_wait3A_82 = arith.constant 0 : i32
      %dma_wait3A_83 = tpu.memref_slice %arg2[%mul3A_2, %dma_wait3A_82] : memref<8192x1024xf32, #tpu.memory_space<hbm>> -> memref<8x1024xf32, #tpu.memory_space<hbm>>
      tpu.wait_dma2 semaphore(%arg17 : memref<!tpu.dma_semaphore, #tpu.memory_space<semaphore_mem>>) src(%dma_wait3A_83 : memref<8x1024xf32, #tpu.memory_space<hbm>>) dst(%arg7 : memref<8x1024xf32, #tpu.memory_space<vmem>>)
      %ge3A_84 = arith.constant 4 : i32
      %ge3A_85 = arith.cmpi sge, %add3A_79, %ge3A_84 : i32
      %convert_element_type3A_86 = arith.extui %ge3A_85 : i1 to i32
      %cond3A_87 = arith.constant 0 : i32
      %cond3A_88 = arith.cmpi ne, %convert_element_type3A_86, %cond3A_87 : i32
      scf.if %cond3A_88 {
        %dma_wait3A_162 = arith.constant 0 : i32
        %dma_wait3A_163 = tpu.memref_slice %arg5[%mul3A_2, %dma_wait3A_162] : memref<8192x1024xf32, #tpu.memory_space<hbm>> -> memref<8x1024xf32, #tpu.memory_space<hbm>>
        %dma_wait3A_164 = arith.constant 0 : i32
        %dma_wait3A_165 = tpu.memref_slice %arg5[%mul3A_2, %dma_wait3A_164] : memref<8192x1024xf32, #tpu.memory_space<hbm>> -> memref<8x1024xf32, #tpu.memory_space<hbm>>
        tpu.wait_dma2 semaphore(%arg21 : memref<!tpu.dma_semaphore, #tpu.memory_space<semaphore_mem>>) src(%arg11 : memref<8x1024xf32, #tpu.memory_space<vmem>>) dst(%dma_wait3A_165 : memref<8x1024xf32, #tpu.memory_space<hbm>>)
      } else {
      }
      %parallel_loop3A_89 = arith.constant 0 : i32
      %parallel_loop3A_90 = arith.constant 1024 : i32
      %parallel_loop3A_91 = arith.constant 16 : i32
      scf.for %parallel_loop3A_162 = %parallel_loop3A_89 to %parallel_loop3A_90 step %parallel_loop3A_91  : i32 {
        %parallel_loop3A_163 = arith.constant 0 : i32
        %parallel_loop3A_164 = arith.index_cast %parallel_loop3A_163 : i32 to index
        %parallel_loop3A_165 = arith.index_cast %parallel_loop3A_162 : i32 to index
        %parallel_loop3A_166 = tpu.vector_load %arg7[%parallel_loop3A_164, %parallel_loop3A_165] {strides = array<i32>} : memref<8x1024xf32, #tpu.memory_space<vmem>>, vector<1x16xf32>,
        %parallel_loop3A_167 = vector.shape_cast %parallel_loop3A_166 : vector<1x16xf32> to vector<16xf32>
        %parallel_loop3A_168 = arith.mulf %parallel_loop3A_167, %get3A_4 : vector<16xf32>
        %parallel_loop3A_169 = arith.constant -1.270000e+02 : f32
        %parallel_loop3A_170 = vector.broadcast %parallel_loop3A_169 : f32 to vector<16xf32>
        %parallel_loop3A_171 = arith.maximumf %parallel_loop3A_168, %parallel_loop3A_170 : vector<16xf32>
        %parallel_loop3A_172 = arith.constant 1.270000e+02 : f32
        %parallel_loop3A_173 = vector.broadcast %parallel_loop3A_172 : f32 to vector<16xf32>
        %parallel_loop3A_174 = arith.minimumf %parallel_loop3A_171, %parallel_loop3A_173 : vector<16xf32>
        %parallel_loop3A_175 = arith.constant 0x4B400000 : f32
        %parallel_loop3A_176 = vector.broadcast %parallel_loop3A_175 : f32 to vector<16xf32>
        %parallel_loop3A_177 = arith.addf %parallel_loop3A_174, %parallel_loop3A_176 : vector<16xf32>
        %parallel_loop3A_178 = arith.constant 0x4B400000 : f32
        %parallel_loop3A_179 = vector.broadcast %parallel_loop3A_178 : f32 to vector<16xf32>
        %parallel_loop3A_180 = arith.subf %parallel_loop3A_177, %parallel_loop3A_179 : vector<16xf32>
        %parallel_loop3A_181 = arith.mulf %parallel_loop3A_180, %get3A_7 : vector<16xf32>
        %parallel_loop3A_182 = arith.constant 0 : i32
        %parallel_loop3A_183 = arith.index_cast %parallel_loop3A_182 : i32 to index
        %parallel_loop3A_184 = arith.index_cast %parallel_loop3A_162 : i32 to index
        %parallel_loop3A_185 = tpu.vector_load %arg11[%parallel_loop3A_183, %parallel_loop3A_184] {strides = array<i32>} : memref<8x1024xf32, #tpu.memory_space<vmem>>, vector<1x16xf32>,
        %parallel_loop3A_186 = vector.shape_cast %parallel_loop3A_185 : vector<1x16xf32> to vector<16xf32>
        %parallel_loop3A_187 = vector.shape_cast %parallel_loop3A_181 : vector<16xf32> to vector<1x16xf32>
        tpu.vector_store %arg11[%parallel_loop3A_183, %parallel_loop3A_184], %parallel_loop3A_187 {strides = array<i32>} : memref<8x1024xf32, #tpu.memory_space<vmem>>, vector<1x16xf32>,
        %parallel_loop3A_188 = arith.constant 1 : i32
        %parallel_loop3A_189 = arith.index_cast %parallel_loop3A_188 : i32 to index
        %parallel_loop3A_190 = arith.index_cast %parallel_loop3A_162 : i32 to index
        %parallel_loop3A_191 = tpu.vector_load %arg7[%parallel_loop3A_189, %parallel_loop3A_190] {strides = array<i32>} : memref<8x1024xf32, #tpu.memory_space<vmem>>, vector<1x16xf32>,
        %parallel_loop3A_192 = vector.shape_cast %parallel_loop3A_191 : vector<1x16xf32> to vector<16xf32>
        %parallel_loop3A_193 = arith.mulf %parallel_loop3A_192, %get3A_4 : vector<16xf32>
        %parallel_loop3A_194 = arith.constant -1.270000e+02 : f32
        %parallel_loop3A_195 = vector.broadcast %parallel_loop3A_194 : f32 to vector<16xf32>
        %parallel_loop3A_196 = arith.maximumf %parallel_loop3A_193, %parallel_loop3A_195 : vector<16xf32>
        %parallel_loop3A_197 = arith.constant 1.270000e+02 : f32
        %parallel_loop3A_198 = vector.broadcast %parallel_loop3A_197 : f32 to vector<16xf32>
        %parallel_loop3A_199 = arith.minimumf %parallel_loop3A_196, %parallel_loop3A_198 : vector<16xf32>
        %parallel_loop3A_200 = arith.constant 0x4B400000 : f32
        %parallel_loop3A_201 = vector.broadcast %parallel_loop3A_200 : f32 to vector<16xf32>
        %parallel_loop3A_202 = arith.addf %parallel_loop3A_199, %parallel_loop3A_201 : vector<16xf32>
        %parallel_loop3A_203 = arith.constant 0x4B400000 : f32
        %parallel_loop3A_204 = vector.broadcast %parallel_loop3A_203 : f32 to vector<16xf32>
        %parallel_loop3A_205 = arith.subf %parallel_loop3A_202, %parallel_loop3A_204 : vector<16xf32>
        %parallel_loop3A_206 = arith.mulf %parallel_loop3A_205, %get3A_7 : vector<16xf32>
        %parallel_loop3A_207 = arith.constant 1 : i32
        %parallel_loop3A_208 = arith.index_cast %parallel_loop3A_207 : i32 to index
        %parallel_loop3A_209 = arith.index_cast %parallel_loop3A_162 : i32 to index
        %parallel_loop3A_210 = tpu.vector_load %arg11[%parallel_loop3A_208, %parallel_loop3A_209] {strides = array<i32>} : memref<8x1024xf32, #tpu.memory_space<vmem>>, vector<1x16xf32>,
        %parallel_loop3A_211 = vector.shape_cast %parallel_loop3A_210 : vector<1x16xf32> to vector<16xf32>
        %parallel_loop3A_212 = vector.shape_cast %parallel_loop3A_206 : vector<16xf32> to vector<1x16xf32>
        tpu.vector_store %arg11[%parallel_loop3A_208, %parallel_loop3A_209], %parallel_loop3A_212 {strides = array<i32>} : memref<8x1024xf32, #tpu.memory_space<vmem>>, vector<1x16xf32>,
        %parallel_loop3A_213 = arith.constant 2 : i32
        %parallel_loop3A_214 = arith.index_cast %parallel_loop3A_213 : i32 to index
        %parallel_loop3A_215 = arith.index_cast %parallel_loop3A_162 : i32 to index
        %parallel_loop3A_216 = tpu.vector_load %arg7[%parallel_loop3A_214, %parallel_loop3A_215] {strides = array<i32>} : memref<8x1024xf32, #tpu.memory_space<vmem>>, vector<1x16xf32>,
        %parallel_loop3A_217 = vector.shape_cast %parallel_loop3A_216 : vector<1x16xf32> to vector<16xf32>
        %parallel_loop3A_218 = arith.mulf %parallel_loop3A_217, %get3A_4 : vector<16xf32>
        %parallel_loop3A_219 = arith.constant -1.270000e+02 : f32
        %parallel_loop3A_220 = vector.broadcast %parallel_loop3A_219 : f32 to vector<16xf32>
        %parallel_loop3A_221 = arith.maximumf %parallel_loop3A_218, %parallel_loop3A_220 : vector<16xf32>
        %parallel_loop3A_222 = arith.constant 1.270000e+02 : f32
        %parallel_loop3A_223 = vector.broadcast %parallel_loop3A_222 : f32 to vector<16xf32>
        %parallel_loop3A_224 = arith.minimumf %parallel_loop3A_221, %parallel_loop3A_223 : vector<16xf32>
        %parallel_loop3A_225 = arith.constant 0x4B400000 : f32
        %parallel_loop3A_226 = vector.broadcast %parallel_loop3A_225 : f32 to vector<16xf32>
        %parallel_loop3A_227 = arith.addf %parallel_loop3A_224, %parallel_loop3A_226 : vector<16xf32>
        %parallel_loop3A_228 = arith.constant 0x4B400000 : f32
        %parallel_loop3A_229 = vector.broadcast %parallel_loop3A_228 : f32 to vector<16xf32>
        %parallel_loop3A_230 = arith.subf %parallel_loop3A_227, %parallel_loop3A_229 : vector<16xf32>
        %parallel_loop3A_231 = arith.mulf %parallel_loop3A_230, %get3A_7 : vector<16xf32>
        %parallel_loop3A_232 = arith.constant 2 : i32
        %parallel_loop3A_233 = arith.index_cast %parallel_loop3A_232 : i32 to index
        %parallel_loop3A_234 = arith.index_cast %parallel_loop3A_162 : i32 to index
        %parallel_loop3A_235 = tpu.vector_load %arg11[%parallel_loop3A_233, %parallel_loop3A_234] {strides = array<i32>} : memref<8x1024xf32, #tpu.memory_space<vmem>>, vector<1x16xf32>,
        %parallel_loop3A_236 = vector.shape_cast %parallel_loop3A_235 : vector<1x16xf32> to vector<16xf32>
        %parallel_loop3A_237 = vector.shape_cast %parallel_loop3A_231 : vector<16xf32> to vector<1x16xf32>
        tpu.vector_store %arg11[%parallel_loop3A_233, %parallel_loop3A_234], %parallel_loop3A_237 {strides = array<i32>} : memref<8x1024xf32, #tpu.memory_space<vmem>>, vector<1x16xf32>,
        %parallel_loop3A_238 = arith.constant 3 : i32
        %parallel_loop3A_239 = arith.index_cast %parallel_loop3A_238 : i32 to index
        %parallel_loop3A_240 = arith.index_cast %parallel_loop3A_162 : i32 to index
        %parallel_loop3A_241 = tpu.vector_load %arg7[%parallel_loop3A_239, %parallel_loop3A_240] {strides = array<i32>} : memref<8x1024xf32, #tpu.memory_space<vmem>>, vector<1x16xf32>,
        %parallel_loop3A_242 = vector.shape_cast %parallel_loop3A_241 : vector<1x16xf32> to vector<16xf32>
        %parallel_loop3A_243 = arith.mulf %parallel_loop3A_242, %get3A_4 : vector<16xf32>
        %parallel_loop3A_244 = arith.constant -1.270000e+02 : f32
        %parallel_loop3A_245 = vector.broadcast %parallel_loop3A_244 : f32 to vector<16xf32>
        %parallel_loop3A_246 = arith.maximumf %parallel_loop3A_243, %parallel_loop3A_245 : vector<16xf32>
        %parallel_loop3A_247 = arith.constant 1.270000e+02 : f32
        %parallel_loop3A_248 = vector.broadcast %parallel_loop3A_247 : f32 to vector<16xf32>
        %parallel_loop3A_249 = arith.minimumf %parallel_loop3A_246, %parallel_loop3A_248 : vector<16xf32>
        %parallel_loop3A_250 = arith.constant 0x4B400000 : f32
        %parallel_loop3A_251 = vector.broadcast %parallel_loop3A_250 : f32 to vector<16xf32>
        %parallel_loop3A_252 = arith.addf %parallel_loop3A_249, %parallel_loop3A_251 : vector<16xf32>
        %parallel_loop3A_253 = arith.constant 0x4B400000 : f32
        %parallel_loop3A_254 = vector.broadcast %parallel_loop3A_253 : f32 to vector<16xf32>
        %parallel_loop3A_255 = arith.subf %parallel_loop3A_252, %parallel_loop3A_254 : vector<16xf32>
        %parallel_loop3A_256 = arith.mulf %parallel_loop3A_255, %get3A_7 : vector<16xf32>
        %parallel_loop3A_257 = arith.constant 3 : i32
        %parallel_loop3A_258 = arith.index_cast %parallel_loop3A_257 : i32 to index
        %parallel_loop3A_259 = arith.index_cast %parallel_loop3A_162 : i32 to index
        %parallel_loop3A_260 = tpu.vector_load %arg11[%parallel_loop3A_258, %parallel_loop3A_259] {strides = array<i32>} : memref<8x1024xf32, #tpu.memory_space<vmem>>, vector<1x16xf32>,
        %parallel_loop3A_261 = vector.shape_cast %parallel_loop3A_260 : vector<1x16xf32> to vector<16xf32>
        %parallel_loop3A_262 = vector.shape_cast %parallel_loop3A_256 : vector<16xf32> to vector<1x16xf32>
        tpu.vector_store %arg11[%parallel_loop3A_258, %parallel_loop3A_259], %parallel_loop3A_262 {strides = array<i32>} : memref<8x1024xf32, #tpu.memory_space<vmem>>, vector<1x16xf32>,
        %parallel_loop3A_263 = arith.constant 4 : i32
        %parallel_loop3A_264 = arith.index_cast %parallel_loop3A_263 : i32 to index
        %parallel_loop3A_265 = arith.index_cast %parallel_loop3A_162 : i32 to index
        %parallel_loop3A_266 = tpu.vector_load %arg7[%parallel_loop3A_264, %parallel_loop3A_265] {strides = array<i32>} : memref<8x1024xf32, #tpu.memory_space<vmem>>, vector<1x16xf32>,
        %parallel_loop3A_267 = vector.shape_cast %parallel_loop3A_266 : vector<1x16xf32> to vector<16xf32>
        %parallel_loop3A_268 = arith.mulf %parallel_loop3A_267, %get3A_4 : vector<16xf32>
        %parallel_loop3A_269 = arith.constant -1.270000e+02 : f32
        %parallel_loop3A_270 = vector.broadcast %parallel_loop3A_269 : f32 to vector<16xf32>
        %parallel_loop3A_271 = arith.maximumf %parallel_loop3A_268, %parallel_loop3A_270 : vector<16xf32>
        %parallel_loop3A_272 = arith.constant 1.270000e+02 : f32
        %parallel_loop3A_273 = vector.broadcast %parallel_loop3A_272 : f32 to vector<16xf32>
        %parallel_loop3A_274 = arith.minimumf %parallel_loop3A_271, %parallel_loop3A_273 : vector<16xf32>
        %parallel_loop3A_275 = arith.constant 0x4B400000 : f32
        %parallel_loop3A_276 = vector.broadcast %parallel_loop3A_275 : f32 to vector<16xf32>
        %parallel_loop3A_277 = arith.addf %parallel_loop3A_274, %parallel_loop3A_276 : vector<16xf32>
        %parallel_loop3A_278 = arith.constant 0x4B400000 : f32
        %parallel_loop3A_279 = vector.broadcast %parallel_loop3A_278 : f32 to vector<16xf32>
        %parallel_loop3A_280 = arith.subf %parallel_loop3A_277, %parallel_loop3A_279 : vector<16xf32>
        %parallel_loop3A_281 = arith.mulf %parallel_loop3A_280, %get3A_7 : vector<16xf32>
        %parallel_loop3A_282 = arith.constant 4 : i32
        %parallel_loop3A_283 = arith.index_cast %parallel_loop3A_282 : i32 to index
        %parallel_loop3A_284 = arith.index_cast %parallel_loop3A_162 : i32 to index
        %parallel_loop3A_285 = tpu.vector_load %arg11[%parallel_loop3A_283, %parallel_loop3A_284] {strides = array<i32>} : memref<8x1024xf32, #tpu.memory_space<vmem>>, vector<1x16xf32>,
        %parallel_loop3A_286 = vector.shape_cast %parallel_loop3A_285 : vector<1x16xf32> to vector<16xf32>
        %parallel_loop3A_287 = vector.shape_cast %parallel_loop3A_281 : vector<16xf32> to vector<1x16xf32>
        tpu.vector_store %arg11[%parallel_loop3A_283, %parallel_loop3A_284], %parallel_loop3A_287 {strides = array<i32>} : memref<8x1024xf32, #tpu.memory_space<vmem>>, vector<1x16xf32>,
        %parallel_loop3A_288 = arith.constant 5 : i32
        %parallel_loop3A_289 = arith.index_cast %parallel_loop3A_288 : i32 to index
        %parallel_loop3A_290 = arith.index_cast %parallel_loop3A_162 : i32 to index
        %parallel_loop3A_291 = tpu.vector_load %arg7[%parallel_loop3A_289, %parallel_loop3A_290] {strides = array<i32>} : memref<8x1024xf32, #tpu.memory_space<vmem>>, vector<1x16xf32>,
        %parallel_loop3A_292 = vector.shape_cast %parallel_loop3A_291 : vector<1x16xf32> to vector<16xf32>
        %parallel_loop3A_293 = arith.mulf %parallel_loop3A_292, %get3A_4 : vector<16xf32>
        %parallel_loop3A_294 = arith.constant -1.270000e+02 : f32
        %parallel_loop3A_295 = vector.broadcast %parallel_loop3A_294 : f32 to vector<16xf32>
        %parallel_loop3A_296 = arith.maximumf %parallel_loop3A_293, %parallel_loop3A_295 : vector<16xf32>
        %parallel_loop3A_297 = arith.constant 1.270000e+02 : f32
        %parallel_loop3A_298 = vector.broadcast %parallel_loop3A_297 : f32 to vector<16xf32>
        %parallel_loop3A_299 = arith.minimumf %parallel_loop3A_296, %parallel_loop3A_298 : vector<16xf32>
        %parallel_loop3A_300 = arith.constant 0x4B400000 : f32
        %parallel_loop3A_301 = vector.broadcast %parallel_loop3A_300 : f32 to vector<16xf32>
        %parallel_loop3A_302 = arith.addf %parallel_loop3A_299, %parallel_loop3A_301 : vector<16xf32>
        %parallel_loop3A_303 = arith.constant 0x4B400000 : f32
        %parallel_loop3A_304 = vector.broadcast %parallel_loop3A_303 : f32 to vector<16xf32>
        %parallel_loop3A_305 = arith.subf %parallel_loop3A_302, %parallel_loop3A_304 : vector<16xf32>
        %parallel_loop3A_306 = arith.mulf %parallel_loop3A_305, %get3A_7 : vector<16xf32>
        %parallel_loop3A_307 = arith.constant 5 : i32
        %parallel_loop3A_308 = arith.index_cast %parallel_loop3A_307 : i32 to index
        %parallel_loop3A_309 = arith.index_cast %parallel_loop3A_162 : i32 to index
        %parallel_loop3A_310 = tpu.vector_load %arg11[%parallel_loop3A_308, %parallel_loop3A_309] {strides = array<i32>} : memref<8x1024xf32, #tpu.memory_space<vmem>>, vector<1x16xf32>,
        %parallel_loop3A_311 = vector.shape_cast %parallel_loop3A_310 : vector<1x16xf32> to vector<16xf32>
        %parallel_loop3A_312 = vector.shape_cast %parallel_loop3A_306 : vector<16xf32> to vector<1x16xf32>
        tpu.vector_store %arg11[%parallel_loop3A_308, %parallel_loop3A_309], %parallel_loop3A_312 {strides = array<i32>} : memref<8x1024xf32, #tpu.memory_space<vmem>>, vector<1x16xf32>,
        %parallel_loop3A_313 = arith.constant 6 : i32
        %parallel_loop3A_314 = arith.index_cast %parallel_loop3A_313 : i32 to index
        %parallel_loop3A_315 = arith.index_cast %parallel_loop3A_162 : i32 to index
        %parallel_loop3A_316 = tpu.vector_load %arg7[%parallel_loop3A_314, %parallel_loop3A_315] {strides = array<i32>} : memref<8x1024xf32, #tpu.memory_space<vmem>>, vector<1x16xf32>,
        %parallel_loop3A_317 = vector.shape_cast %parallel_loop3A_316 : vector<1x16xf32> to vector<16xf32>
        %parallel_loop3A_318 = arith.mulf %parallel_loop3A_317, %get3A_4 : vector<16xf32>
        %parallel_loop3A_319 = arith.constant -1.270000e+02 : f32
        %parallel_loop3A_320 = vector.broadcast %parallel_loop3A_319 : f32 to vector<16xf32>
        %parallel_loop3A_321 = arith.maximumf %parallel_loop3A_318, %parallel_loop3A_320 : vector<16xf32>
        %parallel_loop3A_322 = arith.constant 1.270000e+02 : f32
        %parallel_loop3A_323 = vector.broadcast %parallel_loop3A_322 : f32 to vector<16xf32>
        %parallel_loop3A_324 = arith.minimumf %parallel_loop3A_321, %parallel_loop3A_323 : vector<16xf32>
        %parallel_loop3A_325 = arith.constant 0x4B400000 : f32
        %parallel_loop3A_326 = vector.broadcast %parallel_loop3A_325 : f32 to vector<16xf32>
        %parallel_loop3A_327 = arith.addf %parallel_loop3A_324, %parallel_loop3A_326 : vector<16xf32>
        %parallel_loop3A_328 = arith.constant 0x4B400000 : f32
        %parallel_loop3A_329 = vector.broadcast %parallel_loop3A_328 : f32 to vector<16xf32>
        %parallel_loop3A_330 = arith.subf %parallel_loop3A_327, %parallel_loop3A_329 : vector<16xf32>
        %parallel_loop3A_331 = arith.mulf %parallel_loop3A_330, %get3A_7 : vector<16xf32>
        %parallel_loop3A_332 = arith.constant 6 : i32
        %parallel_loop3A_333 = arith.index_cast %parallel_loop3A_332 : i32 to index
        %parallel_loop3A_334 = arith.index_cast %parallel_loop3A_162 : i32 to index
        %parallel_loop3A_335 = tpu.vector_load %arg11[%parallel_loop3A_333, %parallel_loop3A_334] {strides = array<i32>} : memref<8x1024xf32, #tpu.memory_space<vmem>>, vector<1x16xf32>,
        %parallel_loop3A_336 = vector.shape_cast %parallel_loop3A_335 : vector<1x16xf32> to vector<16xf32>
        %parallel_loop3A_337 = vector.shape_cast %parallel_loop3A_331 : vector<16xf32> to vector<1x16xf32>
        tpu.vector_store %arg11[%parallel_loop3A_333, %parallel_loop3A_334], %parallel_loop3A_337 {strides = array<i32>} : memref<8x1024xf32, #tpu.memory_space<vmem>>, vector<1x16xf32>,
        %parallel_loop3A_338 = arith.constant 7 : i32
        %parallel_loop3A_339 = arith.index_cast %parallel_loop3A_338 : i32 to index
        %parallel_loop3A_340 = arith.index_cast %parallel_loop3A_162 : i32 to index
        %parallel_loop3A_341 = tpu.vector_load %arg7[%parallel_loop3A_339, %parallel_loop3A_340] {strides = array<i32>} : memref<8x1024xf32, #tpu.memory_space<vmem>>, vector<1x16xf32>,
        %parallel_loop3A_342 = vector.shape_cast %parallel_loop3A_341 : vector<1x16xf32> to vector<16xf32>
        %parallel_loop3A_343 = arith.mulf %parallel_loop3A_342, %get3A_4 : vector<16xf32>
        %parallel_loop3A_344 = arith.constant -1.270000e+02 : f32
        %parallel_loop3A_345 = vector.broadcast %parallel_loop3A_344 : f32 to vector<16xf32>
        %parallel_loop3A_346 = arith.maximumf %parallel_loop3A_343, %parallel_loop3A_345 : vector<16xf32>
        %parallel_loop3A_347 = arith.constant 1.270000e+02 : f32
        %parallel_loop3A_348 = vector.broadcast %parallel_loop3A_347 : f32 to vector<16xf32>
        %parallel_loop3A_349 = arith.minimumf %parallel_loop3A_346, %parallel_loop3A_348 : vector<16xf32>
        %parallel_loop3A_350 = arith.constant 0x4B400000 : f32
        %parallel_loop3A_351 = vector.broadcast %parallel_loop3A_350 : f32 to vector<16xf32>
        %parallel_loop3A_352 = arith.addf %parallel_loop3A_349, %parallel_loop3A_351 : vector<16xf32>
        %parallel_loop3A_353 = arith.constant 0x4B400000 : f32
        %parallel_loop3A_354 = vector.broadcast %parallel_loop3A_353 : f32 to vector<16xf32>
        %parallel_loop3A_355 = arith.subf %parallel_loop3A_352, %parallel_loop3A_354 : vector<16xf32>
        %parallel_loop3A_356 = arith.mulf %parallel_loop3A_355, %get3A_7 : vector<16xf32>
        %parallel_loop3A_357 = arith.constant 7 : i32
        %parallel_loop3A_358 = arith.index_cast %parallel_loop3A_357 : i32 to index
        %parallel_loop3A_359 = arith.index_cast %parallel_loop3A_162 : i32 to index
        %parallel_loop3A_360 = tpu.vector_load %arg11[%parallel_loop3A_358, %parallel_loop3A_359] {strides = array<i32>} : memref<8x1024xf32, #tpu.memory_space<vmem>>, vector<1x16xf32>,
        %parallel_loop3A_361 = vector.shape_cast %parallel_loop3A_360 : vector<1x16xf32> to vector<16xf32>
        %parallel_loop3A_362 = vector.shape_cast %parallel_loop3A_356 : vector<16xf32> to vector<1x16xf32>
        tpu.vector_store %arg11[%parallel_loop3A_358, %parallel_loop3A_359], %parallel_loop3A_362 {strides = array<i32>} : memref<8x1024xf32, #tpu.memory_space<vmem>>, vector<1x16xf32>,
      } {sc.loop_unroll_factor = 2 : i64, sc.parallel_access}
      %mul3A_92 = arith.constant 8 : i32
      %mul3A_93 = arith.muli %add3A_79, %mul3A_92 : i32
      %add3A_94 = arith.addi %mul3A_2, %mul3A_93 : i32
      %dma_start3A_95 = arith.constant 0 : i32
      %dma_start3A_96 = tpu.memref_slice %arg5[%add3A_94, %dma_start3A_95] : memref<8192x1024xf32, #tpu.memory_space<hbm>> -> memref<8x1024xf32, #tpu.memory_space<hbm>>
      %dma_start3A_97 = arith.constant 0 : i32
      %dma_start3A_98 = tpu.memref_slice %arg5[%add3A_94, %dma_start3A_97] : memref<8192x1024xf32, #tpu.memory_space<hbm>> -> memref<8x1024xf32, #tpu.memory_space<hbm>>
      tpu.enqueue_dma source(%arg11 : memref<8x1024xf32, #tpu.memory_space<vmem>>) target(%dma_start3A_98 : memref<8x1024xf32, #tpu.memory_space<hbm>>) target_semaphore(%arg21 : memref<!tpu.dma_semaphore, #tpu.memory_space<semaphore_mem>>)
      %add3A_99 = arith.constant 4 : i32
      %add3A_100 = arith.addi %add3A_79, %add3A_99 : i32
      %lt3A_101 = arith.constant 32 : i32
      %lt3A_102 = arith.cmpi slt, %add3A_100, %lt3A_101 : i32
      %convert_element_type3A_103 = arith.extui %lt3A_102 : i1 to i32
      %cond3A_104 = arith.constant 0 : i32
      %cond3A_105 = arith.cmpi ne, %convert_element_type3A_103, %cond3A_104 : i32
      scf.if %cond3A_105 {
        %add3A_162 = arith.constant 4 : i32
        %add3A_163 = arith.addi %add3A_79, %add3A_162 : i32
        %mul3A_164 = arith.constant 8 : i32
        %mul3A_165 = arith.muli %add3A_163, %mul3A_164 : i32
        %add3A_166 = arith.addi %mul3A_2, %mul3A_165 : i32
        %dma_start3A_167 = arith.constant 0 : i32
        %dma_start3A_168 = tpu.memref_slice %arg2[%add3A_166, %dma_start3A_167] : memref<8192x1024xf32, #tpu.memory_space<hbm>> -> memref<8x1024xf32, #tpu.memory_space<hbm>>
        %dma_start3A_169 = arith.constant 0 : i32
        %dma_start3A_170 = tpu.memref_slice %arg2[%add3A_166, %dma_start3A_169] : memref<8192x1024xf32, #tpu.memory_space<hbm>> -> memref<8x1024xf32, #tpu.memory_space<hbm>>
        tpu.enqueue_dma source(%dma_start3A_170 : memref<8x1024xf32, #tpu.memory_space<hbm>>) target(%arg7 : memref<8x1024xf32, #tpu.memory_space<vmem>>) target_semaphore(%arg17 : memref<!tpu.dma_semaphore, #tpu.memory_space<semaphore_mem>>)
      } else {
      }
      %add3A_106 = arith.constant 2 : i32
      %add3A_107 = arith.addi %add3A_54, %add3A_106 : i32
      %dma_wait3A_108 = arith.constant 0 : i32
      %dma_wait3A_109 = tpu.memref_slice %arg2[%mul3A_2, %dma_wait3A_108] : memref<8192x1024xf32, #tpu.memory_space<hbm>> -> memref<8x1024xf32, #tpu.memory_space<hbm>>
      %dma_wait3A_110 = arith.constant 0 : i32
      %dma_wait3A_111 = tpu.memref_slice %arg2[%mul3A_2, %dma_wait3A_110] : memref<8192x1024xf32, #tpu.memory_space<hbm>> -> memref<8x1024xf32, #tpu.memory_space<hbm>>
      tpu.wait_dma2 semaphore(%arg18 : memref<!tpu.dma_semaphore, #tpu.memory_space<semaphore_mem>>) src(%dma_wait3A_111 : memref<8x1024xf32, #tpu.memory_space<hbm>>) dst(%arg8 : memref<8x1024xf32, #tpu.memory_space<vmem>>)
      %ge3A_112 = arith.constant 4 : i32
      %ge3A_113 = arith.cmpi sge, %add3A_107, %ge3A_112 : i32
      %convert_element_type3A_114 = arith.extui %ge3A_113 : i1 to i32
      %cond3A_115 = arith.constant 0 : i32
      %cond3A_116 = arith.cmpi ne, %convert_element_type3A_114, %cond3A_115 : i32
      scf.if %cond3A_116 {
        %dma_wait3A_162 = arith.constant 0 : i32
        %dma_wait3A_163 = tpu.memref_slice %arg5[%mul3A_2, %dma_wait3A_162] : memref<8192x1024xf32, #tpu.memory_space<hbm>> -> memref<8x1024xf32, #tpu.memory_space<hbm>>
        %dma_wait3A_164 = arith.constant 0 : i32
        %dma_wait3A_165 = tpu.memref_slice %arg5[%mul3A_2, %dma_wait3A_164] : memref<8192x1024xf32, #tpu.memory_space<hbm>> -> memref<8x1024xf32, #tpu.memory_space<hbm>>
        tpu.wait_dma2 semaphore(%arg22 : memref<!tpu.dma_semaphore, #tpu.memory_space<semaphore_mem>>) src(%arg12 : memref<8x1024xf32, #tpu.memory_space<vmem>>) dst(%dma_wait3A_165 : memref<8x1024xf32, #tpu.memory_space<hbm>>)
      } else {
      }
      %parallel_loop3A_117 = arith.constant 0 : i32
      %parallel_loop3A_118 = arith.constant 1024 : i32
      %parallel_loop3A_119 = arith.constant 16 : i32
      scf.for %parallel_loop3A_162 = %parallel_loop3A_117 to %parallel_loop3A_118 step %parallel_loop3A_119  : i32 {
        %parallel_loop3A_163 = arith.constant 0 : i32
        %parallel_loop3A_164 = arith.index_cast %parallel_loop3A_163 : i32 to index
        %parallel_loop3A_165 = arith.index_cast %parallel_loop3A_162 : i32 to index
        %parallel_loop3A_166 = tpu.vector_load %arg8[%parallel_loop3A_164, %parallel_loop3A_165] {strides = array<i32>} : memref<8x1024xf32, #tpu.memory_space<vmem>>, vector<1x16xf32>,
        %parallel_loop3A_167 = vector.shape_cast %parallel_loop3A_166 : vector<1x16xf32> to vector<16xf32>
        %parallel_loop3A_168 = arith.mulf %parallel_loop3A_167, %get3A_4 : vector<16xf32>
        %parallel_loop3A_169 = arith.constant -1.270000e+02 : f32
        %parallel_loop3A_170 = vector.broadcast %parallel_loop3A_169 : f32 to vector<16xf32>
        %parallel_loop3A_171 = arith.maximumf %parallel_loop3A_168, %parallel_loop3A_170 : vector<16xf32>
        %parallel_loop3A_172 = arith.constant 1.270000e+02 : f32
        %parallel_loop3A_173 = vector.broadcast %parallel_loop3A_172 : f32 to vector<16xf32>
        %parallel_loop3A_174 = arith.minimumf %parallel_loop3A_171, %parallel_loop3A_173 : vector<16xf32>
        %parallel_loop3A_175 = arith.constant 0x4B400000 : f32
        %parallel_loop3A_176 = vector.broadcast %parallel_loop3A_175 : f32 to vector<16xf32>
        %parallel_loop3A_177 = arith.addf %parallel_loop3A_174, %parallel_loop3A_176 : vector<16xf32>
        %parallel_loop3A_178 = arith.constant 0x4B400000 : f32
        %parallel_loop3A_179 = vector.broadcast %parallel_loop3A_178 : f32 to vector<16xf32>
        %parallel_loop3A_180 = arith.subf %parallel_loop3A_177, %parallel_loop3A_179 : vector<16xf32>
        %parallel_loop3A_181 = arith.mulf %parallel_loop3A_180, %get3A_7 : vector<16xf32>
        %parallel_loop3A_182 = arith.constant 0 : i32
        %parallel_loop3A_183 = arith.index_cast %parallel_loop3A_182 : i32 to index
        %parallel_loop3A_184 = arith.index_cast %parallel_loop3A_162 : i32 to index
        %parallel_loop3A_185 = tpu.vector_load %arg12[%parallel_loop3A_183, %parallel_loop3A_184] {strides = array<i32>} : memref<8x1024xf32, #tpu.memory_space<vmem>>, vector<1x16xf32>,
        %parallel_loop3A_186 = vector.shape_cast %parallel_loop3A_185 : vector<1x16xf32> to vector<16xf32>
        %parallel_loop3A_187 = vector.shape_cast %parallel_loop3A_181 : vector<16xf32> to vector<1x16xf32>
        tpu.vector_store %arg12[%parallel_loop3A_183, %parallel_loop3A_184], %parallel_loop3A_187 {strides = array<i32>} : memref<8x1024xf32, #tpu.memory_space<vmem>>, vector<1x16xf32>,
        %parallel_loop3A_188 = arith.constant 1 : i32
        %parallel_loop3A_189 = arith.index_cast %parallel_loop3A_188 : i32 to index
        %parallel_loop3A_190 = arith.index_cast %parallel_loop3A_162 : i32 to index
        %parallel_loop3A_191 = tpu.vector_load %arg8[%parallel_loop3A_189, %parallel_loop3A_190] {strides = array<i32>} : memref<8x1024xf32, #tpu.memory_space<vmem>>, vector<1x16xf32>,
        %parallel_loop3A_192 = vector.shape_cast %parallel_loop3A_191 : vector<1x16xf32> to vector<16xf32>
        %parallel_loop3A_193 = arith.mulf %parallel_loop3A_192, %get3A_4 : vector<16xf32>
        %parallel_loop3A_194 = arith.constant -1.270000e+02 : f32
        %parallel_loop3A_195 = vector.broadcast %parallel_loop3A_194 : f32 to vector<16xf32>
        %parallel_loop3A_196 = arith.maximumf %parallel_loop3A_193, %parallel_loop3A_195 : vector<16xf32>
        %parallel_loop3A_197 = arith.constant 1.270000e+02 : f32
        %parallel_loop3A_198 = vector.broadcast %parallel_loop3A_197 : f32 to vector<16xf32>
        %parallel_loop3A_199 = arith.minimumf %parallel_loop3A_196, %parallel_loop3A_198 : vector<16xf32>
        %parallel_loop3A_200 = arith.constant 0x4B400000 : f32
        %parallel_loop3A_201 = vector.broadcast %parallel_loop3A_200 : f32 to vector<16xf32>
        %parallel_loop3A_202 = arith.addf %parallel_loop3A_199, %parallel_loop3A_201 : vector<16xf32>
        %parallel_loop3A_203 = arith.constant 0x4B400000 : f32
        %parallel_loop3A_204 = vector.broadcast %parallel_loop3A_203 : f32 to vector<16xf32>
        %parallel_loop3A_205 = arith.subf %parallel_loop3A_202, %parallel_loop3A_204 : vector<16xf32>
        %parallel_loop3A_206 = arith.mulf %parallel_loop3A_205, %get3A_7 : vector<16xf32>
        %parallel_loop3A_207 = arith.constant 1 : i32
        %parallel_loop3A_208 = arith.index_cast %parallel_loop3A_207 : i32 to index
        %parallel_loop3A_209 = arith.index_cast %parallel_loop3A_162 : i32 to index
        %parallel_loop3A_210 = tpu.vector_load %arg12[%parallel_loop3A_208, %parallel_loop3A_209] {strides = array<i32>} : memref<8x1024xf32, #tpu.memory_space<vmem>>, vector<1x16xf32>,
        %parallel_loop3A_211 = vector.shape_cast %parallel_loop3A_210 : vector<1x16xf32> to vector<16xf32>
        %parallel_loop3A_212 = vector.shape_cast %parallel_loop3A_206 : vector<16xf32> to vector<1x16xf32>
        tpu.vector_store %arg12[%parallel_loop3A_208, %parallel_loop3A_209], %parallel_loop3A_212 {strides = array<i32>} : memref<8x1024xf32, #tpu.memory_space<vmem>>, vector<1x16xf32>,
        %parallel_loop3A_213 = arith.constant 2 : i32
        %parallel_loop3A_214 = arith.index_cast %parallel_loop3A_213 : i32 to index
        %parallel_loop3A_215 = arith.index_cast %parallel_loop3A_162 : i32 to index
        %parallel_loop3A_216 = tpu.vector_load %arg8[%parallel_loop3A_214, %parallel_loop3A_215] {strides = array<i32>} : memref<8x1024xf32, #tpu.memory_space<vmem>>, vector<1x16xf32>,
        %parallel_loop3A_217 = vector.shape_cast %parallel_loop3A_216 : vector<1x16xf32> to vector<16xf32>
        %parallel_loop3A_218 = arith.mulf %parallel_loop3A_217, %get3A_4 : vector<16xf32>
        %parallel_loop3A_219 = arith.constant -1.270000e+02 : f32
        %parallel_loop3A_220 = vector.broadcast %parallel_loop3A_219 : f32 to vector<16xf32>
        %parallel_loop3A_221 = arith.maximumf %parallel_loop3A_218, %parallel_loop3A_220 : vector<16xf32>
        %parallel_loop3A_222 = arith.constant 1.270000e+02 : f32
        %parallel_loop3A_223 = vector.broadcast %parallel_loop3A_222 : f32 to vector<16xf32>
        %parallel_loop3A_224 = arith.minimumf %parallel_loop3A_221, %parallel_loop3A_223 : vector<16xf32>
        %parallel_loop3A_225 = arith.constant 0x4B400000 : f32
        %parallel_loop3A_226 = vector.broadcast %parallel_loop3A_225 : f32 to vector<16xf32>
        %parallel_loop3A_227 = arith.addf %parallel_loop3A_224, %parallel_loop3A_226 : vector<16xf32>
        %parallel_loop3A_228 = arith.constant 0x4B400000 : f32
        %parallel_loop3A_229 = vector.broadcast %parallel_loop3A_228 : f32 to vector<16xf32>
        %parallel_loop3A_230 = arith.subf %parallel_loop3A_227, %parallel_loop3A_229 : vector<16xf32>
        %parallel_loop3A_231 = arith.mulf %parallel_loop3A_230, %get3A_7 : vector<16xf32>
        %parallel_loop3A_232 = arith.constant 2 : i32
        %parallel_loop3A_233 = arith.index_cast %parallel_loop3A_232 : i32 to index
        %parallel_loop3A_234 = arith.index_cast %parallel_loop3A_162 : i32 to index
        %parallel_loop3A_235 = tpu.vector_load %arg12[%parallel_loop3A_233, %parallel_loop3A_234] {strides = array<i32>} : memref<8x1024xf32, #tpu.memory_space<vmem>>, vector<1x16xf32>,
        %parallel_loop3A_236 = vector.shape_cast %parallel_loop3A_235 : vector<1x16xf32> to vector<16xf32>
        %parallel_loop3A_237 = vector.shape_cast %parallel_loop3A_231 : vector<16xf32> to vector<1x16xf32>
        tpu.vector_store %arg12[%parallel_loop3A_233, %parallel_loop3A_234], %parallel_loop3A_237 {strides = array<i32>} : memref<8x1024xf32, #tpu.memory_space<vmem>>, vector<1x16xf32>,
        %parallel_loop3A_238 = arith.constant 3 : i32
        %parallel_loop3A_239 = arith.index_cast %parallel_loop3A_238 : i32 to index
        %parallel_loop3A_240 = arith.index_cast %parallel_loop3A_162 : i32 to index
        %parallel_loop3A_241 = tpu.vector_load %arg8[%parallel_loop3A_239, %parallel_loop3A_240] {strides = array<i32>} : memref<8x1024xf32, #tpu.memory_space<vmem>>, vector<1x16xf32>,
        %parallel_loop3A_242 = vector.shape_cast %parallel_loop3A_241 : vector<1x16xf32> to vector<16xf32>
        %parallel_loop3A_243 = arith.mulf %parallel_loop3A_242, %get3A_4 : vector<16xf32>
        %parallel_loop3A_244 = arith.constant -1.270000e+02 : f32
        %parallel_loop3A_245 = vector.broadcast %parallel_loop3A_244 : f32 to vector<16xf32>
        %parallel_loop3A_246 = arith.maximumf %parallel_loop3A_243, %parallel_loop3A_245 : vector<16xf32>
        %parallel_loop3A_247 = arith.constant 1.270000e+02 : f32
        %parallel_loop3A_248 = vector.broadcast %parallel_loop3A_247 : f32 to vector<16xf32>
        %parallel_loop3A_249 = arith.minimumf %parallel_loop3A_246, %parallel_loop3A_248 : vector<16xf32>
        %parallel_loop3A_250 = arith.constant 0x4B400000 : f32
        %parallel_loop3A_251 = vector.broadcast %parallel_loop3A_250 : f32 to vector<16xf32>
        %parallel_loop3A_252 = arith.addf %parallel_loop3A_249, %parallel_loop3A_251 : vector<16xf32>
        %parallel_loop3A_253 = arith.constant 0x4B400000 : f32
        %parallel_loop3A_254 = vector.broadcast %parallel_loop3A_253 : f32 to vector<16xf32>
        %parallel_loop3A_255 = arith.subf %parallel_loop3A_252, %parallel_loop3A_254 : vector<16xf32>
        %parallel_loop3A_256 = arith.mulf %parallel_loop3A_255, %get3A_7 : vector<16xf32>
        %parallel_loop3A_257 = arith.constant 3 : i32
        %parallel_loop3A_258 = arith.index_cast %parallel_loop3A_257 : i32 to index
        %parallel_loop3A_259 = arith.index_cast %parallel_loop3A_162 : i32 to index
        %parallel_loop3A_260 = tpu.vector_load %arg12[%parallel_loop3A_258, %parallel_loop3A_259] {strides = array<i32>} : memref<8x1024xf32, #tpu.memory_space<vmem>>, vector<1x16xf32>,
        %parallel_loop3A_261 = vector.shape_cast %parallel_loop3A_260 : vector<1x16xf32> to vector<16xf32>
        %parallel_loop3A_262 = vector.shape_cast %parallel_loop3A_256 : vector<16xf32> to vector<1x16xf32>
        tpu.vector_store %arg12[%parallel_loop3A_258, %parallel_loop3A_259], %parallel_loop3A_262 {strides = array<i32>} : memref<8x1024xf32, #tpu.memory_space<vmem>>, vector<1x16xf32>,
        %parallel_loop3A_263 = arith.constant 4 : i32
        %parallel_loop3A_264 = arith.index_cast %parallel_loop3A_263 : i32 to index
        %parallel_loop3A_265 = arith.index_cast %parallel_loop3A_162 : i32 to index
        %parallel_loop3A_266 = tpu.vector_load %arg8[%parallel_loop3A_264, %parallel_loop3A_265] {strides = array<i32>} : memref<8x1024xf32, #tpu.memory_space<vmem>>, vector<1x16xf32>,
        %parallel_loop3A_267 = vector.shape_cast %parallel_loop3A_266 : vector<1x16xf32> to vector<16xf32>
        %parallel_loop3A_268 = arith.mulf %parallel_loop3A_267, %get3A_4 : vector<16xf32>
        %parallel_loop3A_269 = arith.constant -1.270000e+02 : f32
        %parallel_loop3A_270 = vector.broadcast %parallel_loop3A_269 : f32 to vector<16xf32>
        %parallel_loop3A_271 = arith.maximumf %parallel_loop3A_268, %parallel_loop3A_270 : vector<16xf32>
        %parallel_loop3A_272 = arith.constant 1.270000e+02 : f32
        %parallel_loop3A_273 = vector.broadcast %parallel_loop3A_272 : f32 to vector<16xf32>
        %parallel_loop3A_274 = arith.minimumf %parallel_loop3A_271, %parallel_loop3A_273 : vector<16xf32>
        %parallel_loop3A_275 = arith.constant 0x4B400000 : f32
        %parallel_loop3A_276 = vector.broadcast %parallel_loop3A_275 : f32 to vector<16xf32>
        %parallel_loop3A_277 = arith.addf %parallel_loop3A_274, %parallel_loop3A_276 : vector<16xf32>
        %parallel_loop3A_278 = arith.constant 0x4B400000 : f32
        %parallel_loop3A_279 = vector.broadcast %parallel_loop3A_278 : f32 to vector<16xf32>
        %parallel_loop3A_280 = arith.subf %parallel_loop3A_277, %parallel_loop3A_279 : vector<16xf32>
        %parallel_loop3A_281 = arith.mulf %parallel_loop3A_280, %get3A_7 : vector<16xf32>
        %parallel_loop3A_282 = arith.constant 4 : i32
        %parallel_loop3A_283 = arith.index_cast %parallel_loop3A_282 : i32 to index
        %parallel_loop3A_284 = arith.index_cast %parallel_loop3A_162 : i32 to index
        %parallel_loop3A_285 = tpu.vector_load %arg12[%parallel_loop3A_283, %parallel_loop3A_284] {strides = array<i32>} : memref<8x1024xf32, #tpu.memory_space<vmem>>, vector<1x16xf32>,
        %parallel_loop3A_286 = vector.shape_cast %parallel_loop3A_285 : vector<1x16xf32> to vector<16xf32>
        %parallel_loop3A_287 = vector.shape_cast %parallel_loop3A_281 : vector<16xf32> to vector<1x16xf32>
        tpu.vector_store %arg12[%parallel_loop3A_283, %parallel_loop3A_284], %parallel_loop3A_287 {strides = array<i32>} : memref<8x1024xf32, #tpu.memory_space<vmem>>, vector<1x16xf32>,
        %parallel_loop3A_288 = arith.constant 5 : i32
        %parallel_loop3A_289 = arith.index_cast %parallel_loop3A_288 : i32 to index
        %parallel_loop3A_290 = arith.index_cast %parallel_loop3A_162 : i32 to index
        %parallel_loop3A_291 = tpu.vector_load %arg8[%parallel_loop3A_289, %parallel_loop3A_290] {strides = array<i32>} : memref<8x1024xf32, #tpu.memory_space<vmem>>, vector<1x16xf32>,
        %parallel_loop3A_292 = vector.shape_cast %parallel_loop3A_291 : vector<1x16xf32> to vector<16xf32>
        %parallel_loop3A_293 = arith.mulf %parallel_loop3A_292, %get3A_4 : vector<16xf32>
        %parallel_loop3A_294 = arith.constant -1.270000e+02 : f32
        %parallel_loop3A_295 = vector.broadcast %parallel_loop3A_294 : f32 to vector<16xf32>
        %parallel_loop3A_296 = arith.maximumf %parallel_loop3A_293, %parallel_loop3A_295 : vector<16xf32>
        %parallel_loop3A_297 = arith.constant 1.270000e+02 : f32
        %parallel_loop3A_298 = vector.broadcast %parallel_loop3A_297 : f32 to vector<16xf32>
        %parallel_loop3A_299 = arith.minimumf %parallel_loop3A_296, %parallel_loop3A_298 : vector<16xf32>
        %parallel_loop3A_300 = arith.constant 0x4B400000 : f32
        %parallel_loop3A_301 = vector.broadcast %parallel_loop3A_300 : f32 to vector<16xf32>
        %parallel_loop3A_302 = arith.addf %parallel_loop3A_299, %parallel_loop3A_301 : vector<16xf32>
        %parallel_loop3A_303 = arith.constant 0x4B400000 : f32
        %parallel_loop3A_304 = vector.broadcast %parallel_loop3A_303 : f32 to vector<16xf32>
        %parallel_loop3A_305 = arith.subf %parallel_loop3A_302, %parallel_loop3A_304 : vector<16xf32>
        %parallel_loop3A_306 = arith.mulf %parallel_loop3A_305, %get3A_7 : vector<16xf32>
        %parallel_loop3A_307 = arith.constant 5 : i32
        %parallel_loop3A_308 = arith.index_cast %parallel_loop3A_307 : i32 to index
        %parallel_loop3A_309 = arith.index_cast %parallel_loop3A_162 : i32 to index
        %parallel_loop3A_310 = tpu.vector_load %arg12[%parallel_loop3A_308, %parallel_loop3A_309] {strides = array<i32>} : memref<8x1024xf32, #tpu.memory_space<vmem>>, vector<1x16xf32>,
        %parallel_loop3A_311 = vector.shape_cast %parallel_loop3A_310 : vector<1x16xf32> to vector<16xf32>
        %parallel_loop3A_312 = vector.shape_cast %parallel_loop3A_306 : vector<16xf32> to vector<1x16xf32>
        tpu.vector_store %arg12[%parallel_loop3A_308, %parallel_loop3A_309], %parallel_loop3A_312 {strides = array<i32>} : memref<8x1024xf32, #tpu.memory_space<vmem>>, vector<1x16xf32>,
        %parallel_loop3A_313 = arith.constant 6 : i32
        %parallel_loop3A_314 = arith.index_cast %parallel_loop3A_313 : i32 to index
        %parallel_loop3A_315 = arith.index_cast %parallel_loop3A_162 : i32 to index
        %parallel_loop3A_316 = tpu.vector_load %arg8[%parallel_loop3A_314, %parallel_loop3A_315] {strides = array<i32>} : memref<8x1024xf32, #tpu.memory_space<vmem>>, vector<1x16xf32>,
        %parallel_loop3A_317 = vector.shape_cast %parallel_loop3A_316 : vector<1x16xf32> to vector<16xf32>
        %parallel_loop3A_318 = arith.mulf %parallel_loop3A_317, %get3A_4 : vector<16xf32>
        %parallel_loop3A_319 = arith.constant -1.270000e+02 : f32
        %parallel_loop3A_320 = vector.broadcast %parallel_loop3A_319 : f32 to vector<16xf32>
        %parallel_loop3A_321 = arith.maximumf %parallel_loop3A_318, %parallel_loop3A_320 : vector<16xf32>
        %parallel_loop3A_322 = arith.constant 1.270000e+02 : f32
        %parallel_loop3A_323 = vector.broadcast %parallel_loop3A_322 : f32 to vector<16xf32>
        %parallel_loop3A_324 = arith.minimumf %parallel_loop3A_321, %parallel_loop3A_323 : vector<16xf32>
        %parallel_loop3A_325 = arith.constant 0x4B400000 : f32
        %parallel_loop3A_326 = vector.broadcast %parallel_loop3A_325 : f32 to vector<16xf32>
        %parallel_loop3A_327 = arith.addf %parallel_loop3A_324, %parallel_loop3A_326 : vector<16xf32>
        %parallel_loop3A_328 = arith.constant 0x4B400000 : f32
        %parallel_loop3A_329 = vector.broadcast %parallel_loop3A_328 : f32 to vector<16xf32>
        %parallel_loop3A_330 = arith.subf %parallel_loop3A_327, %parallel_loop3A_329 : vector<16xf32>
        %parallel_loop3A_331 = arith.mulf %parallel_loop3A_330, %get3A_7 : vector<16xf32>
        %parallel_loop3A_332 = arith.constant 6 : i32
        %parallel_loop3A_333 = arith.index_cast %parallel_loop3A_332 : i32 to index
        %parallel_loop3A_334 = arith.index_cast %parallel_loop3A_162 : i32 to index
        %parallel_loop3A_335 = tpu.vector_load %arg12[%parallel_loop3A_333, %parallel_loop3A_334] {strides = array<i32>} : memref<8x1024xf32, #tpu.memory_space<vmem>>, vector<1x16xf32>,
        %parallel_loop3A_336 = vector.shape_cast %parallel_loop3A_335 : vector<1x16xf32> to vector<16xf32>
        %parallel_loop3A_337 = vector.shape_cast %parallel_loop3A_331 : vector<16xf32> to vector<1x16xf32>
        tpu.vector_store %arg12[%parallel_loop3A_333, %parallel_loop3A_334], %parallel_loop3A_337 {strides = array<i32>} : memref<8x1024xf32, #tpu.memory_space<vmem>>, vector<1x16xf32>,
        %parallel_loop3A_338 = arith.constant 7 : i32
        %parallel_loop3A_339 = arith.index_cast %parallel_loop3A_338 : i32 to index
        %parallel_loop3A_340 = arith.index_cast %parallel_loop3A_162 : i32 to index
        %parallel_loop3A_341 = tpu.vector_load %arg8[%parallel_loop3A_339, %parallel_loop3A_340] {strides = array<i32>} : memref<8x1024xf32, #tpu.memory_space<vmem>>, vector<1x16xf32>,
        %parallel_loop3A_342 = vector.shape_cast %parallel_loop3A_341 : vector<1x16xf32> to vector<16xf32>
        %parallel_loop3A_343 = arith.mulf %parallel_loop3A_342, %get3A_4 : vector<16xf32>
        %parallel_loop3A_344 = arith.constant -1.270000e+02 : f32
        %parallel_loop3A_345 = vector.broadcast %parallel_loop3A_344 : f32 to vector<16xf32>
        %parallel_loop3A_346 = arith.maximumf %parallel_loop3A_343, %parallel_loop3A_345 : vector<16xf32>
        %parallel_loop3A_347 = arith.constant 1.270000e+02 : f32
        %parallel_loop3A_348 = vector.broadcast %parallel_loop3A_347 : f32 to vector<16xf32>
        %parallel_loop3A_349 = arith.minimumf %parallel_loop3A_346, %parallel_loop3A_348 : vector<16xf32>
        %parallel_loop3A_350 = arith.constant 0x4B400000 : f32
        %parallel_loop3A_351 = vector.broadcast %parallel_loop3A_350 : f32 to vector<16xf32>
        %parallel_loop3A_352 = arith.addf %parallel_loop3A_349, %parallel_loop3A_351 : vector<16xf32>
        %parallel_loop3A_353 = arith.constant 0x4B400000 : f32
        %parallel_loop3A_354 = vector.broadcast %parallel_loop3A_353 : f32 to vector<16xf32>
        %parallel_loop3A_355 = arith.subf %parallel_loop3A_352, %parallel_loop3A_354 : vector<16xf32>
        %parallel_loop3A_356 = arith.mulf %parallel_loop3A_355, %get3A_7 : vector<16xf32>
        %parallel_loop3A_357 = arith.constant 7 : i32
        %parallel_loop3A_358 = arith.index_cast %parallel_loop3A_357 : i32 to index
        %parallel_loop3A_359 = arith.index_cast %parallel_loop3A_162 : i32 to index
        %parallel_loop3A_360 = tpu.vector_load %arg12[%parallel_loop3A_358, %parallel_loop3A_359] {strides = array<i32>} : memref<8x1024xf32, #tpu.memory_space<vmem>>, vector<1x16xf32>,
        %parallel_loop3A_361 = vector.shape_cast %parallel_loop3A_360 : vector<1x16xf32> to vector<16xf32>
        %parallel_loop3A_362 = vector.shape_cast %parallel_loop3A_356 : vector<16xf32> to vector<1x16xf32>
        tpu.vector_store %arg12[%parallel_loop3A_358, %parallel_loop3A_359], %parallel_loop3A_362 {strides = array<i32>} : memref<8x1024xf32, #tpu.memory_space<vmem>>, vector<1x16xf32>,
      } {sc.loop_unroll_factor = 2 : i64, sc.parallel_access}
      %mul3A_120 = arith.constant 8 : i32
      %mul3A_121 = arith.muli %add3A_107, %mul3A_120 : i32
      %add3A_122 = arith.addi %mul3A_2, %mul3A_121 : i32
      %dma_start3A_123 = arith.constant 0 : i32
      %dma_start3A_124 = tpu.memref_slice %arg5[%add3A_122, %dma_start3A_123] : memref<8192x1024xf32, #tpu.memory_space<hbm>> -> memref<8x1024xf32, #tpu.memory_space<hbm>>
      %dma_start3A_125 = arith.constant 0 : i32
      %dma_start3A_126 = tpu.memref_slice %arg5[%add3A_122, %dma_start3A_125] : memref<8192x1024xf32, #tpu.memory_space<hbm>> -> memref<8x1024xf32, #tpu.memory_space<hbm>>
      tpu.enqueue_dma source(%arg12 : memref<8x1024xf32, #tpu.memory_space<vmem>>) target(%dma_start3A_126 : memref<8x1024xf32, #tpu.memory_space<hbm>>) target_semaphore(%arg22 : memref<!tpu.dma_semaphore, #tpu.memory_space<semaphore_mem>>)
      %add3A_127 = arith.constant 4 : i32
      %add3A_128 = arith.addi %add3A_107, %add3A_127 : i32
      %lt3A_129 = arith.constant 32 : i32
      %lt3A_130 = arith.cmpi slt, %add3A_128, %lt3A_129 : i32
      %convert_element_type3A_131 = arith.extui %lt3A_130 : i1 to i32
      %cond3A_132 = arith.constant 0 : i32
      %cond3A_133 = arith.cmpi ne, %convert_element_type3A_131, %cond3A_132 : i32
      scf.if %cond3A_133 {
        %add3A_162 = arith.constant 4 : i32
        %add3A_163 = arith.addi %add3A_107, %add3A_162 : i32
        %mul3A_164 = arith.constant 8 : i32
        %mul3A_165 = arith.muli %add3A_163, %mul3A_164 : i32
        %add3A_166 = arith.addi %mul3A_2, %mul3A_165 : i32
        %dma_start3A_167 = arith.constant 0 : i32
        %dma_start3A_168 = tpu.memref_slice %arg2[%add3A_166, %dma_start3A_167] : memref<8192x1024xf32, #tpu.memory_space<hbm>> -> memref<8x1024xf32, #tpu.memory_space<hbm>>
        %dma_start3A_169 = arith.constant 0 : i32
        %dma_start3A_170 = tpu.memref_slice %arg2[%add3A_166, %dma_start3A_169] : memref<8192x1024xf32, #tpu.memory_space<hbm>> -> memref<8x1024xf32, #tpu.memory_space<hbm>>
        tpu.enqueue_dma source(%dma_start3A_170 : memref<8x1024xf32, #tpu.memory_space<hbm>>) target(%arg8 : memref<8x1024xf32, #tpu.memory_space<vmem>>) target_semaphore(%arg18 : memref<!tpu.dma_semaphore, #tpu.memory_space<semaphore_mem>>)
      } else {
      }
      %add3A_134 = arith.constant 3 : i32
      %add3A_135 = arith.addi %add3A_54, %add3A_134 : i32
      %dma_wait3A_136 = arith.constant 0 : i32
      %dma_wait3A_137 = tpu.memref_slice %arg2[%mul3A_2, %dma_wait3A_136] : memref<8192x1024xf32, #tpu.memory_space<hbm>> -> memref<8x1024xf32, #tpu.memory_space<hbm>>
      %dma_wait3A_138 = arith.constant 0 : i32
      %dma_wait3A_139 = tpu.memref_slice %arg2[%mul3A_2, %dma_wait3A_138] : memref<8192x1024xf32, #tpu.memory_space<hbm>> -> memref<8x1024xf32, #tpu.memory_space<hbm>>
      tpu.wait_dma2 semaphore(%arg19 : memref<!tpu.dma_semaphore, #tpu.memory_space<semaphore_mem>>) src(%dma_wait3A_139 : memref<8x1024xf32, #tpu.memory_space<hbm>>) dst(%arg9 : memref<8x1024xf32, #tpu.memory_space<vmem>>)
      %ge3A_140 = arith.constant 4 : i32
      %ge3A_141 = arith.cmpi sge, %add3A_135, %ge3A_140 : i32
      %convert_element_type3A_142 = arith.extui %ge3A_141 : i1 to i32
      %cond3A_143 = arith.constant 0 : i32
      %cond3A_144 = arith.cmpi ne, %convert_element_type3A_142, %cond3A_143 : i32
      scf.if %cond3A_144 {
        %dma_wait3A_162 = arith.constant 0 : i32
        %dma_wait3A_163 = tpu.memref_slice %arg5[%mul3A_2, %dma_wait3A_162] : memref<8192x1024xf32, #tpu.memory_space<hbm>> -> memref<8x1024xf32, #tpu.memory_space<hbm>>
        %dma_wait3A_164 = arith.constant 0 : i32
        %dma_wait3A_165 = tpu.memref_slice %arg5[%mul3A_2, %dma_wait3A_164] : memref<8192x1024xf32, #tpu.memory_space<hbm>> -> memref<8x1024xf32, #tpu.memory_space<hbm>>
        tpu.wait_dma2 semaphore(%arg23 : memref<!tpu.dma_semaphore, #tpu.memory_space<semaphore_mem>>) src(%arg13 : memref<8x1024xf32, #tpu.memory_space<vmem>>) dst(%dma_wait3A_165 : memref<8x1024xf32, #tpu.memory_space<hbm>>)
      } else {
      }
      %parallel_loop3A_145 = arith.constant 0 : i32
      %parallel_loop3A_146 = arith.constant 1024 : i32
      %parallel_loop3A_147 = arith.constant 16 : i32
      scf.for %parallel_loop3A_162 = %parallel_loop3A_145 to %parallel_loop3A_146 step %parallel_loop3A_147  : i32 {
        %parallel_loop3A_163 = arith.constant 0 : i32
        %parallel_loop3A_164 = arith.index_cast %parallel_loop3A_163 : i32 to index
        %parallel_loop3A_165 = arith.index_cast %parallel_loop3A_162 : i32 to index
        %parallel_loop3A_166 = tpu.vector_load %arg9[%parallel_loop3A_164, %parallel_loop3A_165] {strides = array<i32>} : memref<8x1024xf32, #tpu.memory_space<vmem>>, vector<1x16xf32>,
        %parallel_loop3A_167 = vector.shape_cast %parallel_loop3A_166 : vector<1x16xf32> to vector<16xf32>
        %parallel_loop3A_168 = arith.mulf %parallel_loop3A_167, %get3A_4 : vector<16xf32>
        %parallel_loop3A_169 = arith.constant -1.270000e+02 : f32
        %parallel_loop3A_170 = vector.broadcast %parallel_loop3A_169 : f32 to vector<16xf32>
        %parallel_loop3A_171 = arith.maximumf %parallel_loop3A_168, %parallel_loop3A_170 : vector<16xf32>
        %parallel_loop3A_172 = arith.constant 1.270000e+02 : f32
        %parallel_loop3A_173 = vector.broadcast %parallel_loop3A_172 : f32 to vector<16xf32>
        %parallel_loop3A_174 = arith.minimumf %parallel_loop3A_171, %parallel_loop3A_173 : vector<16xf32>
        %parallel_loop3A_175 = arith.constant 0x4B400000 : f32
        %parallel_loop3A_176 = vector.broadcast %parallel_loop3A_175 : f32 to vector<16xf32>
        %parallel_loop3A_177 = arith.addf %parallel_loop3A_174, %parallel_loop3A_176 : vector<16xf32>
        %parallel_loop3A_178 = arith.constant 0x4B400000 : f32
        %parallel_loop3A_179 = vector.broadcast %parallel_loop3A_178 : f32 to vector<16xf32>
        %parallel_loop3A_180 = arith.subf %parallel_loop3A_177, %parallel_loop3A_179 : vector<16xf32>
        %parallel_loop3A_181 = arith.mulf %parallel_loop3A_180, %get3A_7 : vector<16xf32>
        %parallel_loop3A_182 = arith.constant 0 : i32
        %parallel_loop3A_183 = arith.index_cast %parallel_loop3A_182 : i32 to index
        %parallel_loop3A_184 = arith.index_cast %parallel_loop3A_162 : i32 to index
        %parallel_loop3A_185 = tpu.vector_load %arg13[%parallel_loop3A_183, %parallel_loop3A_184] {strides = array<i32>} : memref<8x1024xf32, #tpu.memory_space<vmem>>, vector<1x16xf32>,
        %parallel_loop3A_186 = vector.shape_cast %parallel_loop3A_185 : vector<1x16xf32> to vector<16xf32>
        %parallel_loop3A_187 = vector.shape_cast %parallel_loop3A_181 : vector<16xf32> to vector<1x16xf32>
        tpu.vector_store %arg13[%parallel_loop3A_183, %parallel_loop3A_184], %parallel_loop3A_187 {strides = array<i32>} : memref<8x1024xf32, #tpu.memory_space<vmem>>, vector<1x16xf32>,
        %parallel_loop3A_188 = arith.constant 1 : i32
        %parallel_loop3A_189 = arith.index_cast %parallel_loop3A_188 : i32 to index
        %parallel_loop3A_190 = arith.index_cast %parallel_loop3A_162 : i32 to index
        %parallel_loop3A_191 = tpu.vector_load %arg9[%parallel_loop3A_189, %parallel_loop3A_190] {strides = array<i32>} : memref<8x1024xf32, #tpu.memory_space<vmem>>, vector<1x16xf32>,
        %parallel_loop3A_192 = vector.shape_cast %parallel_loop3A_191 : vector<1x16xf32> to vector<16xf32>
        %parallel_loop3A_193 = arith.mulf %parallel_loop3A_192, %get3A_4 : vector<16xf32>
        %parallel_loop3A_194 = arith.constant -1.270000e+02 : f32
        %parallel_loop3A_195 = vector.broadcast %parallel_loop3A_194 : f32 to vector<16xf32>
        %parallel_loop3A_196 = arith.maximumf %parallel_loop3A_193, %parallel_loop3A_195 : vector<16xf32>
        %parallel_loop3A_197 = arith.constant 1.270000e+02 : f32
        %parallel_loop3A_198 = vector.broadcast %parallel_loop3A_197 : f32 to vector<16xf32>
        %parallel_loop3A_199 = arith.minimumf %parallel_loop3A_196, %parallel_loop3A_198 : vector<16xf32>
        %parallel_loop3A_200 = arith.constant 0x4B400000 : f32
        %parallel_loop3A_201 = vector.broadcast %parallel_loop3A_200 : f32 to vector<16xf32>
        %parallel_loop3A_202 = arith.addf %parallel_loop3A_199, %parallel_loop3A_201 : vector<16xf32>
        %parallel_loop3A_203 = arith.constant 0x4B400000 : f32
        %parallel_loop3A_204 = vector.broadcast %parallel_loop3A_203 : f32 to vector<16xf32>
        %parallel_loop3A_205 = arith.subf %parallel_loop3A_202, %parallel_loop3A_204 : vector<16xf32>
        %parallel_loop3A_206 = arith.mulf %parallel_loop3A_205, %get3A_7 : vector<16xf32>
        %parallel_loop3A_207 = arith.constant 1 : i32
        %parallel_loop3A_208 = arith.index_cast %parallel_loop3A_207 : i32 to index
        %parallel_loop3A_209 = arith.index_cast %parallel_loop3A_162 : i32 to index
        %parallel_loop3A_210 = tpu.vector_load %arg13[%parallel_loop3A_208, %parallel_loop3A_209] {strides = array<i32>} : memref<8x1024xf32, #tpu.memory_space<vmem>>, vector<1x16xf32>,
        %parallel_loop3A_211 = vector.shape_cast %parallel_loop3A_210 : vector<1x16xf32> to vector<16xf32>
        %parallel_loop3A_212 = vector.shape_cast %parallel_loop3A_206 : vector<16xf32> to vector<1x16xf32>
        tpu.vector_store %arg13[%parallel_loop3A_208, %parallel_loop3A_209], %parallel_loop3A_212 {strides = array<i32>} : memref<8x1024xf32, #tpu.memory_space<vmem>>, vector<1x16xf32>,
        %parallel_loop3A_213 = arith.constant 2 : i32
        %parallel_loop3A_214 = arith.index_cast %parallel_loop3A_213 : i32 to index
        %parallel_loop3A_215 = arith.index_cast %parallel_loop3A_162 : i32 to index
        %parallel_loop3A_216 = tpu.vector_load %arg9[%parallel_loop3A_214, %parallel_loop3A_215] {strides = array<i32>} : memref<8x1024xf32, #tpu.memory_space<vmem>>, vector<1x16xf32>,
        %parallel_loop3A_217 = vector.shape_cast %parallel_loop3A_216 : vector<1x16xf32> to vector<16xf32>
        %parallel_loop3A_218 = arith.mulf %parallel_loop3A_217, %get3A_4 : vector<16xf32>
        %parallel_loop3A_219 = arith.constant -1.270000e+02 : f32
        %parallel_loop3A_220 = vector.broadcast %parallel_loop3A_219 : f32 to vector<16xf32>
        %parallel_loop3A_221 = arith.maximumf %parallel_loop3A_218, %parallel_loop3A_220 : vector<16xf32>
        %parallel_loop3A_222 = arith.constant 1.270000e+02 : f32
        %parallel_loop3A_223 = vector.broadcast %parallel_loop3A_222 : f32 to vector<16xf32>
        %parallel_loop3A_224 = arith.minimumf %parallel_loop3A_221, %parallel_loop3A_223 : vector<16xf32>
        %parallel_loop3A_225 = arith.constant 0x4B400000 : f32
        %parallel_loop3A_226 = vector.broadcast %parallel_loop3A_225 : f32 to vector<16xf32>
        %parallel_loop3A_227 = arith.addf %parallel_loop3A_224, %parallel_loop3A_226 : vector<16xf32>
        %parallel_loop3A_228 = arith.constant 0x4B400000 : f32
        %parallel_loop3A_229 = vector.broadcast %parallel_loop3A_228 : f32 to vector<16xf32>
        %parallel_loop3A_230 = arith.subf %parallel_loop3A_227, %parallel_loop3A_229 : vector<16xf32>
        %parallel_loop3A_231 = arith.mulf %parallel_loop3A_230, %get3A_7 : vector<16xf32>
        %parallel_loop3A_232 = arith.constant 2 : i32
        %parallel_loop3A_233 = arith.index_cast %parallel_loop3A_232 : i32 to index
        %parallel_loop3A_234 = arith.index_cast %parallel_loop3A_162 : i32 to index
        %parallel_loop3A_235 = tpu.vector_load %arg13[%parallel_loop3A_233, %parallel_loop3A_234] {strides = array<i32>} : memref<8x1024xf32, #tpu.memory_space<vmem>>, vector<1x16xf32>,
        %parallel_loop3A_236 = vector.shape_cast %parallel_loop3A_235 : vector<1x16xf32> to vector<16xf32>
        %parallel_loop3A_237 = vector.shape_cast %parallel_loop3A_231 : vector<16xf32> to vector<1x16xf32>
        tpu.vector_store %arg13[%parallel_loop3A_233, %parallel_loop3A_234], %parallel_loop3A_237 {strides = array<i32>} : memref<8x1024xf32, #tpu.memory_space<vmem>>, vector<1x16xf32>,
        %parallel_loop3A_238 = arith.constant 3 : i32
        %parallel_loop3A_239 = arith.index_cast %parallel_loop3A_238 : i32 to index
        %parallel_loop3A_240 = arith.index_cast %parallel_loop3A_162 : i32 to index
        %parallel_loop3A_241 = tpu.vector_load %arg9[%parallel_loop3A_239, %parallel_loop3A_240] {strides = array<i32>} : memref<8x1024xf32, #tpu.memory_space<vmem>>, vector<1x16xf32>,
        %parallel_loop3A_242 = vector.shape_cast %parallel_loop3A_241 : vector<1x16xf32> to vector<16xf32>
        %parallel_loop3A_243 = arith.mulf %parallel_loop3A_242, %get3A_4 : vector<16xf32>
        %parallel_loop3A_244 = arith.constant -1.270000e+02 : f32
        %parallel_loop3A_245 = vector.broadcast %parallel_loop3A_244 : f32 to vector<16xf32>
        %parallel_loop3A_246 = arith.maximumf %parallel_loop3A_243, %parallel_loop3A_245 : vector<16xf32>
        %parallel_loop3A_247 = arith.constant 1.270000e+02 : f32
        %parallel_loop3A_248 = vector.broadcast %parallel_loop3A_247 : f32 to vector<16xf32>
        %parallel_loop3A_249 = arith.minimumf %parallel_loop3A_246, %parallel_loop3A_248 : vector<16xf32>
        %parallel_loop3A_250 = arith.constant 0x4B400000 : f32
        %parallel_loop3A_251 = vector.broadcast %parallel_loop3A_250 : f32 to vector<16xf32>
        %parallel_loop3A_252 = arith.addf %parallel_loop3A_249, %parallel_loop3A_251 : vector<16xf32>
        %parallel_loop3A_253 = arith.constant 0x4B400000 : f32
        %parallel_loop3A_254 = vector.broadcast %parallel_loop3A_253 : f32 to vector<16xf32>
        %parallel_loop3A_255 = arith.subf %parallel_loop3A_252, %parallel_loop3A_254 : vector<16xf32>
        %parallel_loop3A_256 = arith.mulf %parallel_loop3A_255, %get3A_7 : vector<16xf32>
        %parallel_loop3A_257 = arith.constant 3 : i32
        %parallel_loop3A_258 = arith.index_cast %parallel_loop3A_257 : i32 to index
        %parallel_loop3A_259 = arith.index_cast %parallel_loop3A_162 : i32 to index
        %parallel_loop3A_260 = tpu.vector_load %arg13[%parallel_loop3A_258, %parallel_loop3A_259] {strides = array<i32>} : memref<8x1024xf32, #tpu.memory_space<vmem>>, vector<1x16xf32>,
        %parallel_loop3A_261 = vector.shape_cast %parallel_loop3A_260 : vector<1x16xf32> to vector<16xf32>
        %parallel_loop3A_262 = vector.shape_cast %parallel_loop3A_256 : vector<16xf32> to vector<1x16xf32>
        tpu.vector_store %arg13[%parallel_loop3A_258, %parallel_loop3A_259], %parallel_loop3A_262 {strides = array<i32>} : memref<8x1024xf32, #tpu.memory_space<vmem>>, vector<1x16xf32>,
        %parallel_loop3A_263 = arith.constant 4 : i32
        %parallel_loop3A_264 = arith.index_cast %parallel_loop3A_263 : i32 to index
        %parallel_loop3A_265 = arith.index_cast %parallel_loop3A_162 : i32 to index
        %parallel_loop3A_266 = tpu.vector_load %arg9[%parallel_loop3A_264, %parallel_loop3A_265] {strides = array<i32>} : memref<8x1024xf32, #tpu.memory_space<vmem>>, vector<1x16xf32>,
        %parallel_loop3A_267 = vector.shape_cast %parallel_loop3A_266 : vector<1x16xf32> to vector<16xf32>
        %parallel_loop3A_268 = arith.mulf %parallel_loop3A_267, %get3A_4 : vector<16xf32>
        %parallel_loop3A_269 = arith.constant -1.270000e+02 : f32
        %parallel_loop3A_270 = vector.broadcast %parallel_loop3A_269 : f32 to vector<16xf32>
        %parallel_loop3A_271 = arith.maximumf %parallel_loop3A_268, %parallel_loop3A_270 : vector<16xf32>
        %parallel_loop3A_272 = arith.constant 1.270000e+02 : f32
        %parallel_loop3A_273 = vector.broadcast %parallel_loop3A_272 : f32 to vector<16xf32>
        %parallel_loop3A_274 = arith.minimumf %parallel_loop3A_271, %parallel_loop3A_273 : vector<16xf32>
        %parallel_loop3A_275 = arith.constant 0x4B400000 : f32
        %parallel_loop3A_276 = vector.broadcast %parallel_loop3A_275 : f32 to vector<16xf32>
        %parallel_loop3A_277 = arith.addf %parallel_loop3A_274, %parallel_loop3A_276 : vector<16xf32>
        %parallel_loop3A_278 = arith.constant 0x4B400000 : f32
        %parallel_loop3A_279 = vector.broadcast %parallel_loop3A_278 : f32 to vector<16xf32>
        %parallel_loop3A_280 = arith.subf %parallel_loop3A_277, %parallel_loop3A_279 : vector<16xf32>
        %parallel_loop3A_281 = arith.mulf %parallel_loop3A_280, %get3A_7 : vector<16xf32>
        %parallel_loop3A_282 = arith.constant 4 : i32
        %parallel_loop3A_283 = arith.index_cast %parallel_loop3A_282 : i32 to index
        %parallel_loop3A_284 = arith.index_cast %parallel_loop3A_162 : i32 to index
        %parallel_loop3A_285 = tpu.vector_load %arg13[%parallel_loop3A_283, %parallel_loop3A_284] {strides = array<i32>} : memref<8x1024xf32, #tpu.memory_space<vmem>>, vector<1x16xf32>,
        %parallel_loop3A_286 = vector.shape_cast %parallel_loop3A_285 : vector<1x16xf32> to vector<16xf32>
        %parallel_loop3A_287 = vector.shape_cast %parallel_loop3A_281 : vector<16xf32> to vector<1x16xf32>
        tpu.vector_store %arg13[%parallel_loop3A_283, %parallel_loop3A_284], %parallel_loop3A_287 {strides = array<i32>} : memref<8x1024xf32, #tpu.memory_space<vmem>>, vector<1x16xf32>,
        %parallel_loop3A_288 = arith.constant 5 : i32
        %parallel_loop3A_289 = arith.index_cast %parallel_loop3A_288 : i32 to index
        %parallel_loop3A_290 = arith.index_cast %parallel_loop3A_162 : i32 to index
        %parallel_loop3A_291 = tpu.vector_load %arg9[%parallel_loop3A_289, %parallel_loop3A_290] {strides = array<i32>} : memref<8x1024xf32, #tpu.memory_space<vmem>>, vector<1x16xf32>,
        %parallel_loop3A_292 = vector.shape_cast %parallel_loop3A_291 : vector<1x16xf32> to vector<16xf32>
        %parallel_loop3A_293 = arith.mulf %parallel_loop3A_292, %get3A_4 : vector<16xf32>
        %parallel_loop3A_294 = arith.constant -1.270000e+02 : f32
        %parallel_loop3A_295 = vector.broadcast %parallel_loop3A_294 : f32 to vector<16xf32>
        %parallel_loop3A_296 = arith.maximumf %parallel_loop3A_293, %parallel_loop3A_295 : vector<16xf32>
        %parallel_loop3A_297 = arith.constant 1.270000e+02 : f32
        %parallel_loop3A_298 = vector.broadcast %parallel_loop3A_297 : f32 to vector<16xf32>
        %parallel_loop3A_299 = arith.minimumf %parallel_loop3A_296, %parallel_loop3A_298 : vector<16xf32>
        %parallel_loop3A_300 = arith.constant 0x4B400000 : f32
        %parallel_loop3A_301 = vector.broadcast %parallel_loop3A_300 : f32 to vector<16xf32>
        %parallel_loop3A_302 = arith.addf %parallel_loop3A_299, %parallel_loop3A_301 : vector<16xf32>
        %parallel_loop3A_303 = arith.constant 0x4B400000 : f32
        %parallel_loop3A_304 = vector.broadcast %parallel_loop3A_303 : f32 to vector<16xf32>
        %parallel_loop3A_305 = arith.subf %parallel_loop3A_302, %parallel_loop3A_304 : vector<16xf32>
        %parallel_loop3A_306 = arith.mulf %parallel_loop3A_305, %get3A_7 : vector<16xf32>
        %parallel_loop3A_307 = arith.constant 5 : i32
        %parallel_loop3A_308 = arith.index_cast %parallel_loop3A_307 : i32 to index
        %parallel_loop3A_309 = arith.index_cast %parallel_loop3A_162 : i32 to index
        %parallel_loop3A_310 = tpu.vector_load %arg13[%parallel_loop3A_308, %parallel_loop3A_309] {strides = array<i32>} : memref<8x1024xf32, #tpu.memory_space<vmem>>, vector<1x16xf32>,
        %parallel_loop3A_311 = vector.shape_cast %parallel_loop3A_310 : vector<1x16xf32> to vector<16xf32>
        %parallel_loop3A_312 = vector.shape_cast %parallel_loop3A_306 : vector<16xf32> to vector<1x16xf32>
        tpu.vector_store %arg13[%parallel_loop3A_308, %parallel_loop3A_309], %parallel_loop3A_312 {strides = array<i32>} : memref<8x1024xf32, #tpu.memory_space<vmem>>, vector<1x16xf32>,
        %parallel_loop3A_313 = arith.constant 6 : i32
        %parallel_loop3A_314 = arith.index_cast %parallel_loop3A_313 : i32 to index
        %parallel_loop3A_315 = arith.index_cast %parallel_loop3A_162 : i32 to index
        %parallel_loop3A_316 = tpu.vector_load %arg9[%parallel_loop3A_314, %parallel_loop3A_315] {strides = array<i32>} : memref<8x1024xf32, #tpu.memory_space<vmem>>, vector<1x16xf32>,
        %parallel_loop3A_317 = vector.shape_cast %parallel_loop3A_316 : vector<1x16xf32> to vector<16xf32>
        %parallel_loop3A_318 = arith.mulf %parallel_loop3A_317, %get3A_4 : vector<16xf32>
        %parallel_loop3A_319 = arith.constant -1.270000e+02 : f32
        %parallel_loop3A_320 = vector.broadcast %parallel_loop3A_319 : f32 to vector<16xf32>
        %parallel_loop3A_321 = arith.maximumf %parallel_loop3A_318, %parallel_loop3A_320 : vector<16xf32>
        %parallel_loop3A_322 = arith.constant 1.270000e+02 : f32
        %parallel_loop3A_323 = vector.broadcast %parallel_loop3A_322 : f32 to vector<16xf32>
        %parallel_loop3A_324 = arith.minimumf %parallel_loop3A_321, %parallel_loop3A_323 : vector<16xf32>
        %parallel_loop3A_325 = arith.constant 0x4B400000 : f32
        %parallel_loop3A_326 = vector.broadcast %parallel_loop3A_325 : f32 to vector<16xf32>
        %parallel_loop3A_327 = arith.addf %parallel_loop3A_324, %parallel_loop3A_326 : vector<16xf32>
        %parallel_loop3A_328 = arith.constant 0x4B400000 : f32
        %parallel_loop3A_329 = vector.broadcast %parallel_loop3A_328 : f32 to vector<16xf32>
        %parallel_loop3A_330 = arith.subf %parallel_loop3A_327, %parallel_loop3A_329 : vector<16xf32>
        %parallel_loop3A_331 = arith.mulf %parallel_loop3A_330, %get3A_7 : vector<16xf32>
        %parallel_loop3A_332 = arith.constant 6 : i32
        %parallel_loop3A_333 = arith.index_cast %parallel_loop3A_332 : i32 to index
        %parallel_loop3A_334 = arith.index_cast %parallel_loop3A_162 : i32 to index
        %parallel_loop3A_335 = tpu.vector_load %arg13[%parallel_loop3A_333, %parallel_loop3A_334] {strides = array<i32>} : memref<8x1024xf32, #tpu.memory_space<vmem>>, vector<1x16xf32>,
        %parallel_loop3A_336 = vector.shape_cast %parallel_loop3A_335 : vector<1x16xf32> to vector<16xf32>
        %parallel_loop3A_337 = vector.shape_cast %parallel_loop3A_331 : vector<16xf32> to vector<1x16xf32>
        tpu.vector_store %arg13[%parallel_loop3A_333, %parallel_loop3A_334], %parallel_loop3A_337 {strides = array<i32>} : memref<8x1024xf32, #tpu.memory_space<vmem>>, vector<1x16xf32>,
        %parallel_loop3A_338 = arith.constant 7 : i32
        %parallel_loop3A_339 = arith.index_cast %parallel_loop3A_338 : i32 to index
        %parallel_loop3A_340 = arith.index_cast %parallel_loop3A_162 : i32 to index
        %parallel_loop3A_341 = tpu.vector_load %arg9[%parallel_loop3A_339, %parallel_loop3A_340] {strides = array<i32>} : memref<8x1024xf32, #tpu.memory_space<vmem>>, vector<1x16xf32>,
        %parallel_loop3A_342 = vector.shape_cast %parallel_loop3A_341 : vector<1x16xf32> to vector<16xf32>
        %parallel_loop3A_343 = arith.mulf %parallel_loop3A_342, %get3A_4 : vector<16xf32>
        %parallel_loop3A_344 = arith.constant -1.270000e+02 : f32
        %parallel_loop3A_345 = vector.broadcast %parallel_loop3A_344 : f32 to vector<16xf32>
        %parallel_loop3A_346 = arith.maximumf %parallel_loop3A_343, %parallel_loop3A_345 : vector<16xf32>
        %parallel_loop3A_347 = arith.constant 1.270000e+02 : f32
        %parallel_loop3A_348 = vector.broadcast %parallel_loop3A_347 : f32 to vector<16xf32>
        %parallel_loop3A_349 = arith.minimumf %parallel_loop3A_346, %parallel_loop3A_348 : vector<16xf32>
        %parallel_loop3A_350 = arith.constant 0x4B400000 : f32
        %parallel_loop3A_351 = vector.broadcast %parallel_loop3A_350 : f32 to vector<16xf32>
        %parallel_loop3A_352 = arith.addf %parallel_loop3A_349, %parallel_loop3A_351 : vector<16xf32>
        %parallel_loop3A_353 = arith.constant 0x4B400000 : f32
        %parallel_loop3A_354 = vector.broadcast %parallel_loop3A_353 : f32 to vector<16xf32>
        %parallel_loop3A_355 = arith.subf %parallel_loop3A_352, %parallel_loop3A_354 : vector<16xf32>
        %parallel_loop3A_356 = arith.mulf %parallel_loop3A_355, %get3A_7 : vector<16xf32>
        %parallel_loop3A_357 = arith.constant 7 : i32
        %parallel_loop3A_358 = arith.index_cast %parallel_loop3A_357 : i32 to index
        %parallel_loop3A_359 = arith.index_cast %parallel_loop3A_162 : i32 to index
        %parallel_loop3A_360 = tpu.vector_load %arg13[%parallel_loop3A_358, %parallel_loop3A_359] {strides = array<i32>} : memref<8x1024xf32, #tpu.memory_space<vmem>>, vector<1x16xf32>,
        %parallel_loop3A_361 = vector.shape_cast %parallel_loop3A_360 : vector<1x16xf32> to vector<16xf32>
        %parallel_loop3A_362 = vector.shape_cast %parallel_loop3A_356 : vector<16xf32> to vector<1x16xf32>
        tpu.vector_store %arg13[%parallel_loop3A_358, %parallel_loop3A_359], %parallel_loop3A_362 {strides = array<i32>} : memref<8x1024xf32, #tpu.memory_space<vmem>>, vector<1x16xf32>,
      } {sc.loop_unroll_factor = 2 : i64, sc.parallel_access}
      %mul3A_148 = arith.constant 8 : i32
      %mul3A_149 = arith.muli %add3A_135, %mul3A_148 : i32
      %add3A_150 = arith.addi %mul3A_2, %mul3A_149 : i32
      %dma_start3A_151 = arith.constant 0 : i32
      %dma_start3A_152 = tpu.memref_slice %arg5[%add3A_150, %dma_start3A_151] : memref<8192x1024xf32, #tpu.memory_space<hbm>> -> memref<8x1024xf32, #tpu.memory_space<hbm>>
      %dma_start3A_153 = arith.constant 0 : i32
      %dma_start3A_154 = tpu.memref_slice %arg5[%add3A_150, %dma_start3A_153] : memref<8192x1024xf32, #tpu.memory_space<hbm>> -> memref<8x1024xf32, #tpu.memory_space<hbm>>
      tpu.enqueue_dma source(%arg13 : memref<8x1024xf32, #tpu.memory_space<vmem>>) target(%dma_start3A_154 : memref<8x1024xf32, #tpu.memory_space<hbm>>) target_semaphore(%arg23 : memref<!tpu.dma_semaphore, #tpu.memory_space<semaphore_mem>>)
      %add3A_155 = arith.constant 4 : i32
      %add3A_156 = arith.addi %add3A_135, %add3A_155 : i32
      %lt3A_157 = arith.constant 32 : i32
      %lt3A_158 = arith.cmpi slt, %add3A_156, %lt3A_157 : i32
      %convert_element_type3A_159 = arith.extui %lt3A_158 : i1 to i32
      %cond3A_160 = arith.constant 0 : i32
      %cond3A_161 = arith.cmpi ne, %convert_element_type3A_159, %cond3A_160 : i32
      scf.if %cond3A_161 {
        %add3A_162 = arith.constant 4 : i32
        %add3A_163 = arith.addi %add3A_135, %add3A_162 : i32
        %mul3A_164 = arith.constant 8 : i32
        %mul3A_165 = arith.muli %add3A_163, %mul3A_164 : i32
        %add3A_166 = arith.addi %mul3A_2, %mul3A_165 : i32
        %dma_start3A_167 = arith.constant 0 : i32
        %dma_start3A_168 = tpu.memref_slice %arg2[%add3A_166, %dma_start3A_167] : memref<8192x1024xf32, #tpu.memory_space<hbm>> -> memref<8x1024xf32, #tpu.memory_space<hbm>>
        %dma_start3A_169 = arith.constant 0 : i32
        %dma_start3A_170 = tpu.memref_slice %arg2[%add3A_166, %dma_start3A_169] : memref<8192x1024xf32, #tpu.memory_space<hbm>> -> memref<8x1024xf32, #tpu.memory_space<hbm>>
        tpu.enqueue_dma source(%dma_start3A_170 : memref<8x1024xf32, #tpu.memory_space<hbm>>) target(%arg9 : memref<8x1024xf32, #tpu.memory_space<vmem>>) target_semaphore(%arg19 : memref<!tpu.dma_semaphore, #tpu.memory_space<semaphore_mem>>)
      } else {
      }
    }
    %scan3A_34 = arith.constant 8 : i32
    %dma_wait3A = arith.constant 0 : i32
    %dma_wait3A_35 = tpu.memref_slice %arg5[%mul3A_2, %dma_wait3A] : memref<8192x1024xf32, #tpu.memory_space<hbm>> -> memref<8x1024xf32, #tpu.memory_space<hbm>>
    %dma_wait3A_36 = arith.constant 0 : i32
    %dma_wait3A_37 = tpu.memref_slice %arg5[%mul3A_2, %dma_wait3A_36] : memref<8192x1024xf32, #tpu.memory_space<hbm>> -> memref<8x1024xf32, #tpu.memory_space<hbm>>
    tpu.wait_dma2 semaphore(%arg20 : memref<!tpu.dma_semaphore, #tpu.memory_space<semaphore_mem>>) src(%arg10 : memref<8x1024xf32, #tpu.memory_space<vmem>>) dst(%dma_wait3A_37 : memref<8x1024xf32, #tpu.memory_space<hbm>>)
    %dma_wait3A_38 = arith.constant 0 : i32
    %dma_wait3A_39 = tpu.memref_slice %arg5[%mul3A_2, %dma_wait3A_38] : memref<8192x1024xf32, #tpu.memory_space<hbm>> -> memref<8x1024xf32, #tpu.memory_space<hbm>>
    %dma_wait3A_40 = arith.constant 0 : i32
    %dma_wait3A_41 = tpu.memref_slice %arg5[%mul3A_2, %dma_wait3A_40] : memref<8192x1024xf32, #tpu.memory_space<hbm>> -> memref<8x1024xf32, #tpu.memory_space<hbm>>
    tpu.wait_dma2 semaphore(%arg21 : memref<!tpu.dma_semaphore, #tpu.memory_space<semaphore_mem>>) src(%arg11 : memref<8x1024xf32, #tpu.memory_space<vmem>>) dst(%dma_wait3A_41 : memref<8x1024xf32, #tpu.memory_space<hbm>>)
    %dma_wait3A_42 = arith.constant 0 : i32
    %dma_wait3A_43 = tpu.memref_slice %arg5[%mul3A_2, %dma_wait3A_42] : memref<8192x1024xf32, #tpu.memory_space<hbm>> -> memref<8x1024xf32, #tpu.memory_space<hbm>>
    %dma_wait3A_44 = arith.constant 0 : i32
    %dma_wait3A_45 = tpu.memref_slice %arg5[%mul3A_2, %dma_wait3A_44] : memref<8192x1024xf32, #tpu.memory_space<hbm>> -> memref<8x1024xf32, #tpu.memory_space<hbm>>
    tpu.wait_dma2 semaphore(%arg22 : memref<!tpu.dma_semaphore, #tpu.memory_space<semaphore_mem>>) src(%arg12 : memref<8x1024xf32, #tpu.memory_space<vmem>>) dst(%dma_wait3A_45 : memref<8x1024xf32, #tpu.memory_space<hbm>>)
    %dma_wait3A_46 = arith.constant 0 : i32
    %dma_wait3A_47 = tpu.memref_slice %arg5[%mul3A_2, %dma_wait3A_46] : memref<8192x1024xf32, #tpu.memory_space<hbm>> -> memref<8x1024xf32, #tpu.memory_space<hbm>>
    %dma_wait3A_48 = arith.constant 0 : i32
    %dma_wait3A_49 = tpu.memref_slice %arg5[%mul3A_2, %dma_wait3A_48] : memref<8192x1024xf32, #tpu.memory_space<hbm>> -> memref<8x1024xf32, #tpu.memory_space<hbm>>
    tpu.wait_dma2 semaphore(%arg23 : memref<!tpu.dma_semaphore, #tpu.memory_space<semaphore_mem>>) src(%arg13 : memref<8x1024xf32, #tpu.memory_space<vmem>>) dst(%dma_wait3A_49 : memref<8x1024xf32, #tpu.memory_space<hbm>>)
    return
  }
}

</mosaic_0001>

<sc_bundles>
// kernel: kernel.3.cloned.1.call-start
scs
__scs_entry_jumppad:
0x0: {  	(pc) =	sbr.rel $0x88, $3  }
0x1: {  	(tag) =	ssettag $0x0;
	lr =	simm.s32 $0x1  }
0x2: {  	[smem:$0x3F9E] =	sst lr;
	_ =	strace $0xD0000000  }
0x3: {  	_ = 	snop  }
0x4: {  	_ = 	snop  }
0x5: {  	_ = 	snop  }
0x6: {  	_ = 	snop  }
0x7: {  	_ = 	snop  }
__scs_overlays_trampoline_lowered:
0x8: {  	[smem:$0x3FAD] =	sst s0  }
0x9: {  	[smem:$0x3FAE] =	sst s1  }
0xa: {  	[smem:$0x3FAF] =	sst s2  }
0xb: {  	[smem:$0x3FB0] =	sst s3  }
0xc: {  	[smem:$0x3FB1] =	sst s4  }
0xd: {  	[smem:$0x3FB2] =	sst s5  }
0xe: {  	[smem:$0x3FB3] =	sst s6  }
0xf: {  	[smem:$0x3FB4] =	sst s7  }
0x10: {  	[smem:$0x3FB5] =	sst s8  }
0x11: {  	[smem:$0x3FB6] =	sst s9;
	s0 =	simm.s32 @!p0 $0x0  }
0x12: {  	s1 =	sld [smem:$0x3F9C];
	s0 =	simm.s32 @p0 $0x1  }
0x13: {  	[smem:$0x3FB7] =	sst s0;
	s0 =	simm.s32 @!p1 $0x0  }
0x14: {  	s2 =	sld [smem:$0x3F9B];
	s0 =	simm.s32 @p1 $0x1  }
0x15: {  	[smem:$0x3FB8] =	sst s0;
	s0 =	simm.s32 @!p2 $0x0  }
0x16: {  	s3 =	sld [smem:$0x3FDB];
	s0 =	simm.s32 @p2 $0x1  }
0x17: {  	s4 =	simm.s32 $0x1BF5;
	[smem:$0x3FBA] =	sst s0  }
0x18: {  	s0 =	sld [smem:$0x3F9D];
	_ =	swait.ge [sflag:s4], $0x0  }
0x19: {  	s7 =	sld [smem:$0x3F9E]  }
0x1a: {  	s8 =	sadd.s32 $0xFFFFE003, lr  }
0x1b: {  	s9 =	sadd.s32 $0xFFFFFEF7, lr;
	s5 =	simm.s32 $0xFFFFFFFF;
	p2 =	slt.u32 s8, $0xFFFFF086  }
0x1c: {  	p1 =	slt.u32 s9, $0xF7A;
	s5 =	simm.s32 @!p2 $0x0  }
0x1d: {  	s5 =	simm.s32 @p1 $0x1;
	p0 =	seq.s32 s7, s2  }
0x1e: {  	s7 =	smul.u32 @!p0 $0xF7A, s2;
	p2 =	seq.s32 @!p0 s5, $0x0  }
0x1f: {  	s9 =	smul.u32 $0xF7A, s1;
	s8 =	simm.s32 @!p0 $0x1BF5;
	p2 =	por !p2, p0  }
0x20: {  	[sflag:s8] =	ssyncset.s32 @!p0 $0xFFFFF086;
	s6 =	sadd.s32 @!p0 s3, s7;
	s7 =	simm.s32 @!p0 $0x108  }
0x21: {  	s3 =	sadd.s32 s3, s9;
	s6 =	sadd.s32 @!p0 $0x88, s6;
	s7 =	simm.s32 @p2 $0x1082  }
0x22: {  	[simem:s7], [sflag:s8] =	dma.local @!p0 [hbm:s6], $0xF7A  }
0x23: {  	s9 =	sor.u32 $0xD0000000, s2;
	s6 =	simm.s32 $0x108;
	_ =	swait.ge @!p0 [sflag:s8], $0x0  }
0x24: {  	s3 =	sadd.s32 $0x88, s3;
	s6 =	simm.s32 @!p1 $0x1082;
	[sflag:s4] =	ssyncset.s32 $0xFFFFF086  }
0x25: {  	[simem:s6], [sflag:s4] =	dma.local [hbm:s3], $0xF7A  }
0x26: {  	[smem:$0x3F9E] =	sst s1;
	(tag) =	ssettag s2;
	_ =	strace s9  }
0x27: {  	s1 =	sld [smem:$0x3FAE]  }
0x28: {  	s2 =	sld [smem:$0x3FAF]  }
0x29: {  	s4 =	sld [smem:$0x3FB1]  }
0x2a: {  	p0 =	seq.s32 s5, $0x0;
	s5 =	sld [smem:$0x3FB2]  }
0x2b: {  	s6 =	sld [smem:$0x3FB3]  }
0x2c: {  	s7 =	sld [smem:$0x3FB4]  }
0x2d: {  	s3 =	simm.s32 $0x108;
	s8 =	sld [smem:$0x3FB5]  }
0x2e: {  	s3 =	simm.s32 @!p0 $0x1082;
	s9 =	sld [smem:$0x3FB6]  }
0x2f: {  	lr =	sadd.s32 s0, s3;
	s0 =	sld [smem:$0x3FAD]  }
0x30: {  	s3 =	sld [smem:$0x3FB0]  }
0x31: {  	[smem:$0x3FB9] =	sst s10  }
0x32: {  	s10 =	sld [smem:$0x3FB7];
	_ =	sdelay $0x3  }
0x33: {  	p0 =	seq.s32 s10, $0x1;
	s10 =	sld [smem:$0x3FB9];
	_ =	sdelay $0x3  }
0x34: {  	[smem:$0x3FB9] =	sst s10  }
0x35: {  	s10 =	sld [smem:$0x3FB8];
	_ =	sdelay $0x3  }
0x36: {  	p1 =	seq.s32 s10, $0x1;
	s10 =	sld [smem:$0x3FB9];
	_ =	sdelay $0x3  }
0x37: {  	[smem:$0x3FB9] =	sst s10  }
0x38: {  	s10 =	sld [smem:$0x3FBA]  }
0x39: {  	_ = 	snop;
	(pc) =	sbr.ind lr, $3  }
0x3a: {  	_ = 	snop  }
0x3b: {  	_ = 	snop  }
0x3c: {  	p2 =	seq.s32 s10, $0x1;
	s10 =	sld [smem:$0x3FB9]  }
0x3d: {  	_ =	shalt  }
0x3e: {  	_ =	shalt  }
0x3f: {  	_ =	shalt  }
0x40: {  	_ =	shalt  }
0x41: {  	_ =	shalt  }
0x42: {  	_ =	shalt  }
0x43: {  	_ =	shalt  }
0x44: {  	_ =	shalt  }
0x45: {  	_ =	shalt  }
0x46: {  	_ =	shalt  }
0x47: {  	_ =	shalt  }
0x48: {  	_ =	shalt  }
0x49: {  	_ =	shalt  }
0x4a: {  	_ =	shalt  }
0x4b: {  	_ =	shalt  }
0x4c: {  	_ =	shalt  }
0x4d: {  	_ =	shalt  }
0x4e: {  	_ =	shalt  }
0x4f: {  	_ =	shalt  }
0x50: {  	_ =	shalt  }
0x51: {  	_ =	shalt  }
0x52: {  	_ =	shalt  }
0x53: {  	_ =	shalt  }
0x54: {  	_ =	shalt  }
0x55: {  	_ =	shalt  }
0x56: {  	_ =	shalt  }
0x57: {  	_ =	shalt  }
0x58: {  	_ =	shalt  }
0x59: {  	_ =	shalt  }
0x5a: {  	_ =	shalt  }
0x5b: {  	_ =	shalt  }
0x5c: {  	_ =	shalt  }
0x5d: {  	_ =	shalt  }
0x5e: {  	_ =	shalt  }
0x5f: {  	_ =	shalt  }
0x60: {  	_ =	shalt  }
0x61: {  	_ =	shalt  }
0x62: {  	_ =	shalt  }
0x63: {  	_ =	shalt  }
0x64: {  	_ =	shalt  }
0x65: {  	_ =	shalt  }
0x66: {  	_ =	shalt  }
0x67: {  	_ =	shalt  }
0x68: {  	_ =	shalt  }
0x69: {  	_ =	shalt  }
0x6a: {  	_ =	shalt  }
0x6b: {  	_ =	shalt  }
0x6c: {  	_ =	shalt  }
0x6d: {  	_ =	shalt  }
0x6e: {  	_ =	shalt  }
0x6f: {  	_ =	shalt  }
0x70: {  	_ =	shalt  }
0x71: {  	_ =	shalt  }
0x72: {  	_ =	shalt  }
0x73: {  	_ =	shalt  }
0x74: {  	_ =	shalt  }
0x75: {  	_ =	shalt  }
0x76: {  	_ =	shalt  }
0x77: {  	_ =	shalt  }
0x78: {  	_ =	shalt  }
0x79: {  	_ =	shalt  }
0x7a: {  	_ =	shalt  }
0x7b: {  	_ =	shalt  }
0x7c: {  	_ =	shalt  }
0x7d: {  	_ =	shalt  }
0x7e: {  	_ =	shalt  }
0x7f: {  	_ =	shalt  }
0x80: {  	_ =	shalt  }
0x81: {  	_ =	shalt  }
0x82: {  	_ =	shalt  }
0x83: {  	_ =	shalt  }
0x84: {  	_ =	shalt  }
0x85: {  	_ =	shalt  }
0x86: {  	_ =	shalt  }
0x87: {  	_ =	shalt  }
.Lfunc_end0:
.L_simem_size_0:
called_computation_lowered:
.L_overlay_start_0:
0x88: {  	s2 =	sld [smem:$0x3FD9]  }
0x89: {  	s3 =	sld [smem:$0x3FFE];
	_ =	sdelay $0x1  }
0x8a: {  	s1 =	srdreg.scid  }
0x8b: {  	s0 =	sand.u32 $0x1, s1  }
0x8c: {  	s17 =	sshll.u32 s0, $0xA;
	s2 =	sadd.s32 s3, s2  }
0x8d: {  	s2 =	sadd.s32 s2, s17  }
0x8e: {  	[smem:$0x3FC5] =	sst s2  }
0x8f: {  	_ = 	snop  }
0x90: {  	s2 =	sld [smem:$0x3FC9]  }
0x91: {  	s18 =	sld [smem:$0x3FD0];
	(tm) =	ssettm $0x1  }
0x92: {  	s4 =	sld [smem:$0x3FFB];
	_ =	sdelay $0x3  }
0x93: {  	_ =	strace s4  }
0x94: {  	s4 =	sld [smem:$0x3FFC];
	_ =	sdelay $0x3  }
0x95: {  	_ =	strace s4  }
0x96: {  	s4 =	sld [smem:$0x3FFD];
	_ =	sdelay $0x3  }
0x97: {  	_ =	strace s4  }
0x98: {  	_ =	strace $0x8FFFFFFF  }
0x99: {  	s19 =	sld [smem:$0x3FDB];
	_ =	sdelay $0x1  }
0x9a: {  	s5 =	simm.s32 $_scs_section_size  }
0x9b: {  	s6 =	simm.s32 $_size__tile_overlayer_lowered;
	s7 =	simm.s32 $_tile_overlayer_lowered  }
0x9c: {  	s22 =	simm.s32 $0x1BFF;
	s21 =	sshll.u32 s7, $0x1;
	s4 =	sadd.s32 s5, s19  }
0x9d: {  	s8 =	simm.s32 $0x0;
	s20 =	sshll.u32 s6, $0x1;
	s6 =	sadd.s32 s21, s4  }
0x9e: {  	[timem:s8], [sflag:s22] =	dma.local [hbm:s6], s20  }
0x9f: {  	_ =	swait.ge [sflag:s22], s20  }
0xa0: {  	s5 =	ssub.s32 $0x0, s20;
	[sflag:s22] =	ssyncset.done $0x0  }
0xa1: {  	[sflag:s22] =	ssyncadd.s32 s5;
	_ =	sdelay $0x1  }
0xa2: {  	s23 =	simm.s32 $0x1B8B  }
0xa3: {  	_ =	swait.ge [sflag:s23], $0x1  }
0xa4: {  	[sflag:s23] =	ssyncset.done $0x0  }
0xa5: {  	s25 =	simm.s32 $0x1B8E;
	s24 =	sld [smem:$0x3FFE];
	[sflag:s23] =	ssyncadd.s32 $0xFFFFFFFF  }
0xa6: {  	s26 =	simm.s32 $execute0_lowered;
	[smem:$0x3FD2] =	sst s25  }
0xa7: {  	s6 =	sshll.u32 s26, $0x1;
	_ =	strace $0x80000046;
	[dreg:$0x1] =	wrdreg $0xFFFFFFFF  }
0xa8: {  	s28 =	simm.s32 $_size_execute0_lowered;
	s4 =	sadd.s32 s4, s6;
	[dreg:$0x0] =	wrdreg $0x0  }
0xa9: {  	s6 =	sshll.u32 s28, $0x1;
	[dreg:$0x2] =	wrdreg s4  }
0xaa: {  	[dreg:$0x3] =	wrdreg s6  }
0xab: {  	[dreg:$0x4] =	wrdreg $0xC0  }
0xac: {  	_ =	task [dreg:s8], $0x5FFFF  }
0xad: {  	[dreg:$0x1] =	wrdreg $0xFFFFFFFF  }
0xae: {  	[dreg:$0x0] =	wrdreg $0x60  }
0xaf: {  	[dreg:$0x2] =	wrdreg s2  }
0xb0: {  	[dreg:$0x3] =	wrdreg s24  }
0xb1: {  	[dreg:$0x4] =	wrdreg s18  }
0xb2: {  	[dreg:$0x5] =	wrdreg $0x9  }
0xb3: {  	_ =	task.clear_ibuf [dreg:s8], $0x6FFFF;
	_ =	strace $0x90000046  }
0xb4: {  	s29 =	simm.s32 $0x9;
	_ =	strace $0x80000048  }
0xb5: {  	_ =	swait.ge [sflag:s29], $0x1  }
0xb6: {  	[sflag:s29] =	ssyncadd.s32 $0xFFFFFFFF  }
0xb7: {  	_ =	strace $0x90000048  }
0xb8: {  	_ =	sfence  }
0xb9: {  	s30 =	sld [smem:$0x0];
	_ =	sdelay $0x2  }
0xba: {  	s31 =	sshll.u32 s1, $0xD;
	s1 =	sshrl.u32 s1, $0x2  }
0xbb: {  	s3 =	sand.u32 $0x4000, s31;
	s1 =	sadd.s32 s1, s30  }
0xbc: {  	s0 =	sor.u32 s3, s0;
	s1 =	sshll.u32 s1, $0x11  }
0xbd: {  	s0 =	sor.u32 s1, s0  }
0xbe: {  	s0 =	sadd.s32 $0x8F2B, s0  }
0xbf: {  	[sflag:s0] =	ssyncadd.remote.s32 $0x1  }
0xc0: {  	_ =	sfence.sel $0xFFFF  }
0xc1: {  	[dreg:$0x0] =	wrdreg $0xFFFFFFFF;
	(pc) =	sbr.abs _section_cstart, $3  }
0xc2: {  	[dreg:$0x1] =	wrdreg $0xFFFFFFFF  }
0xc3: {  	_ =	task.clear_ibuf [dreg:s8], $0x2FFFF;
	_ =	strace $0x9FFFFFFF  }
0xc4: {  	(tm) =	ssettm $0x7FFFFFFF  }
0xc5: {  	_ =	shalt  }
tec
execute0_lowered:
.L_overlay_start_1:
0x0: {  	(tag) =	ssettag $0x1  }
0x1: {  	s1 =	rddreg [dreg:$0x0]  }
0x2: {  	s4 =	rddreg [dreg:$0x1]  }
0x3: {  	s6 =	rddreg [dreg:$0x2]  }
0x4: {  	s0 =	srdreg.scid;
	s2 =	stileid.u32  }
0x5: {  	s5 =	simm.s32 $0x0;
	s0 =	sand.u32 $0x1, s0;
	s2 =	sshll.u32 s2, $0x9  }
0x6: {  	[smem:$0x7FF] =	sst s5;
	s19 =	sadd.s32 $0x200, s4;
	s3 =	sshll.u32 s0, $0x8  }
0x7: {  	_ =	strace $0x80000047;
	[dreg:$0x5] =	wrdreg s19;
	s7 =	sor.u32 s3, s2  }
0x8: {  	s2 =	sshll.u32 s7, $0x7;
	[dreg:$0x4] =	wrdreg s7;
	s25 =	sshrl.u32 s7, $0x3  }
0x9: {  	s21 =	sadd.s32 s1, s2;
	[dreg:$0xb] =	wrdreg s25  }
0xa: {  	s2 =	sadd.s32 s6, s2;
	[dreg:$0x6] =	wrdreg s21  }
0xb: {  	s0 =	ssub.s32 $0x2, s0;
	s26 =	sor.u32 $0x4, s25;
	[dreg:$0xa] =	wrdreg s2  }
0xc: {  	s20 =	sshrl.u32 s0, $0x1;
	s29 =	sor.u32 $0x5, s25;
	[dreg:$0xc] =	wrdreg s26  }
0xd: {  	s0 =	ssub.s32 s0, s20;
	s30 =	sor.u32 $0x6, s25;
	[dreg:$0xd] =	wrdreg s29  }
0xe: {  	s0 =	smax.u32 s0, $0x1;
	[dreg:$0xe] =	wrdreg s30  }
.Ltmp0:
0xf: {  	s22 =	sadd.s32 $0x400, s21;
	[dreg:$0x10] =	wrdreg s0;
	(pc) =	sbr.rel .LBB2_1-.Ltmp0, $4  }
0x10: {  	s28 =	simm.s32 $0x2;
	s23 =	sadd.s32 $0x800, s21;
	[dreg:$0x7] =	wrdreg s22  }
0x11: {  	s31 =	simm.s32 $0x3;
	s24 =	sadd.s32 $0xC00, s21;
	[dreg:$0x8] =	wrdreg s23  }
0x12: {  	s4 =	simm.s32 $0x0;
	s2 =	sor.u32 $0x7, s25;
	[dreg:$0x9] =	wrdreg s24  }
0x13: {  	s25 =	simm.s32 $0x1;
	[dreg:$0xf] =	wrdreg s2;
	s2 =	simm.s32 $0x4  }
.LBB2_20:
0x14: {  	s0 =	simm.s32 $0x5  }
0x15: {  	_ =	swait.ge [sflag:s0], $0x2000  }
0x16: {  	[sflag:s0] =	ssyncset.done $0x0  }
0x17: {  	s26 =	simm.s32 $0x6;
	[sflag:s0] =	ssyncadd.s32 $0xFFFFE000  }
0x18: {  	_ =	swait.ge [sflag:s26], $0x2000  }
0x19: {  	[sflag:s26] =	ssyncset.done $0x0  }
0x1a: {  	s29 =	simm.s32 $0x7;
	[sflag:s26] =	ssyncadd.s32 $0xFFFFE000  }
0x1b: {  	_ =	swait.ge [sflag:s29], $0x2000  }
0x1c: {  	[sflag:s29] =	ssyncset.done $0x0  }
0x1d: {  	s3 =	simm.s32 $0x8;
	[sflag:s29] =	ssyncadd.s32 $0xFFFFE000  }
0x1e: {  	_ =	swait.ge [sflag:s3], $0x2000  }
0x1f: {  	s4 =	rddreg [dreg:$0x11]  }
0x20: {  	s30 =	rddreg [dreg:$0x10];
	s4 =	sadd.s32 $0x1, s4  }
0x21: {  	p0 =	sne.s32 s4, s30  }
.Ltmp1:
0x22: {  	_ = 	snop;
	(pc) =	sbr.rel @!p0 .LBB2_21-.Ltmp1, $3  }
0x23: {  	_ =	sdelay $0x1  }
0x24: {  	[sflag:s3] =	ssyncset.done $0x0  }
0x25: {  	[sflag:s3] =	ssyncadd.s32 $0xFFFFE000  }
.LBB2_1:
0x26: {  	[dreg:$0x11] =	wrdreg s4  }
0x27: {  	s0 =	rddreg [dreg:$0x1];
	s3 =	simm.s32 $0x10000;
	s18 =	simm.s32 $0x9  }
0x28: {  	[tilespmem:s3], [sflag:$0x9] =	stream.linear.gather [hbm4b:s0+s5], $0x80, $0x38;
	[tilespmem:$0x10100] =	vst v63  }
0x29: {  	_ =	swait.ge [sflag:s18], $0x80  }
0x2a: {  	[sflag:s18] =	ssyncset.done $0x0  }
0x2b: {  	s20 =	simm.s32 $0x10080;
	s19 =	rddreg [dreg:$0x5];
	[sflag:s18] =	ssyncadd.s32 $0xFFFFFF80  }
0x2c: {  	[tilespmem:s20], [sflag:$0x9] =	stream.linear.gather [hbm4b:s19+s5], $0x80, $0x38;
	[tilespmem:$0x10100] =	vst v63  }
0x2d: {  	_ =	swait.ge [sflag:s18], $0x80  }
0x2e: {  	[sflag:s18] =	ssyncset.done $0x0  }
0x2f: {  	[sflag:s18] =	ssyncadd.s32 $0xFFFFFF80  }
0x30: {  	s21 =	rddreg [dreg:$0x6];
	v0 =	vld [tilespmem:$0x10000]  }
0x31: {  	v1 =	vld [tilespmem:$0x10080];
	[tilespmem:s5], [sflag:$0x1] =	stream.linear.gather [hbm4b:s21+s5], $0x2000, $0x38  }
0x32: {  	s23 =	simm.s32 $0x2000;
	s22 =	rddreg [dreg:$0x7]  }
0x33: {  	[tilespmem:s23], [sflag:$0x2] =	stream.linear.gather [hbm4b:s22+s5], $0x2000, $0x38;
	[tilespmem:$0x10100] =	vst v63  }
0x34: {  	s26 =	simm.s32 $0x4000;
	s24 =	rddreg [dreg:$0x8]  }
0x35: {  	[tilespmem:s26], [sflag:$0x3] =	stream.linear.gather [hbm4b:s24+s5], $0x2000, $0x38;
	[tilespmem:$0x10100] =	vst v63  }
0x36: {  	s30 =	simm.s32 $0x6000;
	s9 =	simm.s32 $0x0;
	s29 =	rddreg [dreg:$0x9]  }
0x37: {  	[tilespmem:s30], [sflag:$0x4] =	stream.linear.gather [hbm4b:s29+s5], $0x2000, $0x38;
	[tilespmem:$0x10100] =	vst v63  }
.LBB2_2:
0x38: {  	_ =	swait.ge [sflag:s25], $0x2000  }
0x39: {  	p0 =	seq.s32 s9, $0x0;
	[sflag:s25] =	ssyncset.done $0x0  }
0x3a: {  	s0 =	simm.s32 @!p0 $0x5;
	[sflag:s25] =	ssyncadd.s32 $0xFFFFE000  }
0x3b: {  	s7 =	simm.s32 $0x0;
	s11 =	simm.s32 $0x0;
	_ =	swait.ge @!p0 [sflag:s0], $0x2000  }
0x3c: {  	s3 =	sand.u32 $0x60, s11;
	s4 =	sand.u32 $0x1C00, s7;
	[sflag:s0] =	ssyncset.done @!p0 $0x0  }
0x3d: {  	s3 =	sor.u32 s3, s4;
	[sflag:s0] =	ssyncadd.s32 @!p0 $0xFFFFE000  }
0x3e: {  	v2 =	vld [tilespmem:s3+$0x10]  }
0x3f: {  	v3 =	vld [tilespmem:s3+$0x90]  }
0x40: {  	v4 =	vld [tilespmem:s3+$0x110]  }
0x41: {  	v5 =	vld [tilespmem:s3+$0x190]  }
0x42: {  	v6 =	vld [tilespmem:s3+$0x210]  }
0x43: {  	v7 =	vld [tilespmem:s3+$0x290];
	_ =	sdelay $0x2  }
0x44: {  	v2 =	vmul.f32 v2, v0;
	v3 =	vmul.f32 v3, v0  }
0x45: {  	v4 =	vmul.f32 v4, v0;
	v5 =	vmul.f32 v5, v0  }
0x46: {  	v6 =	vmul.f32 v6, v0;
	v7 =	vmul.f32 v7, v0  }
0x47: {  	v2 =	vmax.f32 v2, $-1.270000000e+02;
	v3 =	vmax.f32 v3, $-1.270000000e+02;
	v4 =	vmax.f32 v4, $-1.270000000e+02  }
0x48: {  	s8 =	simm.s32 $0x20;
	s18 =	simm.s32 $0x100;
	s29 =	sand.u32 $0x3, s7;
	v8 =	vld [tilespmem:s3+$0x0];
	v5 =	vmax.f32 v5, $-1.270000000e+02;
	v6 =	vmax.f32 v6, $-1.270000000e+02;
	v2 =	vmin.f32 v2, $1.270000000e+02  }
0x49: {  	s14 =	sand.u32 $0x60, s8;
	s12 =	sand.u32 $0x1C00, s18;
	s0 =	sshll.u32 s29, $0x5;
	v9 =	vld [tilespmem:s3+$0x80];
	v7 =	vmax.f32 v7, $-1.270000000e+02;
	v3 =	vmin.f32 v3, $1.270000000e+02;
	v2 =	vadd.f32 $1.258291200e+07, v2  }
0x4a: {  	v10 =	vld [tilespmem:s3+$0x100];
	s30 =	sadd.s32 $0x0, s0;
	s0 =	sor.u32 s14, s12;
	v4 =	vmin.f32 v4, $1.270000000e+02;
	v5 =	vmin.f32 v5, $1.270000000e+02;
	v3 =	vadd.f32 $1.258291200e+07, v3  }
0x4b: {  	v11 =	vld [tilespmem:s0+$0x110];
	v6 =	vmin.f32 v6, $1.270000000e+02;
	v4 =	vadd.f32 $1.258291200e+07, v4;
	v2 =	vadd.f32 $-1.258291200e+07, v2  }
0x4c: {  	v13 =	vld [tilespmem:s0+$0x210];
	v7 =	vmin.f32 v7, $1.270000000e+02;
	v5 =	vadd.f32 $1.258291200e+07, v5;
	v3 =	vadd.f32 $-1.258291200e+07, v3  }
0x4d: {  	v12 =	vld [tilespmem:s0+$0x190];
	v6 =	vadd.f32 $1.258291200e+07, v6;
	v4 =	vadd.f32 $-1.258291200e+07, v4;
	v2 =	vmul.f32 v2, v1  }
0x4e: {  	v14 =	vld [tilespmem:s0+$0x290];
	v7 =	vadd.f32 $1.258291200e+07, v7;
	v5 =	vadd.f32 $-1.258291200e+07, v5;
	v3 =	vmul.f32 v3, v1  }
0x4f: {  	[tilespmem:s3+$0x8010] =	vst v2;
	v2 =	vmul.f32 v4, v1;
	v4 =	vadd.f32 $-1.258291200e+07, v6;
	v6 =	vld [tilespmem:s3+$0x180]  }
0x50: {  	v11 =	vmul.f32 v11, v0;
	[tilespmem:s3+$0x8090] =	vst v3;
	v3 =	vmul.f32 v5, v1;
	v5 =	vadd.f32 $-1.258291200e+07, v7;
	v7 =	vld [tilespmem:s3+$0x200]  }
0x51: {  	v13 =	vmul.f32 v13, v0;
	[tilespmem:s3+$0x8110] =	vst v2;
	v2 =	vmul.f32 v4, v1  }
0x52: {  	v4 =	vld [tilespmem:s3+$0x280];
	[tilespmem:s3+$0x8190] =	vst v3;
	v3 =	vmul.f32 v5, v1;
	v5 =	vmul.f32 v9, v0  }
0x53: {  	v12 =	vmul.f32 v12, v0;
	v14 =	vmul.f32 v14, v0;
	v13 =	vmax.f32 v13, $-1.270000000e+02;
	v9 =	vld [tilespmem:s0+$0x10];
	[tilespmem:s3+$0x8210] =	vst v2  }
0x54: {  	v2 =	vmul.f32 v8, v0;
	[tilespmem:s3+$0x8290] =	vst v3;
	v3 =	vmul.f32 v10, v0;
	v5 =	vmax.f32 v5, $-1.270000000e+02  }
0x55: {  	s6 =	sadd.s32 $0x10, s30;
	v6 =	vmul.f32 v6, v0;
	v7 =	vmul.f32 v7, v0;
	v5 =	vmin.f32 v5, $1.270000000e+02  }
0x56: {  	s10 =	sor.u32 $0x300, s6;
	v2 =	vmax.f32 v2, $-1.270000000e+02;
	v3 =	vmax.f32 v3, $-1.270000000e+02;
	v5 =	vadd.f32 $1.258291200e+07, v5  }
0x57: {  	v8 =	vld [tilespmem:s10+$0x0];
	v6 =	vmax.f32 v6, $-1.270000000e+02;
	v4 =	vmul.f32 v4, v0;
	v2 =	vmin.f32 v2, $1.270000000e+02  }
0x58: {  	v7 =	vmax.f32 v7, $-1.270000000e+02;
	v3 =	vmin.f32 v3, $1.270000000e+02;
	v9 =	vmul.f32 v9, v0  }
0x59: {  	v6 =	vmin.f32 v6, $1.270000000e+02;
	v2 =	vadd.f32 $1.258291200e+07, v2;
	v7 =	vmin.f32 v7, $1.270000000e+02  }
0x5a: {  	v3 =	vadd.f32 $1.258291200e+07, v3;
	v5 =	vadd.f32 $-1.258291200e+07, v5;
	v4 =	vmax.f32 v4, $-1.270000000e+02  }
0x5b: {  	v6 =	vadd.f32 $1.258291200e+07, v6;
	v7 =	vadd.f32 $1.258291200e+07, v7;
	v9 =	vmax.f32 v9, $-1.270000000e+02  }
0x5c: {  	v8 =	vmul.f32 v8, v0;
	v2 =	vadd.f32 $-1.258291200e+07, v2;
	v3 =	vadd.f32 $-1.258291200e+07, v3  }
0x5d: {  	v10 =	vld [tilespmem:s0+$0x90];
	v5 =	vmul.f32 v5, v1;
	v9 =	vmin.f32 v9, $1.270000000e+02;
	v6 =	vadd.f32 $-1.258291200e+07, v6  }
0x5e: {  	v4 =	vmin.f32 v4, $1.270000000e+02;
	v7 =	vadd.f32 $-1.258291200e+07, v7;
	v9 =	vadd.f32 $1.258291200e+07, v9  }
0x5f: {  	v8 =	vmax.f32 v8, $-1.270000000e+02;
	v3 =	vmul.f32 v3, v1;
	[tilespmem:s3+$0x8080] =	vst v5;
	v5 =	vmin.f32 v13, $1.270000000e+02  }
0x60: {  	v13 =	vld [tilespmem:s0+$0x180];
	v8 =	vmin.f32 v8, $1.270000000e+02;
	v6 =	vmul.f32 v6, v1;
	v5 =	vadd.f32 $1.258291200e+07, v5  }
0x61: {  	v4 =	vadd.f32 $1.258291200e+07, v4;
	v7 =	vmul.f32 v7, v1;
	v8 =	vadd.f32 $1.258291200e+07, v8;
	[tilespmem:s3+$0x8100] =	vst v3;
	v3 =	vld [tilespmem:s0+$0x0]  }
0x62: {  	v10 =	vmul.f32 v10, v0;
	v9 =	vadd.f32 $-1.258291200e+07, v9;
	[tilespmem:s3+$0x8180] =	vst v6;
	v6 =	vld [tilespmem:s0+$0x80];
	v5 =	vadd.f32 $-1.258291200e+07, v5  }
0x63: {  	v2 =	vmul.f32 v2, v1;
	v4 =	vadd.f32 $-1.258291200e+07, v4;
	[tilespmem:s3+$0x8200] =	vst v7;
	v7 =	vld [tilespmem:s0+$0x100];
	v8 =	vadd.f32 $-1.258291200e+07, v8  }
0x64: {  	v9 =	vmul.f32 v9, v1;
	v5 =	vmul.f32 v5, v1  }
0x65: {  	v4 =	vmul.f32 v4, v1;
	v8 =	vmul.f32 v8, v1  }
0x66: {  	v14 =	vmax.f32 v14, $-1.270000000e+02;
	v3 =	vmul.f32 v3, v0;
	[tilespmem:s0+$0x8210] =	vst v5;
	v5 =	vmul.f32 v13, v0  }
0x67: {  	[tilespmem:s10+$0x8000] =	vst v8;
	v8 =	vmax.f32 v10, $-1.270000000e+02;
	v10 =	vmax.f32 v11, $-1.270000000e+02;
	v11 =	vmax.f32 v12, $-1.270000000e+02  }
0x68: {  	v6 =	vmul.f32 v6, v0;
	v7 =	vmul.f32 v7, v0;
	v8 =	vmin.f32 v8, $1.270000000e+02  }
0x69: {  	s15 =	simm.s32 $0x1;
	[tilespmem:s3+$0x8000] =	vst v2;
	v10 =	vmin.f32 v10, $1.270000000e+02;
	v2 =	vmin.f32 v11, $1.270000000e+02;
	v11 =	vmin.f32 v14, $1.270000000e+02  }
0x6a: {  	s20 =	simm.s32 $0x200;
	[tilespmem:s3+$0x8280] =	vst v4;
	s3 =	simm.s32 $0x40;
	s10 =	sor.u32 $0x380, s6;
	v3 =	vmax.f32 v3, $-1.270000000e+02;
	v8 =	vadd.f32 $1.258291200e+07, v8;
	v10 =	vadd.f32 $1.258291200e+07, v10  }
0x6b: {  	s17 =	sand.u32 $0x60, s3;
	s6 =	sand.u32 $0x3, s15;
	s15 =	sand.u32 $0x1C00, s20;
	v12 =	vld [tilespmem:s10+$0x0];
	v5 =	vmax.f32 v5, $-1.270000000e+02;
	v2 =	vadd.f32 $1.258291200e+07, v2;
	v11 =	vadd.f32 $1.258291200e+07, v11  }
0x6c: {  	s4 =	sor.u32 s17, s15;
	v6 =	vmax.f32 v6, $-1.270000000e+02;
	v3 =	vmin.f32 v3, $1.270000000e+02;
	v5 =	vmin.f32 v5, $1.270000000e+02  }
0x6d: {  	s6 =	sshll.u32 s6, $0x5;
	v7 =	vmax.f32 v7, $-1.270000000e+02;
	v13 =	vld [tilespmem:s4+$0x110];
	v3 =	vadd.f32 $1.258291200e+07, v3;
	v5 =	vadd.f32 $1.258291200e+07, v5  }
0x6e: {  	s23 =	simm.s32 $0x60;
	s16 =	sadd.s32 $0x100, s6;
	v14 =	vld [tilespmem:s4+$0x190];
	v6 =	vmin.f32 v6, $1.270000000e+02;
	v8 =	vadd.f32 $-1.258291200e+07, v8;
	v10 =	vadd.f32 $-1.258291200e+07, v10  }
0x6f: {  	v15 =	vld [tilespmem:s4+$0x210];
	s6 =	sadd.s32 $0x10, s16;
	v7 =	vmin.f32 v7, $1.270000000e+02;
	s26 =	sor.u32 $0x300, s16;
	s16 =	simm.s32 $0x300;
	v2 =	vadd.f32 $-1.258291200e+07, v2;
	v6 =	vadd.f32 $1.258291200e+07, v6  }
0x70: {  	s29 =	sand.u32 $0x60, s23;
	s14 =	sor.u32 $0x300, s30;
	v16 =	vld [tilespmem:s4+$0x290];
	v7 =	vadd.f32 $1.258291200e+07, v7;
	s30 =	sand.u32 $0x1C00, s16;
	v3 =	vadd.f32 $-1.258291200e+07, v3;
	v12 =	vmul.f32 v12, v0  }
0x71: {  	[tilespmem:s0+$0x8010] =	vst v9;
	v5 =	vadd.f32 $-1.258291200e+07, v5;
	s12 =	sor.u32 s29, s30;
	v8 =	vmul.f32 v8, v1;
	v9 =	vmul.f32 v10, v1;
	v10 =	vld [tilespmem:s0+$0x200]  }
0x72: {  	v2 =	vmul.f32 v2, v1;
	v6 =	vadd.f32 $-1.258291200e+07, v6;
	v7 =	vadd.f32 $-1.258291200e+07, v7;
	v17 =	vld [tilespmem:s12+$0x210]  }
0x73: {  	v18 =	vld [tilespmem:s12+$0x290];
	v3 =	vmul.f32 v3, v1;
	v5 =	vmul.f32 v5, v1;
	v12 =	vmax.f32 v12, $-1.270000000e+02;
	[tilespmem:s0+$0x8090] =	vst v8  }
0x74: {  	v19 =	vld [tilespmem:s12+$0x0];
	v13 =	vmul.f32 v13, v0;
	v8 =	vadd.f32 $-1.258291200e+07, v11;
	[tilespmem:s0+$0x8110] =	vst v9;
	v12 =	vmin.f32 v12, $1.270000000e+02  }
0x75: {  	v14 =	vmul.f32 v14, v0;
	v11 =	vld [tilespmem:s0+$0x280];
	[tilespmem:s0+$0x8190] =	vst v2;
	v7 =	vmul.f32 v7, v1;
	v12 =	vadd.f32 $1.258291200e+07, v12  }
0x76: {  	v15 =	vmul.f32 v15, v0;
	v9 =	vld [tilespmem:s14+$0x0];
	[tilespmem:s0+$0x8180] =	vst v5;
	v2 =	vmul.f32 v8, v1  }
0x77: {  	v16 =	vmul.f32 v16, v0;
	v6 =	vmul.f32 v6, v1;
	v5 =	vld [tilespmem:s4+$0x80];
	[tilespmem:s0+$0x8100] =	vst v7;
	v8 =	vadd.f32 $-1.258291200e+07, v12  }
0x78: {  	s13 =	sor.u32 $0x300, s6;
	v7 =	vld [tilespmem:s4+$0x0];
	v4 =	vmul.f32 v10, v0;
	v17 =	vmul.f32 v17, v0;
	[tilespmem:s0+$0x8290] =	vst v2  }
0x79: {  	v15 =	vmax.f32 v15, $-1.270000000e+02;
	v18 =	vmul.f32 v18, v0;
	v2 =	vmul.f32 v8, v1;
	v8 =	vld [tilespmem:s13+$0x0]  }
0x7a: {  	v16 =	vmax.f32 v16, $-1.270000000e+02;
	v36 =	vmul.f32 v19, v0;
	v10 =	vmul.f32 v11, v0  }
0x7b: {  	v12 =	vld [tilespmem:s4+$0x90];
	v4 =	vmax.f32 v4, $-1.270000000e+02;
	v9 =	vmul.f32 v9, v0;
	v17 =	vmax.f32 v17, $-1.270000000e+02  }
0x7c: {  	v18 =	vmax.f32 v18, $-1.270000000e+02;
	v4 =	vmin.f32 v4, $1.270000000e+02;
	v5 =	vmul.f32 v5, v0  }
0x7d: {  	v11 =	vld [tilespmem:s4+$0x10];
	v10 =	vmax.f32 v10, $-1.270000000e+02;
	v4 =	vadd.f32 $1.258291200e+07, v4;
	v9 =	vmax.f32 v9, $-1.270000000e+02  }
0x7e: {  	v7 =	vmul.f32 v7, v0;
	v10 =	vmin.f32 v10, $1.270000000e+02;
	v8 =	vmul.f32 v8, v0  }
0x7f: {  	v9 =	vmin.f32 v9, $1.270000000e+02;
	v5 =	vmax.f32 v5, $-1.270000000e+02;
	v10 =	vadd.f32 $1.258291200e+07, v10  }
0x80: {  	v4 =	vadd.f32 $-1.258291200e+07, v4;
	v12 =	vmul.f32 v12, v0;
	v8 =	vmax.f32 v8, $-1.270000000e+02  }
0x81: {  	v9 =	vadd.f32 $1.258291200e+07, v9;
	v7 =	vmax.f32 v7, $-1.270000000e+02;
	v8 =	vmin.f32 v8, $1.270000000e+02  }
0x82: {  	v5 =	vmin.f32 v5, $1.270000000e+02;
	v11 =	vmul.f32 v11, v0;
	v8 =	vadd.f32 $1.258291200e+07, v8  }
0x83: {  	v7 =	vmin.f32 v7, $1.270000000e+02;
	v5 =	vadd.f32 $1.258291200e+07, v5;
	v10 =	vadd.f32 $-1.258291200e+07, v10  }
0x84: {  	v4 =	vmul.f32 v4, v1;
	v11 =	vmax.f32 v11, $-1.270000000e+02;
	v8 =	vadd.f32 $-1.258291200e+07, v8  }
0x85: {  	v9 =	vadd.f32 $-1.258291200e+07, v9;
	v7 =	vadd.f32 $1.258291200e+07, v7;
	v11 =	vmin.f32 v11, $1.270000000e+02  }
0x86: {  	v5 =	vadd.f32 $-1.258291200e+07, v5;
	v11 =	vadd.f32 $1.258291200e+07, v11;
	v8 =	vmul.f32 v8, v1  }
0x87: {  	v10 =	vmul.f32 v10, v1;
	v9 =	vmul.f32 v9, v1;
	v7 =	vadd.f32 $-1.258291200e+07, v7  }
0x88: {  	s22 =	sor.u32 $0x380, s6;
	v5 =	vmul.f32 v5, v1;
	v11 =	vadd.f32 $-1.258291200e+07, v11;
	[tilespmem:s13+$0x8000] =	vst v8;
	v8 =	vmax.f32 v12, $-1.270000000e+02  }
0x89: {  	[tilespmem:s0+$0x8000] =	vst v3;
	v12 =	vmax.f32 v13, $-1.270000000e+02;
	v13 =	vmax.f32 v14, $-1.270000000e+02;
	v14 =	vld [tilespmem:s22+$0x0];
	v3 =	vmin.f32 v8, $1.270000000e+02  }
0x8a: {  	[tilespmem:s0+$0x8080] =	vst v6;
	v8 =	vmin.f32 v12, $1.270000000e+02;
	v6 =	vmin.f32 v13, $1.270000000e+02;
	v3 =	vadd.f32 $1.258291200e+07, v3  }
0x8b: {  	v34 =	vld [tilespmem:s12+$0x190];
	v12 =	vmin.f32 v15, $1.270000000e+02;
	v8 =	vadd.f32 $1.258291200e+07, v8;
	v6 =	vadd.f32 $1.258291200e+07, v6  }
0x8c: {  	v13 =	vmin.f32 v16, $1.270000000e+02;
	v15 =	vld [tilespmem:s4+$0x200];
	v12 =	vadd.f32 $1.258291200e+07, v12;
	v3 =	vadd.f32 $-1.258291200e+07, v3  }
0x8d: {  	[tilespmem:s0+$0x8200] =	vst v4;
	v4 =	vld [tilespmem:s4+$0x100];
	v11 =	vmul.f32 v11, v1;
	v13 =	vadd.f32 $1.258291200e+07, v13;
	v8 =	vadd.f32 $-1.258291200e+07, v8  }
0x8e: {  	[tilespmem:s0+$0x8280] =	vst v10;
	v10 =	vld [tilespmem:s4+$0x180];
	v6 =	vadd.f32 $-1.258291200e+07, v6;
	v14 =	vmul.f32 v14, v0;
	v3 =	vmul.f32 v3, v1  }
0x8f: {  	s19 =	simm.s32 $0x2;
	v7 =	vmul.f32 v7, v1;
	[tilespmem:s4+$0x8010] =	vst v11;
	v11 =	vadd.f32 $-1.258291200e+07, v12;
	v8 =	vmul.f32 v8, v1  }
0x90: {  	s0 =	sand.u32 $0x3, s19;
	v14 =	vmax.f32 v14, $-1.270000000e+02;
	[tilespmem:s4+$0x8090] =	vst v3;
	v3 =	vmul.f32 v6, v1;
	v6 =	vadd.f32 $-1.258291200e+07, v13  }
0x91: {  	s0 =	sshll.u32 s0, $0x5;
	v13 =	vld [tilespmem:s4+$0x280];
	[tilespmem:s4+$0x8110] =	vst v8;
	v8 =	vmul.f32 v11, v1;
	v11 =	vmul.f32 v15, v0;
	v12 =	vmin.f32 v14, $1.270000000e+02  }
0x92: {  	s21 =	sadd.s32 $0x200, s0;
	v15 =	vld [tilespmem:s12+$0x110];
	v12 =	vadd.f32 $1.258291200e+07, v12;
	[tilespmem:s4+$0x8190] =	vst v3;
	v3 =	vmul.f32 v6, v1;
	v6 =	vmul.f32 v4, v0  }
0x93: {  	s0 =	sadd.s32 $0x10, s21;
	v10 =	vmul.f32 v10, v0;
	v16 =	vmul.f32 v34, v0;
	[tilespmem:s4+$0x8210] =	vst v8;
	v8 =	vld [tilespmem:s26+$0x0];
	v11 =	vmax.f32 v11, $-1.270000000e+02  }
0x94: {  	s24 =	sor.u32 $0x300, s0;
	v11 =	vmin.f32 v11, $1.270000000e+02;
	v4 =	vadd.f32 $-1.258291200e+07, v12;
	[tilespmem:s4+$0x8290] =	vst v3;
	v3 =	vmax.f32 v6, $-1.270000000e+02  }
0x95: {  	v6 =	vmax.f32 v10, $-1.270000000e+02;
	v11 =	vadd.f32 $1.258291200e+07, v11;
	v10 =	vld [tilespmem:s24+$0x0];
	v3 =	vmin.f32 v3, $1.270000000e+02  }
0x96: {  	v12 =	vmul.f32 v13, v0;
	v6 =	vmin.f32 v6, $1.270000000e+02;
	v13 =	vld [tilespmem:s12+$0x10];
	v3 =	vadd.f32 $1.258291200e+07, v3  }
0x97: {  	v15 =	vmul.f32 v15, v0;
	v6 =	vadd.f32 $1.258291200e+07, v6;
	v11 =	vadd.f32 $-1.258291200e+07, v11  }
0x98: {  	v12 =	vmax.f32 v12, $-1.270000000e+02;
	v8 =	vmul.f32 v8, v0;
	v3 =	vadd.f32 $-1.258291200e+07, v3  }
0x99: {  	v12 =	vmin.f32 v12, $1.270000000e+02;
	v6 =	vadd.f32 $-1.258291200e+07, v6;
	v11 =	vmul.f32 v11, v1  }
0x9a: {  	v14 =	vld [tilespmem:s12+$0x90];
	v12 =	vadd.f32 $1.258291200e+07, v12;
	v10 =	vmul.f32 v10, v0;
	v3 =	vmul.f32 v3, v1  }
0x9b: {  	v8 =	vmax.f32 v8, $-1.270000000e+02;
	v6 =	vmul.f32 v6, v1;
	v13 =	vmul.f32 v13, v0;
	[tilespmem:s4+$0x8200] =	vst v11;
	v11 =	vld [tilespmem:s12+$0x180]  }
0x9c: {  	v4 =	vmul.f32 v4, v1;
	v8 =	vmin.f32 v8, $1.270000000e+02;
	v12 =	vadd.f32 $-1.258291200e+07, v12;
	[tilespmem:s4+$0x8100] =	vst v3;
	v3 =	vld [tilespmem:s12+$0x80]  }
0x9d: {  	v8 =	vadd.f32 $1.258291200e+07, v8;
	v10 =	vmax.f32 v10, $-1.270000000e+02;
	v13 =	vmax.f32 v13, $-1.270000000e+02;
	[tilespmem:s4+$0x8180] =	vst v6;
	v6 =	vld [tilespmem:s12+$0x100]  }
0x9e: {  	v10 =	vmin.f32 v10, $1.270000000e+02;
	v12 =	vmul.f32 v12, v1;
	v13 =	vmin.f32 v13, $1.270000000e+02  }
0x9f: {  	[tilespmem:s4+$0x8000] =	vst v7;
	v10 =	vadd.f32 $1.258291200e+07, v10;
	v7 =	vadd.f32 $1.258291200e+07, v13;
	v13 =	vmin.f32 v17, $1.270000000e+02  }
0xa0: {  	v8 =	vadd.f32 $-1.258291200e+07, v8;
	v13 =	vadd.f32 $1.258291200e+07, v13;
	v11 =	vmul.f32 v11, v0  }
0xa1: {  	s17 =	simm.s32 $0x3;
	v14 =	vmul.f32 v14, v0;
	[tilespmem:s4+$0x8280] =	vst v12;
	v12 =	vld [tilespmem:s12+$0x200];
	v10 =	vadd.f32 $-1.258291200e+07, v10;
	v7 =	vadd.f32 $-1.258291200e+07, v7  }
0xa2: {  	[tilespmem:s4+$0x8080] =	vst v5;
	s4 =	sand.u32 $0x3, s17;
	v3 =	vmul.f32 v3, v0;
	v6 =	vmul.f32 v6, v0;
	v11 =	vmax.f32 v11, $-1.270000000e+02  }
0xa3: {  	s17 =	simm.s32 $0x400;
	s4 =	sshll.u32 s4, $0x5;
	v10 =	vmul.f32 v10, v1;
	v7 =	vmul.f32 v7, v1;
	v11 =	vmin.f32 v11, $1.270000000e+02  }
0xa4: {  	[tilespmem:s14+$0x8000] =	vst v9;
	s19 =	sadd.s32 $0x300, s4;
	s4 =	sor.u32 $0x300, s21;
	s21 =	simm.s32 $0x80;
	v3 =	vmax.f32 v3, $-1.270000000e+02;
	v6 =	vmax.f32 v6, $-1.270000000e+02;
	v9 =	vadd.f32 $1.258291200e+07, v11  }
0xa5: {  	s30 =	sor.u32 s7, s11;
	s14 =	sand.u32 $0x1C00, s17;
	s7 =	sand.u32 $0x60, s21;
	[tilespmem:s24+$0x8000] =	vst v10;
	v10 =	vmax.f32 v14, $-1.270000000e+02;
	v14 =	vmax.f32 v15, $-1.270000000e+02;
	v15 =	vmax.f32 v16, $-1.270000000e+02  }
0xa6: {  	s6 =	sor.u32 s7, s14;
	[tilespmem:s12+$0x8010] =	vst v7;
	v7 =	vadd.f32 $-1.258291200e+07, v13;
	v12 =	vmul.f32 v12, v0;
	v6 =	vmin.f32 v6, $1.270000000e+02  }
0xa7: {  	v39 =	vld [tilespmem:s6+$0x110];
	v10 =	vmin.f32 v10, $1.270000000e+02;
	v14 =	vmin.f32 v14, $1.270000000e+02;
	v6 =	vadd.f32 $1.258291200e+07, v6  }
0xa8: {  	v40 =	vld [tilespmem:s6+$0x190];
	v15 =	vmin.f32 v15, $1.270000000e+02;
	v9 =	vadd.f32 $-1.258291200e+07, v9;
	v10 =	vadd.f32 $1.258291200e+07, v10  }
0xa9: {  	s0 =	sor.u32 $0x380, s0;
	v3 =	vmin.f32 v3, $1.270000000e+02;
	v41 =	vld [tilespmem:s6+$0x210];
	v5 =	vadd.f32 $1.258291200e+07, v14;
	v14 =	vadd.f32 $1.258291200e+07, v15  }
0xaa: {  	v35 =	vld [tilespmem:s0+$0x0];
	v15 =	vmin.f32 v18, $1.270000000e+02;
	v12 =	vmax.f32 v12, $-1.270000000e+02;
	v6 =	vadd.f32 $-1.258291200e+07, v6  }
0xab: {  	v20 =	vld [tilespmem:s6+$0x290];
	v15 =	vadd.f32 $1.258291200e+07, v15;
	v9 =	vmul.f32 v9, v1;
	v10 =	vadd.f32 $-1.258291200e+07, v10  }
0xac: {  	v21 =	vld [tilespmem:s6+$0x0];
	v5 =	vadd.f32 $-1.258291200e+07, v5;
	v6 =	vmul.f32 v6, v1;
	v17 =	vmul.f32 v39, v0  }
0xad: {  	v14 =	vadd.f32 $-1.258291200e+07, v14;
	v18 =	vmul.f32 v40, v0;
	v10 =	vmul.f32 v10, v1  }
0xae: {  	v12 =	vmin.f32 v12, $1.270000000e+02;
	v19 =	vmul.f32 v41, v0;
	[tilespmem:s12+$0x8180] =	vst v9;
	v5 =	vmul.f32 v5, v1  }
0xaf: {  	v16 =	vmul.f32 v35, v0;
	[tilespmem:s12+$0x8090] =	vst v10;
	v10 =	vmul.f32 v14, v1;
	v14 =	vadd.f32 $-1.258291200e+07, v15  }
0xb0: {  	v11 =	vadd.f32 $1.258291200e+07, v12;
	v20 =	vmul.f32 v20, v0;
	[tilespmem:s12+$0x8110] =	vst v5;
	v5 =	vmul.f32 v7, v1  }
0xb1: {  	s11 =	sor.u32 $0x380, s30;
	v38 =	vld [tilespmem:s6+$0x90];
	v46 =	vmul.f32 v21, v0;
	v16 =	vmax.f32 v16, $-1.270000000e+02;
	[tilespmem:s12+$0x8190] =	vst v10;
	v10 =	vmul.f32 v14, v1  }
0xb2: {  	s29 =	sadd.s32 $0x10, s19;
	v12 =	vld [tilespmem:s11+$0x0];
	v11 =	vadd.f32 $-1.258291200e+07, v11;
	v42 =	vmax.f32 v17, $-1.270000000e+02;
	v16 =	vmin.f32 v16, $1.270000000e+02;
	[tilespmem:s12+$0x8210] =	vst v5  }
0xb3: {  	s24 =	sor.u32 $0x300, s29;
	v9 =	vld [tilespmem:s6+$0x180];
	v43 =	vmax.f32 v18, $-1.270000000e+02;
	v19 =	vmax.f32 v19, $-1.270000000e+02;
	v13 =	vadd.f32 $1.258291200e+07, v16;
	[tilespmem:s12+$0x8290] =	vst v10  }
0xb4: {  	v20 =	vmax.f32 v20, $-1.270000000e+02;
	v48 =	vmax.f32 v46, $-1.270000000e+02;
	v15 =	vadd.f32 $1.258291200e+07, v3;
	v14 =	vld [tilespmem:s24+$0x0]  }
0xb5: {  	v37 =	vld [tilespmem:s12+$0x280];
	v3 =	vmul.f32 v8, v1;
	v7 =	vadd.f32 $-1.258291200e+07, v13;
	v13 =	vmax.f32 v36, $-1.270000000e+02  }
0xb6: {  	v11 =	vmul.f32 v11, v1;
	v17 =	vmin.f32 v43, $1.270000000e+02;
	v13 =	vmin.f32 v13, $1.270000000e+02  }
0xb7: {  	[tilespmem:s12+$0x8100] =	vst v6;
	v6 =	vld [tilespmem:s6+$0x100];
	v45 =	vmin.f32 v20, $1.270000000e+02;
	v12 =	vmul.f32 v12, v0;
	v13 =	vadd.f32 $1.258291200e+07, v13  }
0xb8: {  	v17 =	vadd.f32 $1.258291200e+07, v17;
	v15 =	vadd.f32 $-1.258291200e+07, v15;
	v16 =	vmul.f32 v38, v0  }
0xb9: {  	v9 =	vmul.f32 v9, v0;
	v8 =	vadd.f32 $-1.258291200e+07, v13;
	v13 =	vmul.f32 v14, v0  }
0xba: {  	v5 =	vld [tilespmem:s4+$0x0];
	v12 =	vmax.f32 v12, $-1.270000000e+02;
	v17 =	vadd.f32 $-1.258291200e+07, v17;
	v10 =	vmul.f32 v37, v0  }
0xbb: {  	[tilespmem:s12+$0x8200] =	vst v11;
	v11 =	vld [tilespmem:s6+$0x200];
	v15 =	vmul.f32 v15, v1;
	v12 =	vmin.f32 v12, $1.270000000e+02;
	v13 =	vmax.f32 v13, $-1.270000000e+02  }
0xbc: {  	v6 =	vmul.f32 v6, v0;
	v9 =	vmax.f32 v9, $-1.270000000e+02;
	v13 =	vmin.f32 v13, $1.270000000e+02  }
0xbd: {  	v9 =	vmin.f32 v9, $1.270000000e+02;
	v12 =	vadd.f32 $1.258291200e+07, v12;
	v14 =	vld [tilespmem:s6+$0x10];
	v13 =	vadd.f32 $1.258291200e+07, v13  }
0xbe: {  	v7 =	vmul.f32 v7, v1;
	v10 =	vmax.f32 v10, $-1.270000000e+02;
	v6 =	vmax.f32 v6, $-1.270000000e+02  }
0xbf: {  	v9 =	vadd.f32 $1.258291200e+07, v9;
	v5 =	vmul.f32 v5, v0;
	v13 =	vadd.f32 $-1.258291200e+07, v13  }
0xc0: {  	v10 =	vmin.f32 v10, $1.270000000e+02;
	v11 =	vmul.f32 v11, v0;
	v8 =	vmul.f32 v8, v1  }
0xc1: {  	v6 =	vmin.f32 v6, $1.270000000e+02;
	v10 =	vadd.f32 $1.258291200e+07, v10;
	v13 =	vmul.f32 v13, v1  }
0xc2: {  	v6 =	vadd.f32 $1.258291200e+07, v6;
	v5 =	vmax.f32 v5, $-1.270000000e+02;
	[tilespmem:s12+$0x8000] =	vst v8;
	v14 =	vmul.f32 v14, v0  }
0xc3: {  	v11 =	vmax.f32 v11, $-1.270000000e+02;
	v8 =	vmin.f32 v19, $1.270000000e+02;
	[tilespmem:s24+$0x8000] =	vst v13;
	v13 =	vmax.f32 v16, $-1.270000000e+02  }
0xc4: {  	v8 =	vadd.f32 $1.258291200e+07, v8;
	v14 =	vmax.f32 v14, $-1.270000000e+02;
	v13 =	vmin.f32 v13, $1.270000000e+02  }
0xc5: {  	s30 =	sor.u32 $0x380, s29;
	v10 =	vadd.f32 $-1.258291200e+07, v10;
	v14 =	vmin.f32 v14, $1.270000000e+02;
	v13 =	vadd.f32 $1.258291200e+07, v13  }
0xc6: {  	[tilespmem:s22+$0x8000] =	vst v4;
	s14 =	sor.u32 $0x300, s19;
	v8 =	vadd.f32 $-1.258291200e+07, v8;
	v14 =	vadd.f32 $1.258291200e+07, v14;
	v16 =	vmin.f32 v42, $1.270000000e+02;
	v44 =	vld [tilespmem:s30+$0x0]  }
0xc7: {  	s19 =	sor.u32 s18, s8;
	s18 =	simm.s32 $0xA0;
	[tilespmem:s12+$0x8080] =	vst v15;
	v15 =	vld [tilespmem:s6+$0x80];
	v10 =	vmul.f32 v10, v1;
	s24 =	simm.s32 $0x500;
	v16 =	vadd.f32 $1.258291200e+07, v16;
	v13 =	vadd.f32 $-1.258291200e+07, v13  }
0xc8: {  	[tilespmem:s26+$0x8000] =	vst v3;
	s26 =	sand.u32 $0x60, s18;
	v5 =	vmin.f32 v5, $1.270000000e+02;
	v8 =	vmul.f32 v8, v1;
	v14 =	vadd.f32 $-1.258291200e+07, v14;
	s29 =	sand.u32 $0x1C00, s24  }
0xc9: {  	v19 =	vadd.f32 $1.258291200e+07, v45;
	[tilespmem:s12+$0x8280] =	vst v10;
	s8 =	sor.u32 s26, s29;
	v16 =	vadd.f32 $-1.258291200e+07, v16;
	v13 =	vmul.f32 v13, v1  }
0xca: {  	s15 =	simm.s32 $0x4;
	v11 =	vmin.f32 v11, $1.270000000e+02;
	v5 =	vadd.f32 $1.258291200e+07, v5;
	[tilespmem:s6+$0x8210] =	vst v8;
	v14 =	vmul.f32 v14, v1;
	v22 =	vld [tilespmem:s8+$0x210]  }
0xcb: {  	s7 =	sand.u32 $0x3, s15;
	v23 =	vld [tilespmem:s8+$0x290];
	v16 =	vmul.f32 v16, v1;
	v18 =	vmul.f32 v44, v0;
	[tilespmem:s6+$0x8090] =	vst v13;
	v13 =	vadd.f32 $-1.258291200e+07, v19  }
0xcc: {  	s7 =	sshll.u32 s7, $0x5;
	v6 =	vadd.f32 $-1.258291200e+07, v6;
	[tilespmem:s6+$0x8010] =	vst v14;
	v14 =	vmul.f32 v15, v0;
	v15 =	vmul.f32 v17, v1  }
0xcd: {  	v5 =	vadd.f32 $-1.258291200e+07, v5;
	s12 =	sadd.s32 $0x400, s7;
	v4 =	vld [tilespmem:s8+$0x0];
	[tilespmem:s6+$0x8110] =	vst v16;
	v18 =	vmax.f32 v18, $-1.270000000e+02;
	v13 =	vmul.f32 v13, v1  }
0xce: {  	v47 =	vld [tilespmem:s6+$0x280];
	v11 =	vadd.f32 $1.258291200e+07, v11;
	v54 =	vmul.f32 v6, v1;
	s13 =	sadd.s32 $0x10, s12;
	[tilespmem:s6+$0x8190] =	vst v15;
	v10 =	vmin.f32 v18, $1.270000000e+02  }
0xcf: {  	v50 =	vmul.f32 v5, v1;
	s15 =	sor.u32 $0x300, s13;
	v14 =	vmax.f32 v14, $-1.270000000e+02;
	v15 =	vld [tilespmem:s14+$0x0];
	v10 =	vadd.f32 $1.258291200e+07, v10;
	[tilespmem:s6+$0x8290] =	vst v13  }
0xd0: {  	v14 =	vmin.f32 v14, $1.270000000e+02;
	v57 =	vmul.f32 v22, v0;
	v58 =	vmul.f32 v23, v0;
	v49 =	vld [tilespmem:s15+$0x0]  }
0xd1: {  	v14 =	vadd.f32 $1.258291200e+07, v14;
	v10 =	vadd.f32 $-1.258291200e+07, v10;
	v13 =	vmin.f32 v48, $1.270000000e+02  }
0xd2: {  	v4 =	vmul.f32 v4, v0;
	v18 =	vmax.f32 v57, $-1.270000000e+02;
	v13 =	vadd.f32 $1.258291200e+07, v13  }
0xd3: {  	s7 =	sor.u32 $0x380, s19;
	v14 =	vadd.f32 $-1.258291200e+07, v14;
	v8 =	vmul.f32 v10, v1;
	v10 =	vmul.f32 v47, v0  }
0xd4: {  	v20 =	vmax.f32 v58, $-1.270000000e+02;
	v3 =	vmul.f32 v15, v0;
	v15 =	vld [tilespmem:s7+$0x0];
	v5 =	vadd.f32 $-1.258291200e+07, v13  }
0xd5: {  	v14 =	vmul.f32 v14, v1;
	v13 =	vld [tilespmem:s8+$0x10];
	v10 =	vmax.f32 v10, $-1.270000000e+02;
	v16 =	vmul.f32 v49, v0  }
0xd6: {  	v10 =	vmin.f32 v10, $1.270000000e+02;
	v52 =	vmul.f32 v5, v1;
	v5 =	vadd.f32 $-1.258291200e+07, v9  }
0xd7: {  	v51 =	vld [tilespmem:s8+$0x90];
	v9 =	vadd.f32 $-1.258291200e+07, v11;
	v10 =	vadd.f32 $1.258291200e+07, v10;
	v16 =	vmax.f32 v16, $-1.270000000e+02  }
0xd8: {  	v3 =	vmax.f32 v3, $-1.270000000e+02;
	v11 =	vld [tilespmem:s8+$0x110];
	v55 =	vmul.f32 v5, v1;
	v6 =	vmin.f32 v16, $1.270000000e+02  }
0xd9: {  	v53 =	vld [tilespmem:s8+$0x190];
	v9 =	vmul.f32 v9, v1;
	v10 =	vadd.f32 $-1.258291200e+07, v10;
	v5 =	vadd.f32 $1.258291200e+07, v6  }
0xda: {  	v3 =	vmin.f32 v3, $1.270000000e+02;
	v13 =	vmul.f32 v13, v0;
	v6 =	vmul.f32 v15, v0  }
0xdb: {  	v59 =	vld [tilespmem:s8+$0x80];
	v10 =	vmul.f32 v10, v1;
	v15 =	vadd.f32 $1.258291200e+07, v3;
	v5 =	vadd.f32 $-1.258291200e+07, v5  }
0xdc: {  	v3 =	vadd.f32 $-1.258291200e+07, v12;
	v12 =	vmul.f32 v51, v0;
	v13 =	vmax.f32 v13, $-1.270000000e+02  }
0xdd: {  	[tilespmem:s10+$0x8000] =	vst v2;
	v11 =	vmul.f32 v11, v0;
	v13 =	vmin.f32 v13, $1.270000000e+02;
	v56 =	vmul.f32 v5, v1  }
0xde: {  	[tilespmem:s30+$0x8000] =	vst v8;
	v24 =	vmax.f32 v6, $-1.270000000e+02;
	v6 =	vadd.f32 $-1.258291200e+07, v15;
	v15 =	vmul.f32 v53, v0  }
0xdf: {  	s26 =	sor.u32 $0x380, s13;
	v2 =	vmax.f32 v12, $-1.270000000e+02;
	v11 =	vmax.f32 v11, $-1.270000000e+02;
	v8 =	vadd.f32 $1.258291200e+07, v13;
	[tilespmem:s15+$0x8000] =	vst v56  }
0xe0: {  	v13 =	vmin.f32 v20, $1.270000000e+02;
	[tilespmem:s6+$0x8280] =	vst v10;
	v10 =	vmul.f32 v59, v0;
	v12 =	vmax.f32 v15, $-1.270000000e+02;
	v15 =	vld [tilespmem:s26+$0x0]  }
0xe1: {  	[tilespmem:s0+$0x8000] =	vst v7;
	v2 =	vmin.f32 v2, $1.270000000e+02;
	v7 =	vmin.f32 v11, $1.270000000e+02;
	v13 =	vadd.f32 $1.258291200e+07, v13  }
0xe2: {  	[tilespmem:s6+$0x8100] =	vst v54;
	v5 =	vmin.f32 v24, $1.270000000e+02;
	v2 =	vadd.f32 $1.258291200e+07, v2;
	v7 =	vadd.f32 $1.258291200e+07, v7  }
0xe3: {  	[tilespmem:s6+$0x8080] =	vst v14;
	v14 =	vld [tilespmem:s8+$0x100];
	v8 =	vadd.f32 $-1.258291200e+07, v8;
	v11 =	vmin.f32 v12, $1.270000000e+02;
	v13 =	vadd.f32 $-1.258291200e+07, v13  }
0xe4: {  	[tilespmem:s4+$0x8000] =	vst v50;
	v60 =	vld [tilespmem:s8+$0x180];
	v12 =	vmin.f32 v18, $1.270000000e+02;
	v11 =	vadd.f32 $1.258291200e+07, v11;
	v2 =	vadd.f32 $-1.258291200e+07, v2  }
0xe5: {  	[tilespmem:s6+$0x8000] =	vst v52;
	v8 =	vmul.f32 v8, v1;
	v7 =	vadd.f32 $-1.258291200e+07, v7;
	v15 =	vmul.f32 v15, v0  }
0xe6: {  	v61 =	vld [tilespmem:s8+$0x200];
	[tilespmem:s6+$0x8180] =	vst v55;
	v12 =	vadd.f32 $1.258291200e+07, v12;
	v13 =	vmul.f32 v13, v1;
	v2 =	vmul.f32 v2, v1  }
0xe7: {  	[tilespmem:s6+$0x8200] =	vst v9;
	v9 =	vld [tilespmem:s8+$0x280];
	v11 =	vadd.f32 $-1.258291200e+07, v11;
	v7 =	vmul.f32 v7, v1;
	v15 =	vmax.f32 v15, $-1.270000000e+02  }
0xe8: {  	s6 =	simm.s32 $0x5;
	v12 =	vadd.f32 $-1.258291200e+07, v12;
	[tilespmem:s8+$0x8010] =	vst v8;
	v8 =	vmul.f32 v14, v0;
	v15 =	vmin.f32 v15, $1.270000000e+02  }
0xe9: {  	s19 =	sand.u32 $0x3, s6;
	[tilespmem:s8+$0x8090] =	vst v2;
	v2 =	vmax.f32 v4, $-1.270000000e+02;
	v4 =	vmul.f32 v60, v0;
	v15 =	vadd.f32 $1.258291200e+07, v15  }
0xea: {  	s4 =	sor.u32 $0x300, s12;
	s0 =	sshll.u32 s19, $0x5;
	v11 =	vmul.f32 v11, v1;
	v12 =	vmul.f32 v12, v1;
	[tilespmem:s8+$0x8110] =	vst v7;
	v7 =	vmax.f32 v10, $-1.270000000e+02  }
0xeb: {  	s22 =	sor.u32 s16, s23;
	s23 =	sadd.s32 $0x500, s0;
	[tilespmem:s8+$0x8290] =	vst v13;
	v10 =	vmul.f32 v61, v0;
	v14 =	vadd.f32 $-1.258291200e+07, v15;
	v15 =	vmax.f32 v4, $-1.270000000e+02;
	v4 =	vld [tilespmem:s4+$0x0]  }
0xec: {  	s3 =	sor.u32 s20, s3;
	v62 =	vmul.f32 v9, v0;
	s12 =	sadd.s32 $0x10, s23;
	v63 =	vmin.f32 v2, $1.270000000e+02;
	[tilespmem:s8+$0x8190] =	vst v11;
	v11 =	vmax.f32 v8, $-1.270000000e+02  }
0xed: {  	s10 =	sshll.u32 s9, $0x2;
	s29 =	sor.u32 s17, s21;
	s15 =	sor.u32 $0x300, s12;
	[tilespmem:s8+$0x8210] =	vst v12;
	v8 =	vmin.f32 v7, $1.270000000e+02;
	v10 =	vmax.f32 v10, $-1.270000000e+02;
	v14 =	vmul.f32 v14, v1  }
0xee: {  	s16 =	sor.u32 $0x380, s29;
	s30 =	sor.u32 s24, s18;
	s0 =	sor.u32 $0x380, s3;
	v12 =	vmin.f32 v11, $1.270000000e+02;
	v7 =	vld [tilespmem:s15+$0x0];
	v9 =	vmin.f32 v15, $1.270000000e+02;
	v15 =	vmax.f32 v62, $-1.270000000e+02  }
0xef: {  	s20 =	sor.u32 $0x380, s30;
	s3 =	sor.u32 $0x380, s22;
	s13 =	sor.u32 $0x300, s23;
	v2 =	vld [tilespmem:s0+$0x0];
	v11 =	vadd.f32 $1.258291200e+07, v63;
	v13 =	vmin.f32 v10, $1.270000000e+02;
	v10 =	vmin.f32 v15, $1.270000000e+02;
	[tilespmem:s26+$0x8000] =	vst v14  }
.LBB2_3:
0xf0: {  	s18 =	sadd.s32 $0x20, s18;
	v8 =	vadd.f32 $1.258291200e+07, v8;
	v12 =	vadd.f32 $1.258291200e+07, v12;
	s24 =	sadd.s32 $0x100, s24;
	v4 =	vmul.f32 v4, v0  }
0xf1: {  	v9 =	vadd.f32 $1.258291200e+07, v9;
	v13 =	vadd.f32 $1.258291200e+07, v13;
	v6 =	vmul.f32 v6, v1;
	s17 =	sand.u32 $0x60, s18;
	s21 =	sand.u32 $0x1C00, s24;
	s22 =	sor.u32 s24, s18  }
0xf2: {  	v10 =	vadd.f32 $1.258291200e+07, v10;
	p1 =	slt.u32 s18, $0x3E0;
	v11 =	vadd.f32 $-1.258291200e+07, v11;
	s17 =	sor.u32 s17, s21;
	s21 =	sor.u32 $0x380, s22;
	v4 =	vmax.f32 v4, $-1.270000000e+02  }
0xf3: {  	v8 =	vadd.f32 $-1.258291200e+07, v8;
	v12 =	vadd.f32 $-1.258291200e+07, v12;
	v14 =	vld [tilespmem:s17+$0x10];
	v7 =	vmul.f32 v7, v0;
	[tilespmem:s14+$0x8000] =	vst v6;
	s14 =	smov.u32 s4;
	s4 =	smov.u32 s13  }
0xf4: {  	v9 =	vadd.f32 $-1.258291200e+07, v9;
	v13 =	vadd.f32 $-1.258291200e+07, v13;
	v11 =	vmul.f32 v11, v1;
	v6 =	vld [tilespmem:s17+$0x90]  }
0xf5: {  	v10 =	vadd.f32 $-1.258291200e+07, v10;
	v8 =	vmul.f32 v8, v1;
	v15 =	vld [tilespmem:s17+$0x110];
	v7 =	vmax.f32 v7, $-1.270000000e+02  }
0xf6: {  	v9 =	vmul.f32 v9, v1;
	v16 =	vld [tilespmem:s17+$0x190];
	[tilespmem:s8+$0x8000] =	vst v11;
	v11 =	vmul.f32 v12, v1;
	v7 =	vmin.f32 v7, $1.270000000e+02  }
0xf7: {  	v10 =	vmul.f32 v10, v1;
	v12 =	vld [tilespmem:s17+$0x210];
	[tilespmem:s8+$0x8080] =	vst v8;
	v8 =	vmul.f32 v13, v1;
	v7 =	vadd.f32 $1.258291200e+07, v7  }
0xf8: {  	v2 =	vmul.f32 v2, v0;
	v5 =	vadd.f32 $1.258291200e+07, v5;
	v4 =	vmin.f32 v4, $1.270000000e+02;
	v13 =	vld [tilespmem:s17+$0x290];
	[tilespmem:s8+$0x8100] =	vst v11  }
0xf9: {  	v4 =	vadd.f32 $1.258291200e+07, v4;
	v11 =	vld [tilespmem:s17+$0x0];
	[tilespmem:s8+$0x8180] =	vst v9;
	v7 =	vadd.f32 $-1.258291200e+07, v7;
	v9 =	vmul.f32 v3, v1  }
0xfa: {  	v2 =	vmax.f32 v2, $-1.270000000e+02;
	v14 =	vmul.f32 v14, v0;
	v3 =	vadd.f32 $-1.258291200e+07, v5;
	v17 =	vld [tilespmem:s17+$0x80];
	[tilespmem:s8+$0x8200] =	vst v8  }
0xfb: {  	v18 =	vmul.f32 v6, v0;
	v6 =	vadd.f32 $-1.258291200e+07, v4;
	v8 =	vld [tilespmem:s17+$0x100];
	[tilespmem:s8+$0x8280] =	vst v10;
	v7 =	vmul.f32 v7, v1;
	s8 =	smov.u32 s17  }
0xfc: {  	v5 =	vmin.f32 v2, $1.270000000e+02;
	v4 =	vmul.f32 v15, v0;
	v15 =	vmul.f32 v16, v0;
	v10 =	vld [tilespmem:s8+$0x180];
	[tilespmem:s11+$0x8000] =	vst v9;
	s11 =	smov.u32 s7;
	s7 =	smov.u32 s0;
	s0 =	smov.u32 s3  }
0xfd: {  	v2 =	vmax.f32 v14, $-1.270000000e+02;
	s17 =	sor.u32 $0x380, s12;
	v12 =	vmul.f32 v12, v0;
	s3 =	smov.u32 s16;
	s16 =	smov.u32 s20;
	v9 =	vld [tilespmem:s8+$0x200];
	v13 =	vmul.f32 v13, v0;
	[tilespmem:s15+$0x8000] =	vst v7  }
0xfe: {  	v4 =	vmax.f32 v4, $-1.270000000e+02;
	s20 =	smov.u32 s21;
	v7 =	vmax.f32 v18, $-1.270000000e+02;
	v14 =	vmax.f32 v15, $-1.270000000e+02;
	v15 =	vld [tilespmem:s17+$0x0]  }
0xff: {  	v2 =	vmin.f32 v2, $1.270000000e+02;
	v12 =	vmax.f32 v12, $-1.270000000e+02;
	v16 =	vld [tilespmem:s8+$0x280];
	v13 =	vmax.f32 v13, $-1.270000000e+02  }
0x100: {  	v18 =	vmin.f32 v4, $1.270000000e+02;
	v7 =	vmin.f32 v7, $1.270000000e+02;
	v14 =	vmin.f32 v14, $1.270000000e+02;
	v4 =	vld [tilespmem:s4+$0x0]  }
0x101: {  	v19 =	vadd.f32 $1.258291200e+07, v2;
	v7 =	vadd.f32 $1.258291200e+07, v7;
	v12 =	vmin.f32 v12, $1.270000000e+02;
	v2 =	vld [tilespmem:s0+$0x0]  }
0x102: {  	v18 =	vadd.f32 $1.258291200e+07, v18;
	v14 =	vadd.f32 $1.258291200e+07, v14;
	v13 =	vmin.f32 v13, $1.270000000e+02  }
0x103: {  	v19 =	vadd.f32 $-1.258291200e+07, v19;
	v12 =	vadd.f32 $1.258291200e+07, v12;
	v15 =	vmul.f32 v15, v0  }
0x104: {  	v11 =	vmul.f32 v11, v0;
	v7 =	vadd.f32 $-1.258291200e+07, v7;
	v13 =	vadd.f32 $1.258291200e+07, v13  }
0x105: {  	v19 =	vmul.f32 v19, v1;
	v18 =	vadd.f32 $-1.258291200e+07, v18;
	v15 =	vmax.f32 v15, $-1.270000000e+02  }
0x106: {  	v14 =	vadd.f32 $-1.258291200e+07, v14;
	v7 =	vmul.f32 v7, v1;
	v15 =	vmin.f32 v15, $1.270000000e+02  }
0x107: {  	v18 =	vmul.f32 v18, v1;
	v12 =	vadd.f32 $-1.258291200e+07, v12;
	[tilespmem:s8+$0x8010] =	vst v19;
	v15 =	vadd.f32 $1.258291200e+07, v15  }
0x108: {  	s6 =	sadd.s32 $0x1, s6;
	v17 =	vmul.f32 v17, v0;
	v13 =	vadd.f32 $-1.258291200e+07, v13;
	[tilespmem:s8+$0x8090] =	vst v7;
	v7 =	vmul.f32 v14, v1  }
0x109: {  	s12 =	sand.u32 $0x3, s6;
	v8 =	vmul.f32 v8, v0;
	v12 =	vmul.f32 v12, v1;
	[tilespmem:s8+$0x8110] =	vst v18;
	v14 =	vadd.f32 $-1.258291200e+07, v15  }
0x10a: {  	s12 =	sshll.u32 s12, $0x5;
	v11 =	vmax.f32 v11, $-1.270000000e+02;
	v10 =	vmul.f32 v10, v0;
	[tilespmem:s8+$0x8190] =	vst v7;
	v7 =	vmul.f32 v13, v1  }
.Ltmp2:
0x10b: {  	s12 =	sadd.s32 s12, s24;
	v9 =	vmul.f32 v9, v0;
	v13 =	vmax.f32 v17, $-1.270000000e+02;
	[tilespmem:s8+$0x8210] =	vst v12;
	v12 =	vmul.f32 v14, v1;
	(pc) =	sbr.rel @p1 .LBB2_3-.Ltmp2, $4  }
0x10c: {  	s13 =	sor.u32 $0x300, s12;
	s12 =	sadd.s32 $0x10, s12;
	v10 =	vmax.f32 v10, $-1.270000000e+02;
	v15 =	vmul.f32 v16, v0;
	v14 =	vmax.f32 v8, $-1.270000000e+02;
	[tilespmem:s8+$0x8290] =	vst v7  }
0x10d: {  	s15 =	sor.u32 $0x300, s12;
	v11 =	vmin.f32 v11, $1.270000000e+02;
	v8 =	vmin.f32 v13, $1.270000000e+02;
	v13 =	vmax.f32 v9, $-1.270000000e+02;
	[tilespmem:s17+$0x8000] =	vst v12  }
0x10e: {  	v9 =	vmin.f32 v10, $1.270000000e+02;
	v10 =	vmax.f32 v15, $-1.270000000e+02;
	v12 =	vmin.f32 v14, $1.270000000e+02;
	v7 =	vld [tilespmem:s15+$0x0]  }
0x10f: {  	v11 =	vadd.f32 $1.258291200e+07, v11;
	v13 =	vmin.f32 v13, $1.270000000e+02;
	v10 =	vmin.f32 v10, $1.270000000e+02  }
0x110: {  	v8 =	vadd.f32 $1.258291200e+07, v8  }
0x111: {  	v12 =	vadd.f32 $1.258291200e+07, v12;
	v11 =	vadd.f32 $-1.258291200e+07, v11  }
0x112: {  	v9 =	vadd.f32 $1.258291200e+07, v9;
	v8 =	vadd.f32 $-1.258291200e+07, v8  }
0x113: {  	v13 =	vadd.f32 $1.258291200e+07, v13;
	v12 =	vadd.f32 $-1.258291200e+07, v12;
	v11 =	vmul.f32 v11, v1  }
0x114: {  	v10 =	vadd.f32 $1.258291200e+07, v10;
	v9 =	vadd.f32 $-1.258291200e+07, v9;
	v8 =	vmul.f32 v8, v1  }
0x115: {  	v13 =	vadd.f32 $-1.258291200e+07, v13;
	v53 =	vmul.f32 v12, v1;
	[tilespmem:s8+$0x8000] =	vst v11  }
0x116: {  	v10 =	vadd.f32 $-1.258291200e+07, v10;
	v9 =	vmul.f32 v9, v1;
	[tilespmem:s8+$0x8080] =	vst v8  }
0x117: {  	v54 =	vmul.f32 v13, v1;
	[tilespmem:s8+$0x8100] =	vst v53  }
0x118: {  	v10 =	vmul.f32 v10, v1;
	[tilespmem:s8+$0x8180] =	vst v9  }
0x119: {  	v7 =	vmul.f32 v7, v0;
	[tilespmem:s8+$0x8200] =	vst v54  }
0x11a: {  	[tilespmem:s8+$0x8280] =	vst v10  }
0x11b: {  	v7 =	vmax.f32 v7, $-1.270000000e+02;
	v8 =	vld [tilespmem:s13+$0x0]  }
0x11c: {  	v7 =	vmin.f32 v7, $1.270000000e+02  }
0x11d: {  	v7 =	vadd.f32 $1.258291200e+07, v7  }
0x11e: {  	v4 =	vmul.f32 v4, v0  }
0x11f: {  	v7 =	vadd.f32 $-1.258291200e+07, v7  }
0x120: {  	v4 =	vmax.f32 v4, $-1.270000000e+02;
	v8 =	vmul.f32 v8, v0  }
0x121: {  	v4 =	vmin.f32 v4, $1.270000000e+02;
	v7 =	vmul.f32 v7, v1  }
0x122: {  	v4 =	vadd.f32 $1.258291200e+07, v4;
	v55 =	vmax.f32 v8, $-1.270000000e+02  }
0x123: {  	[tilespmem:s15+$0x8000] =	vst v7;
	v7 =	vmin.f32 v55, $1.270000000e+02  }
0x124: {  	v4 =	vadd.f32 $-1.258291200e+07, v4;
	v7 =	vadd.f32 $1.258291200e+07, v7  }
0x125: {  	v6 =	vmul.f32 v6, v1  }
0x126: {  	v4 =	vmul.f32 v4, v1;
	v7 =	vadd.f32 $-1.258291200e+07, v7  }
0x127: {  	[tilespmem:s14+$0x8000] =	vst v6  }
0x128: {  	v58 =	vld [tilespmem:s3+$0x0];
	[tilespmem:s4+$0x8000] =	vst v4;
	v7 =	vmul.f32 v7, v1  }
0x129: {  	s6 =	sor.u32 $0x380, s12;
	v2 =	vmul.f32 v2, v0;
	v60 =	vld [tilespmem:s16+$0x0]  }
0x12a: {  	v5 =	vadd.f32 $1.258291200e+07, v5;
	v56 =	vld [tilespmem:s6+$0x0];
	[tilespmem:s13+$0x8000] =	vst v7  }
0x12b: {  	v2 =	vmax.f32 v2, $-1.270000000e+02;
	v7 =	vld [tilespmem:s20+$0x0]  }
0x12c: {  	v3 =	vmul.f32 v3, v1;
	v5 =	vadd.f32 $-1.258291200e+07, v5;
	v2 =	vmin.f32 v2, $1.270000000e+02  }
0x12d: {  	v2 =	vadd.f32 $1.258291200e+07, v2;
	v8 =	vmul.f32 v58, v0  }
0x12e: {  	[tilespmem:s11+$0x8000] =	vst v3;
	v3 =	vmul.f32 v5, v1;
	v6 =	vmul.f32 v60, v0  }
0x12f: {  	v2 =	vadd.f32 $-1.258291200e+07, v2;
	v8 =	vmax.f32 v8, $-1.270000000e+02;
	v57 =	vmul.f32 v56, v0  }
0x130: {  	v8 =	vmin.f32 v8, $1.270000000e+02;
	v6 =	vmax.f32 v6, $-1.270000000e+02;
	v7 =	vmul.f32 v7, v0  }
0x131: {  	v8 =	vadd.f32 $1.258291200e+07, v8;
	v6 =	vmin.f32 v6, $1.270000000e+02;
	v59 =	vmax.f32 v57, $-1.270000000e+02  }
0x132: {  	v6 =	vadd.f32 $1.258291200e+07, v6;
	v4 =	vmin.f32 v59, $1.270000000e+02;
	v7 =	vmax.f32 v7, $-1.270000000e+02  }
0x133: {  	v61 =	vadd.f32 $-1.258291200e+07, v8;
	v4 =	vadd.f32 $1.258291200e+07, v4;
	v7 =	vmin.f32 v7, $1.270000000e+02  }
0x134: {  	v2 =	vmul.f32 v2, v1;
	v62 =	vadd.f32 $-1.258291200e+07, v6;
	v7 =	vadd.f32 $1.258291200e+07, v7  }
0x135: {  	[tilespmem:s7+$0x8000] =	vst v3;
	v3 =	vmul.f32 v61, v1;
	v4 =	vadd.f32 $-1.258291200e+07, v4  }
0x136: {  	[tilespmem:s0+$0x8000] =	vst v2;
	v2 =	vmul.f32 v62, v1;
	v63 =	vadd.f32 $-1.258291200e+07, v7  }
0x137: {  	[tilespmem:s3+$0x8000] =	vst v3;
	v4 =	vmul.f32 v4, v1  }
0x138: {  	p1 =	sne.s32 s9, $0x7;
	[tilespmem:s16+$0x8000] =	vst v2;
	v3 =	vmul.f32 v63, v1  }
.Ltmp3:
0x139: {  	[tilespmem:s6+$0x8000] =	vst v4;
	(pc) =	sbr.rel @p1 .LBB2_6-.Ltmp3, $4  }
0x13a: {  	[tilespmem:s20+$0x8000] =	vst v3  }
0x13b: {  	s29 =	sshll.u32 s9, $0xC;
	s3 =	rddreg [dreg:$0xa]  }
0x13c: {  	s30 =	simm.s32 $0x8000;
	s0 =	sadd.s32 s29, s3  }
0x13d: {  	[hbm4b:s0+s5] =	stream.linear.scatter [tilespmem:s30], [sflag:$0x5], $0x2000, $0x38;
	[tilespmem:$0x10100] =	vst v63  }
.Ltmp4:
0x13e: {  	(pc) =	sbr.rel .LBB2_7-.Ltmp4, $4  }
0x13f: {  	_ = 	snop  }
0x140: {  	_ =	swait.ge [sflag:s28], $0x2000  }
0x141: {  	[sflag:s28] =	ssyncset.done $0x0  }
0x142: {  	[sflag:s28] =	ssyncadd.s32 $0xFFFFE000  }
.LBB2_6:
0x143: {  	s0 =	rddreg [dreg:$0xc]  }
0x144: {  	s0 =	sadd.s32 s10, s0  }
0x145: {  	s0 =	sshll.u32 s0, $0xA  }
0x146: {  	s0 =	sand.u32 $0x1FFFF000, s0  }
.Ltmp5:
0x147: {  	s0 =	sadd.s32 s1, s0;
	(pc) =	sbr.rel @p0 .LBB2_8-.Ltmp5, $4  }
0x148: {  	[tilespmem:s5], [sflag:$0x1] =	stream.linear.gather [hbm4b:s0+s5], $0x2000, $0x38;
	[tilespmem:$0x10100] =	vst v63  }
0x149: {  	_ =	swait.ge [sflag:s28], $0x2000  }
0x14a: {  	[sflag:s28] =	ssyncset.done $0x0  }
0x14b: {  	[sflag:s28] =	ssyncadd.s32 $0xFFFFE000  }
.LBB2_7:
0x14c: {  	s0 =	simm.s32 $0x6  }
0x14d: {  	_ =	swait.ge [sflag:s0], $0x2000  }
0x14e: {  	[sflag:s0] =	ssyncset.done $0x0  }
0x14f: {  	[sflag:s0] =	ssyncadd.s32 $0xFFFFE000  }
.LBB2_8:
0x150: {  	s11 =	simm.s32 $0x0;
	s20 =	simm.s32 $0x0  }
0x151: {  	s0 =	sand.u32 $0x60, s20;
	s3 =	sand.u32 $0x1C00, s11  }
0x152: {  	s3 =	sor.u32 s0, s3  }
0x153: {  	v2 =	vld [tilespmem:s3+$0x2010]  }
0x154: {  	v3 =	vld [tilespmem:s3+$0x2090]  }
0x155: {  	v4 =	vld [tilespmem:s3+$0x2110]  }
0x156: {  	v5 =	vld [tilespmem:s3+$0x2190]  }
0x157: {  	v6 =	vld [tilespmem:s3+$0x2210]  }
0x158: {  	v7 =	vld [tilespmem:s3+$0x2290];
	_ =	sdelay $0x2  }
0x159: {  	v2 =	vmul.f32 v2, v0;
	v3 =	vmul.f32 v3, v0  }
0x15a: {  	v4 =	vmul.f32 v4, v0;
	v5 =	vmul.f32 v5, v0  }
0x15b: {  	v6 =	vmul.f32 v6, v0;
	v7 =	vmul.f32 v7, v0  }
0x15c: {  	v2 =	vmax.f32 v2, $-1.270000000e+02;
	v3 =	vmax.f32 v3, $-1.270000000e+02;
	v4 =	vmax.f32 v4, $-1.270000000e+02  }
0x15d: {  	s8 =	simm.s32 $0x20;
	s22 =	simm.s32 $0x100;
	s24 =	sand.u32 $0x3, s11;
	v8 =	vld [tilespmem:s3+$0x2000];
	v5 =	vmax.f32 v5, $-1.270000000e+02;
	v6 =	vmax.f32 v6, $-1.270000000e+02;
	v2 =	vmin.f32 v2, $1.270000000e+02  }
0x15e: {  	s26 =	sand.u32 $0x60, s8;
	s12 =	sand.u32 $0x1C00, s22;
	s0 =	sshll.u32 s24, $0x5;
	v9 =	vld [tilespmem:s3+$0x2080];
	v7 =	vmax.f32 v7, $-1.270000000e+02;
	v3 =	vmin.f32 v3, $1.270000000e+02;
	v2 =	vadd.f32 $1.258291200e+07, v2  }
0x15f: {  	v10 =	vld [tilespmem:s3+$0x2100];
	s4 =	sadd.s32 $0x0, s0;
	s0 =	sor.u32 s26, s12;
	v4 =	vmin.f32 v4, $1.270000000e+02;
	v5 =	vmin.f32 v5, $1.270000000e+02;
	v3 =	vadd.f32 $1.258291200e+07, v3  }
0x160: {  	v11 =	vld [tilespmem:s0+$0x2110];
	v6 =	vmin.f32 v6, $1.270000000e+02;
	v4 =	vadd.f32 $1.258291200e+07, v4;
	v2 =	vadd.f32 $-1.258291200e+07, v2  }
0x161: {  	v13 =	vld [tilespmem:s0+$0x2210];
	v7 =	vmin.f32 v7, $1.270000000e+02;
	v5 =	vadd.f32 $1.258291200e+07, v5;
	v3 =	vadd.f32 $-1.258291200e+07, v3  }
0x162: {  	v12 =	vld [tilespmem:s0+$0x2190];
	v6 =	vadd.f32 $1.258291200e+07, v6;
	v4 =	vadd.f32 $-1.258291200e+07, v4;
	v2 =	vmul.f32 v2, v1  }
0x163: {  	v14 =	vld [tilespmem:s0+$0x2290];
	v7 =	vadd.f32 $1.258291200e+07, v7;
	v5 =	vadd.f32 $-1.258291200e+07, v5;
	v3 =	vmul.f32 v3, v1  }
0x164: {  	[tilespmem:s3+$0xA010] =	vst v2;
	v2 =	vmul.f32 v4, v1;
	v4 =	vadd.f32 $-1.258291200e+07, v6;
	v6 =	vld [tilespmem:s3+$0x2180]  }
0x165: {  	v11 =	vmul.f32 v11, v0;
	[tilespmem:s3+$0xA090] =	vst v3;
	v3 =	vmul.f32 v5, v1;
	v5 =	vadd.f32 $-1.258291200e+07, v7;
	v7 =	vld [tilespmem:s3+$0x2200]  }
0x166: {  	v13 =	vmul.f32 v13, v0;
	[tilespmem:s3+$0xA110] =	vst v2;
	v2 =	vmul.f32 v4, v1  }
0x167: {  	v4 =	vld [tilespmem:s3+$0x2280];
	[tilespmem:s3+$0xA190] =	vst v3;
	v3 =	vmul.f32 v5, v1;
	v5 =	vmul.f32 v9, v0  }
0x168: {  	v12 =	vmul.f32 v12, v0;
	v14 =	vmul.f32 v14, v0;
	v13 =	vmax.f32 v13, $-1.270000000e+02;
	v9 =	vld [tilespmem:s0+$0x2010];
	[tilespmem:s3+$0xA210] =	vst v2  }
0x169: {  	v2 =	vmul.f32 v8, v0;
	[tilespmem:s3+$0xA290] =	vst v3;
	v3 =	vmul.f32 v10, v0;
	v5 =	vmax.f32 v5, $-1.270000000e+02  }
0x16a: {  	s6 =	sadd.s32 $0x10, s4;
	v6 =	vmul.f32 v6, v0;
	v7 =	vmul.f32 v7, v0;
	v5 =	vmin.f32 v5, $1.270000000e+02  }
0x16b: {  	s7 =	sor.u32 $0x300, s6;
	v10 =	vld [tilespmem:s0+$0x2090];
	v2 =	vmax.f32 v2, $-1.270000000e+02;
	v3 =	vmax.f32 v3, $-1.270000000e+02;
	v5 =	vadd.f32 $1.258291200e+07, v5  }
0x16c: {  	v8 =	vld [tilespmem:s7+$0x2000];
	v6 =	vmax.f32 v6, $-1.270000000e+02;
	v4 =	vmul.f32 v4, v0;
	v2 =	vmin.f32 v2, $1.270000000e+02  }
0x16d: {  	v7 =	vmax.f32 v7, $-1.270000000e+02;
	v3 =	vmin.f32 v3, $1.270000000e+02;
	v9 =	vmul.f32 v9, v0  }
0x16e: {  	v6 =	vmin.f32 v6, $1.270000000e+02;
	v2 =	vadd.f32 $1.258291200e+07, v2;
	v7 =	vmin.f32 v7, $1.270000000e+02  }
0x16f: {  	v3 =	vadd.f32 $1.258291200e+07, v3;
	v5 =	vadd.f32 $-1.258291200e+07, v5;
	v4 =	vmax.f32 v4, $-1.270000000e+02  }
0x170: {  	v6 =	vadd.f32 $1.258291200e+07, v6;
	v7 =	vadd.f32 $1.258291200e+07, v7;
	v10 =	vmul.f32 v10, v0  }
0x171: {  	v8 =	vmul.f32 v8, v0;
	v3 =	vadd.f32 $-1.258291200e+07, v3;
	v5 =	vmul.f32 v5, v1  }
0x172: {  	v4 =	vmin.f32 v4, $1.270000000e+02;
	v6 =	vadd.f32 $-1.258291200e+07, v6;
	v7 =	vadd.f32 $-1.258291200e+07, v7  }
0x173: {  	v8 =	vmax.f32 v8, $-1.270000000e+02;
	v3 =	vmul.f32 v3, v1;
	[tilespmem:s3+$0xA080] =	vst v5;
	v5 =	vmin.f32 v13, $1.270000000e+02  }
0x174: {  	v13 =	vld [tilespmem:s0+$0x2180];
	v8 =	vmin.f32 v8, $1.270000000e+02;
	v6 =	vmul.f32 v6, v1;
	v5 =	vadd.f32 $1.258291200e+07, v5  }
0x175: {  	v4 =	vadd.f32 $1.258291200e+07, v4;
	v7 =	vmul.f32 v7, v1;
	v8 =	vadd.f32 $1.258291200e+07, v8;
	[tilespmem:s3+$0xA100] =	vst v3;
	v3 =	vld [tilespmem:s0+$0x2000]  }
0x176: {  	v9 =	vmax.f32 v9, $-1.270000000e+02;
	v2 =	vadd.f32 $-1.258291200e+07, v2;
	[tilespmem:s3+$0xA180] =	vst v6;
	v6 =	vld [tilespmem:s0+$0x2080];
	v5 =	vadd.f32 $-1.258291200e+07, v5  }
0x177: {  	v9 =	vmin.f32 v9, $1.270000000e+02;
	v4 =	vadd.f32 $-1.258291200e+07, v4;
	[tilespmem:s3+$0xA200] =	vst v7;
	v7 =	vld [tilespmem:s0+$0x2100];
	v8 =	vadd.f32 $-1.258291200e+07, v8  }
0x178: {  	v9 =	vadd.f32 $1.258291200e+07, v9;
	v2 =	vmul.f32 v2, v1;
	v5 =	vmul.f32 v5, v1  }
0x179: {  	v14 =	vmax.f32 v14, $-1.270000000e+02;
	v4 =	vmul.f32 v4, v1;
	v8 =	vmul.f32 v8, v1  }
0x17a: {  	v9 =	vadd.f32 $-1.258291200e+07, v9;
	v3 =	vmul.f32 v3, v0;
	[tilespmem:s0+$0xA210] =	vst v5;
	v5 =	vmul.f32 v13, v0  }
0x17b: {  	[tilespmem:s7+$0xA000] =	vst v8;
	v8 =	vmax.f32 v10, $-1.270000000e+02;
	v10 =	vmax.f32 v11, $-1.270000000e+02;
	v11 =	vmax.f32 v12, $-1.270000000e+02  }
0x17c: {  	v6 =	vmul.f32 v6, v0;
	v7 =	vmul.f32 v7, v0;
	v8 =	vmin.f32 v8, $1.270000000e+02  }
0x17d: {  	[tilespmem:s3+$0xA000] =	vst v2;
	v10 =	vmin.f32 v10, $1.270000000e+02;
	v2 =	vmin.f32 v11, $1.270000000e+02;
	v11 =	vmin.f32 v14, $1.270000000e+02  }
0x17e: {  	[tilespmem:s3+$0xA280] =	vst v4;
	s3 =	simm.s32 $0x40;
	s7 =	simm.s32 $0x200;
	v3 =	vmax.f32 v3, $-1.270000000e+02;
	v8 =	vadd.f32 $1.258291200e+07, v8;
	v10 =	vadd.f32 $1.258291200e+07, v10  }
0x17f: {  	s18 =	sor.u32 $0x380, s6;
	s16 =	sand.u32 $0x60, s3;
	v5 =	vmax.f32 v5, $-1.270000000e+02;
	s15 =	sand.u32 $0x1C00, s7;
	v2 =	vadd.f32 $1.258291200e+07, v2;
	v11 =	vadd.f32 $1.258291200e+07, v11  }
0x180: {  	s14 =	sor.u32 $0x300, s4;
	v12 =	vld [tilespmem:s18+$0x2000];
	v6 =	vmax.f32 v6, $-1.270000000e+02;
	v3 =	vmin.f32 v3, $1.270000000e+02;
	v5 =	vmin.f32 v5, $1.270000000e+02;
	s4 =	sor.u32 s16, s15  }
0x181: {  	v7 =	vmax.f32 v7, $-1.270000000e+02;
	v3 =	vadd.f32 $1.258291200e+07, v3;
	v5 =	vadd.f32 $1.258291200e+07, v5;
	v13 =	vld [tilespmem:s4+$0x2110]  }
0x182: {  	s29 =	simm.s32 $0x1;
	s24 =	simm.s32 $0x300;
	s16 =	simm.s32 $0x60;
	v6 =	vmin.f32 v6, $1.270000000e+02;
	v14 =	vld [tilespmem:s4+$0x2190];
	v8 =	vadd.f32 $-1.258291200e+07, v8;
	v10 =	vadd.f32 $-1.258291200e+07, v10  }
0x183: {  	s6 =	sand.u32 $0x3, s29;
	s29 =	sand.u32 $0x1C00, s24;
	v7 =	vmin.f32 v7, $1.270000000e+02;
	v15 =	vld [tilespmem:s4+$0x2210];
	s26 =	sand.u32 $0x60, s16;
	v2 =	vadd.f32 $-1.258291200e+07, v2;
	v6 =	vadd.f32 $1.258291200e+07, v6  }
0x184: {  	v9 =	vmul.f32 v9, v1;
	v16 =	vld [tilespmem:s4+$0x2290];
	v7 =	vadd.f32 $1.258291200e+07, v7;
	s12 =	sor.u32 s26, s29;
	v3 =	vadd.f32 $-1.258291200e+07, v3  }
0x185: {  	v5 =	vadd.f32 $-1.258291200e+07, v5;
	v17 =	vld [tilespmem:s12+$0x2210];
	v12 =	vmul.f32 v12, v0;
	v8 =	vmul.f32 v8, v1  }
0x186: {  	[tilespmem:s0+$0xA010] =	vst v9;
	v18 =	vld [tilespmem:s12+$0x2290];
	v9 =	vmul.f32 v10, v1;
	v2 =	vmul.f32 v2, v1;
	v6 =	vadd.f32 $-1.258291200e+07, v6  }
0x187: {  	v19 =	vld [tilespmem:s12+$0x2000];
	v7 =	vadd.f32 $-1.258291200e+07, v7;
	v3 =	vmul.f32 v3, v1;
	v12 =	vmax.f32 v12, $-1.270000000e+02;
	[tilespmem:s0+$0xA090] =	vst v8  }
0x188: {  	v10 =	vld [tilespmem:s0+$0x2200];
	v5 =	vmul.f32 v5, v1;
	v8 =	vadd.f32 $-1.258291200e+07, v11;
	[tilespmem:s0+$0xA110] =	vst v9;
	v12 =	vmin.f32 v12, $1.270000000e+02  }
0x189: {  	s6 =	sshll.u32 s6, $0x5;
	v11 =	vld [tilespmem:s0+$0x2280];
	[tilespmem:s0+$0xA190] =	vst v2;
	v6 =	vmul.f32 v6, v1;
	v7 =	vmul.f32 v7, v1;
	v12 =	vadd.f32 $1.258291200e+07, v12  }
0x18a: {  	s30 =	sadd.s32 $0x100, s6;
	v9 =	vld [tilespmem:s14+$0x2000];
	v15 =	vmul.f32 v15, v0;
	[tilespmem:s0+$0xA180] =	vst v5;
	v2 =	vmul.f32 v8, v1  }
0x18b: {  	s6 =	sadd.s32 $0x10, s30;
	v13 =	vmul.f32 v13, v0;
	v16 =	vmul.f32 v16, v0;
	v5 =	vld [tilespmem:s4+$0x2080];
	[tilespmem:s0+$0xA100] =	vst v7;
	v8 =	vadd.f32 $-1.258291200e+07, v12  }
0x18c: {  	s13 =	sor.u32 $0x300, s6;
	v14 =	vmul.f32 v14, v0;
	v15 =	vmax.f32 v15, $-1.270000000e+02;
	v7 =	vld [tilespmem:s4+$0x2000];
	v17 =	vmul.f32 v17, v0;
	[tilespmem:s0+$0xA290] =	vst v2  }
0x18d: {  	v16 =	vmax.f32 v16, $-1.270000000e+02;
	v4 =	vmul.f32 v10, v0;
	v2 =	vmul.f32 v8, v1;
	v8 =	vld [tilespmem:s13+$0x2000]  }
0x18e: {  	v18 =	vmul.f32 v18, v0;
	v36 =	vmul.f32 v19, v0;
	v17 =	vmax.f32 v17, $-1.270000000e+02  }
0x18f: {  	v12 =	vld [tilespmem:s4+$0x2090];
	v10 =	vmul.f32 v11, v0;
	v4 =	vmax.f32 v4, $-1.270000000e+02;
	v9 =	vmul.f32 v9, v0  }
0x190: {  	v18 =	vmax.f32 v18, $-1.270000000e+02;
	v4 =	vmin.f32 v4, $1.270000000e+02;
	v5 =	vmul.f32 v5, v0  }
0x191: {  	v11 =	vld [tilespmem:s4+$0x2010];
	v10 =	vmax.f32 v10, $-1.270000000e+02;
	v4 =	vadd.f32 $1.258291200e+07, v4;
	v9 =	vmax.f32 v9, $-1.270000000e+02  }
0x192: {  	v7 =	vmul.f32 v7, v0;
	v10 =	vmin.f32 v10, $1.270000000e+02;
	v8 =	vmul.f32 v8, v0  }
0x193: {  	v9 =	vmin.f32 v9, $1.270000000e+02;
	v5 =	vmax.f32 v5, $-1.270000000e+02;
	v10 =	vadd.f32 $1.258291200e+07, v10  }
0x194: {  	v4 =	vadd.f32 $-1.258291200e+07, v4;
	v12 =	vmul.f32 v12, v0;
	v8 =	vmax.f32 v8, $-1.270000000e+02  }
0x195: {  	v9 =	vadd.f32 $1.258291200e+07, v9;
	v7 =	vmax.f32 v7, $-1.270000000e+02;
	v8 =	vmin.f32 v8, $1.270000000e+02  }
0x196: {  	v5 =	vmin.f32 v5, $1.270000000e+02;
	v11 =	vmul.f32 v11, v0;
	v8 =	vadd.f32 $1.258291200e+07, v8  }
0x197: {  	v7 =	vmin.f32 v7, $1.270000000e+02;
	v5 =	vadd.f32 $1.258291200e+07, v5;
	v10 =	vadd.f32 $-1.258291200e+07, v10  }
0x198: {  	v4 =	vmul.f32 v4, v1;
	v11 =	vmax.f32 v11, $-1.270000000e+02;
	v8 =	vadd.f32 $-1.258291200e+07, v8  }
0x199: {  	v9 =	vadd.f32 $-1.258291200e+07, v9;
	v7 =	vadd.f32 $1.258291200e+07, v7;
	v11 =	vmin.f32 v11, $1.270000000e+02  }
0x19a: {  	v5 =	vadd.f32 $-1.258291200e+07, v5;
	v11 =	vadd.f32 $1.258291200e+07, v11;
	v8 =	vmul.f32 v8, v1  }
0x19b: {  	v10 =	vmul.f32 v10, v1;
	v9 =	vmul.f32 v9, v1;
	v7 =	vadd.f32 $-1.258291200e+07, v7  }
0x19c: {  	s23 =	sor.u32 $0x380, s6;
	v5 =	vmul.f32 v5, v1;
	v11 =	vadd.f32 $-1.258291200e+07, v11;
	[tilespmem:s13+$0xA000] =	vst v8;
	v8 =	vmax.f32 v12, $-1.270000000e+02  }
0x19d: {  	[tilespmem:s0+$0xA000] =	vst v3;
	v12 =	vmax.f32 v13, $-1.270000000e+02;
	v13 =	vmax.f32 v14, $-1.270000000e+02;
	v14 =	vld [tilespmem:s23+$0x2000];
	v3 =	vmin.f32 v8, $1.270000000e+02  }
0x19e: {  	[tilespmem:s0+$0xA080] =	vst v6;
	v8 =	vmin.f32 v12, $1.270000000e+02;
	v6 =	vmin.f32 v13, $1.270000000e+02;
	v3 =	vadd.f32 $1.258291200e+07, v3  }
0x19f: {  	v34 =	vld [tilespmem:s12+$0x2190];
	v12 =	vmin.f32 v15, $1.270000000e+02;
	v8 =	vadd.f32 $1.258291200e+07, v8;
	v6 =	vadd.f32 $1.258291200e+07, v6  }
0x1a0: {  	v13 =	vmin.f32 v16, $1.270000000e+02;
	v15 =	vld [tilespmem:s4+$0x2200];
	v12 =	vadd.f32 $1.258291200e+07, v12;
	v3 =	vadd.f32 $-1.258291200e+07, v3  }
0x1a1: {  	[tilespmem:s0+$0xA200] =	vst v4;
	v4 =	vld [tilespmem:s4+$0x2100];
	v11 =	vmul.f32 v11, v1;
	v13 =	vadd.f32 $1.258291200e+07, v13;
	v8 =	vadd.f32 $-1.258291200e+07, v8  }
0x1a2: {  	[tilespmem:s0+$0xA280] =	vst v10;
	v10 =	vld [tilespmem:s4+$0x2180];
	v6 =	vadd.f32 $-1.258291200e+07, v6;
	v14 =	vmul.f32 v14, v0;
	v3 =	vmul.f32 v3, v1  }
0x1a3: {  	s17 =	simm.s32 $0x2;
	v7 =	vmul.f32 v7, v1;
	[tilespmem:s4+$0xA010] =	vst v11;
	v11 =	vadd.f32 $-1.258291200e+07, v12;
	v8 =	vmul.f32 v8, v1  }
0x1a4: {  	s0 =	sand.u32 $0x3, s17;
	v14 =	vmax.f32 v14, $-1.270000000e+02;
	[tilespmem:s4+$0xA090] =	vst v3;
	v3 =	vmul.f32 v6, v1;
	v6 =	vadd.f32 $-1.258291200e+07, v13  }
0x1a5: {  	s0 =	sshll.u32 s0, $0x5;
	v13 =	vld [tilespmem:s4+$0x2280];
	[tilespmem:s4+$0xA110] =	vst v8;
	v8 =	vmul.f32 v11, v1;
	v11 =	vmul.f32 v15, v0;
	v12 =	vmin.f32 v14, $1.270000000e+02  }
0x1a6: {  	s30 =	sor.u32 $0x300, s30;
	s19 =	sadd.s32 $0x200, s0;
	v15 =	vld [tilespmem:s12+$0x2110];
	v12 =	vadd.f32 $1.258291200e+07, v12;
	[tilespmem:s4+$0xA190] =	vst v3;
	v3 =	vmul.f32 v6, v1;
	v6 =	vmul.f32 v4, v0  }
0x1a7: {  	s0 =	sadd.s32 $0x10, s19;
	v10 =	vmul.f32 v10, v0;
	v16 =	vmul.f32 v34, v0;
	[tilespmem:s4+$0xA210] =	vst v8;
	v8 =	vld [tilespmem:s30+$0x2000];
	v11 =	vmax.f32 v11, $-1.270000000e+02  }
0x1a8: {  	s21 =	sor.u32 $0x300, s0;
	v11 =	vmin.f32 v11, $1.270000000e+02;
	v4 =	vadd.f32 $-1.258291200e+07, v12;
	[tilespmem:s4+$0xA290] =	vst v3;
	v3 =	vmax.f32 v6, $-1.270000000e+02  }
0x1a9: {  	v6 =	vmax.f32 v10, $-1.270000000e+02;
	v11 =	vadd.f32 $1.258291200e+07, v11;
	v10 =	vld [tilespmem:s21+$0x2000];
	v3 =	vmin.f32 v3, $1.270000000e+02  }
0x1aa: {  	v12 =	vmul.f32 v13, v0;
	v6 =	vmin.f32 v6, $1.270000000e+02;
	v13 =	vld [tilespmem:s12+$0x2010];
	v3 =	vadd.f32 $1.258291200e+07, v3  }
0x1ab: {  	v15 =	vmul.f32 v15, v0;
	v6 =	vadd.f32 $1.258291200e+07, v6;
	v11 =	vadd.f32 $-1.258291200e+07, v11  }
0x1ac: {  	v12 =	vmax.f32 v12, $-1.270000000e+02;
	v8 =	vmul.f32 v8, v0;
	v3 =	vadd.f32 $-1.258291200e+07, v3  }
0x1ad: {  	v12 =	vmin.f32 v12, $1.270000000e+02;
	v6 =	vadd.f32 $-1.258291200e+07, v6;
	v11 =	vmul.f32 v11, v1  }
0x1ae: {  	v14 =	vld [tilespmem:s12+$0x2090];
	v12 =	vadd.f32 $1.258291200e+07, v12;
	v10 =	vmul.f32 v10, v0;
	v3 =	vmul.f32 v3, v1  }
0x1af: {  	v8 =	vmax.f32 v8, $-1.270000000e+02;
	v6 =	vmul.f32 v6, v1;
	v13 =	vmul.f32 v13, v0;
	[tilespmem:s4+$0xA200] =	vst v11;
	v11 =	vld [tilespmem:s12+$0x2180]  }
0x1b0: {  	v4 =	vmul.f32 v4, v1;
	v8 =	vmin.f32 v8, $1.270000000e+02;
	v12 =	vadd.f32 $-1.258291200e+07, v12;
	[tilespmem:s4+$0xA100] =	vst v3;
	v3 =	vld [tilespmem:s12+$0x2080]  }
0x1b1: {  	v8 =	vadd.f32 $1.258291200e+07, v8;
	v10 =	vmax.f32 v10, $-1.270000000e+02;
	v13 =	vmax.f32 v13, $-1.270000000e+02;
	[tilespmem:s4+$0xA180] =	vst v6;
	v6 =	vld [tilespmem:s12+$0x2100]  }
0x1b2: {  	v10 =	vmin.f32 v10, $1.270000000e+02;
	v12 =	vmul.f32 v12, v1;
	v13 =	vmin.f32 v13, $1.270000000e+02  }
0x1b3: {  	[tilespmem:s4+$0xA000] =	vst v7;
	v10 =	vadd.f32 $1.258291200e+07, v10;
	v7 =	vadd.f32 $1.258291200e+07, v13;
	v13 =	vmin.f32 v17, $1.270000000e+02  }
0x1b4: {  	v8 =	vadd.f32 $-1.258291200e+07, v8;
	v13 =	vadd.f32 $1.258291200e+07, v13;
	v11 =	vmul.f32 v11, v0  }
0x1b5: {  	v14 =	vmul.f32 v14, v0;
	[tilespmem:s4+$0xA280] =	vst v12;
	v12 =	vld [tilespmem:s12+$0x2200];
	v10 =	vadd.f32 $-1.258291200e+07, v10;
	v7 =	vadd.f32 $-1.258291200e+07, v7  }
0x1b6: {  	s17 =	simm.s32 $0x3;
	v3 =	vmul.f32 v3, v0;
	v6 =	vmul.f32 v6, v0;
	v11 =	vmax.f32 v11, $-1.270000000e+02  }
0x1b7: {  	[tilespmem:s4+$0xA080] =	vst v5;
	s4 =	sand.u32 $0x3, s17;
	v10 =	vmul.f32 v10, v1;
	v7 =	vmul.f32 v7, v1;
	v11 =	vmin.f32 v11, $1.270000000e+02  }
0x1b8: {  	[tilespmem:s14+$0xA000] =	vst v9;
	s4 =	sshll.u32 s4, $0x5;
	v3 =	vmax.f32 v3, $-1.270000000e+02;
	v6 =	vmax.f32 v6, $-1.270000000e+02;
	v9 =	vadd.f32 $1.258291200e+07, v11  }
0x1b9: {  	s13 =	sadd.s32 $0x300, s4;
	s4 =	simm.s32 $0x400;
	[tilespmem:s21+$0xA000] =	vst v10;
	v10 =	vmax.f32 v14, $-1.270000000e+02;
	v14 =	vmax.f32 v15, $-1.270000000e+02;
	v15 =	vmax.f32 v16, $-1.270000000e+02  }
0x1ba: {  	s0 =	sor.u32 $0x380, s0;
	s17 =	simm.s32 $0x80;
	s29 =	sand.u32 $0x1C00, s4;
	[tilespmem:s12+$0xA010] =	vst v7;
	v7 =	vadd.f32 $-1.258291200e+07, v13;
	v12 =	vmul.f32 v12, v0;
	v6 =	vmin.f32 v6, $1.270000000e+02  }
0x1bb: {  	s21 =	sor.u32 $0x300, s19;
	s19 =	sor.u32 s11, s20;
	s20 =	sand.u32 $0x60, s17;
	v10 =	vmin.f32 v10, $1.270000000e+02;
	v14 =	vmin.f32 v14, $1.270000000e+02;
	v6 =	vadd.f32 $1.258291200e+07, v6  }
0x1bc: {  	v35 =	vld [tilespmem:s0+$0x2000];
	v15 =	vmin.f32 v15, $1.270000000e+02;
	s6 =	sor.u32 s20, s29;
	v9 =	vadd.f32 $-1.258291200e+07, v9;
	v10 =	vadd.f32 $1.258291200e+07, v10  }
0x1bd: {  	v3 =	vmin.f32 v3, $1.270000000e+02;
	v5 =	vadd.f32 $1.258291200e+07, v14;
	v14 =	vadd.f32 $1.258291200e+07, v15;
	v39 =	vld [tilespmem:s6+$0x2110]  }
0x1be: {  	v15 =	vmin.f32 v18, $1.270000000e+02;
	v12 =	vmax.f32 v12, $-1.270000000e+02;
	v40 =	vld [tilespmem:s6+$0x2190];
	v6 =	vadd.f32 $-1.258291200e+07, v6  }
0x1bf: {  	v41 =	vld [tilespmem:s6+$0x2210];
	v15 =	vadd.f32 $1.258291200e+07, v15;
	v12 =	vmin.f32 v12, $1.270000000e+02;
	v10 =	vadd.f32 $-1.258291200e+07, v10  }
0x1c0: {  	v20 =	vld [tilespmem:s6+$0x2290];
	v9 =	vmul.f32 v9, v1;
	v5 =	vadd.f32 $-1.258291200e+07, v5;
	v6 =	vmul.f32 v6, v1  }
0x1c1: {  	v21 =	vld [tilespmem:s6+$0x2000];
	v14 =	vadd.f32 $-1.258291200e+07, v14;
	v16 =	vmul.f32 v35, v0;
	v10 =	vmul.f32 v10, v1  }
0x1c2: {  	s11 =	sor.u32 $0x380, s19;
	v11 =	vadd.f32 $1.258291200e+07, v12;
	[tilespmem:s12+$0xA180] =	vst v9;
	v5 =	vmul.f32 v5, v1;
	v17 =	vmul.f32 v39, v0  }
0x1c3: {  	v12 =	vld [tilespmem:s11+$0x2000];
	v18 =	vmul.f32 v40, v0;
	[tilespmem:s12+$0xA090] =	vst v10;
	v10 =	vmul.f32 v14, v1;
	v14 =	vadd.f32 $-1.258291200e+07, v15  }
0x1c4: {  	v11 =	vadd.f32 $-1.258291200e+07, v11;
	v19 =	vmul.f32 v41, v0;
	[tilespmem:s12+$0xA110] =	vst v5;
	v5 =	vmul.f32 v7, v1  }
0x1c5: {  	v20 =	vmul.f32 v20, v0;
	v16 =	vmax.f32 v16, $-1.270000000e+02;
	[tilespmem:s12+$0xA190] =	vst v10;
	v10 =	vmul.f32 v14, v1  }
0x1c6: {  	s15 =	sadd.s32 $0x10, s13;
	v38 =	vld [tilespmem:s6+$0x2090];
	v46 =	vmul.f32 v21, v0;
	v15 =	vadd.f32 $1.258291200e+07, v3;
	v16 =	vmin.f32 v16, $1.270000000e+02;
	[tilespmem:s12+$0xA210] =	vst v5  }
0x1c7: {  	s26 =	sor.u32 $0x300, s15;
	v9 =	vld [tilespmem:s6+$0x2180];
	v3 =	vmul.f32 v8, v1;
	v11 =	vmul.f32 v11, v1;
	v13 =	vadd.f32 $1.258291200e+07, v16;
	[tilespmem:s12+$0xA290] =	vst v10  }
0x1c8: {  	v12 =	vmul.f32 v12, v0;
	v42 =	vmax.f32 v17, $-1.270000000e+02;
	v43 =	vmax.f32 v18, $-1.270000000e+02;
	v14 =	vld [tilespmem:s26+$0x2000]  }
0x1c9: {  	v37 =	vld [tilespmem:s12+$0x2280];
	v19 =	vmax.f32 v19, $-1.270000000e+02;
	v7 =	vadd.f32 $-1.258291200e+07, v13;
	v13 =	vmax.f32 v36, $-1.270000000e+02  }
0x1ca: {  	[tilespmem:s12+$0xA100] =	vst v6;
	v6 =	vld [tilespmem:s6+$0x2100];
	v20 =	vmax.f32 v20, $-1.270000000e+02;
	v48 =	vmax.f32 v46, $-1.270000000e+02;
	v13 =	vmin.f32 v13, $1.270000000e+02  }
0x1cb: {  	v15 =	vadd.f32 $-1.258291200e+07, v15;
	v16 =	vmul.f32 v38, v0;
	v13 =	vadd.f32 $1.258291200e+07, v13  }
0x1cc: {  	v17 =	vmin.f32 v43, $1.270000000e+02;
	v45 =	vmin.f32 v20, $1.270000000e+02;
	v9 =	vmul.f32 v9, v0  }
0x1cd: {  	v12 =	vmax.f32 v12, $-1.270000000e+02;
	v8 =	vadd.f32 $-1.258291200e+07, v13;
	v13 =	vmul.f32 v14, v0  }
0x1ce: {  	v5 =	vld [tilespmem:s21+$0x2000];
	v17 =	vadd.f32 $1.258291200e+07, v17;
	v10 =	vmul.f32 v37, v0;
	v15 =	vmul.f32 v15, v1  }
0x1cf: {  	[tilespmem:s12+$0xA200] =	vst v11;
	v11 =	vld [tilespmem:s6+$0x2200];
	v12 =	vmin.f32 v12, $1.270000000e+02;
	v6 =	vmul.f32 v6, v0;
	v13 =	vmax.f32 v13, $-1.270000000e+02  }
0x1d0: {  	v9 =	vmax.f32 v9, $-1.270000000e+02;
	v17 =	vadd.f32 $-1.258291200e+07, v17;
	v13 =	vmin.f32 v13, $1.270000000e+02  }
0x1d1: {  	v9 =	vmin.f32 v9, $1.270000000e+02;
	v12 =	vadd.f32 $1.258291200e+07, v12;
	v14 =	vld [tilespmem:s6+$0x2010];
	v13 =	vadd.f32 $1.258291200e+07, v13  }
0x1d2: {  	v7 =	vmul.f32 v7, v1;
	v10 =	vmax.f32 v10, $-1.270000000e+02;
	v6 =	vmax.f32 v6, $-1.270000000e+02  }
0x1d3: {  	v9 =	vadd.f32 $1.258291200e+07, v9;
	v5 =	vmul.f32 v5, v0;
	v13 =	vadd.f32 $-1.258291200e+07, v13  }
0x1d4: {  	v10 =	vmin.f32 v10, $1.270000000e+02;
	v11 =	vmul.f32 v11, v0;
	v8 =	vmul.f32 v8, v1  }
0x1d5: {  	v6 =	vmin.f32 v6, $1.270000000e+02;
	v10 =	vadd.f32 $1.258291200e+07, v10;
	v13 =	vmul.f32 v13, v1  }
0x1d6: {  	v6 =	vadd.f32 $1.258291200e+07, v6;
	v5 =	vmax.f32 v5, $-1.270000000e+02;
	[tilespmem:s12+$0xA000] =	vst v8;
	v14 =	vmul.f32 v14, v0  }
0x1d7: {  	v11 =	vmax.f32 v11, $-1.270000000e+02;
	v8 =	vmin.f32 v19, $1.270000000e+02;
	[tilespmem:s26+$0xA000] =	vst v13;
	v13 =	vmax.f32 v16, $-1.270000000e+02  }
0x1d8: {  	v8 =	vadd.f32 $1.258291200e+07, v8;
	v14 =	vmax.f32 v14, $-1.270000000e+02;
	v13 =	vmin.f32 v13, $1.270000000e+02  }
0x1d9: {  	s15 =	sor.u32 $0x380, s15;
	v10 =	vadd.f32 $-1.258291200e+07, v10;
	v14 =	vmin.f32 v14, $1.270000000e+02;
	v13 =	vadd.f32 $1.258291200e+07, v13  }
0x1da: {  	v8 =	vadd.f32 $-1.258291200e+07, v8;
	v14 =	vadd.f32 $1.258291200e+07, v14;
	v16 =	vmin.f32 v42, $1.270000000e+02;
	v44 =	vld [tilespmem:s15+$0x2000]  }
0x1db: {  	s8 =	sor.u32 s22, s8;
	s22 =	simm.s32 $0xA0;
	[tilespmem:s12+$0xA080] =	vst v15;
	v15 =	vld [tilespmem:s6+$0x2080];
	v10 =	vmul.f32 v10, v1;
	s26 =	simm.s32 $0x500;
	v16 =	vadd.f32 $1.258291200e+07, v16;
	v13 =	vadd.f32 $-1.258291200e+07, v13  }
0x1dc: {  	[tilespmem:s23+$0xA000] =	vst v4;
	s20 =	sand.u32 $0x60, s22;
	v5 =	vmin.f32 v5, $1.270000000e+02;
	v8 =	vmul.f32 v8, v1;
	v14 =	vadd.f32 $-1.258291200e+07, v14;
	s19 =	sand.u32 $0x1C00, s26  }
0x1dd: {  	v19 =	vadd.f32 $1.258291200e+07, v45;
	[tilespmem:s12+$0xA280] =	vst v10;
	s20 =	sor.u32 s20, s19;
	v16 =	vadd.f32 $-1.258291200e+07, v16;
	v13 =	vmul.f32 v13, v1  }
0x1de: {  	s14 =	simm.s32 $0x4;
	v11 =	vmin.f32 v11, $1.270000000e+02;
	v5 =	vadd.f32 $1.258291200e+07, v5;
	[tilespmem:s6+$0xA210] =	vst v8;
	v14 =	vmul.f32 v14, v1;
	v22 =	vld [tilespmem:s20+$0x2210]  }
0x1df: {  	s12 =	sand.u32 $0x3, s14;
	v23 =	vld [tilespmem:s20+$0x2290];
	v16 =	vmul.f32 v16, v1;
	v18 =	vmul.f32 v44, v0;
	[tilespmem:s6+$0xA090] =	vst v13;
	v13 =	vadd.f32 $-1.258291200e+07, v19  }
0x1e0: {  	v6 =	vadd.f32 $-1.258291200e+07, v6;
	s12 =	sshll.u32 s12, $0x5;
	[tilespmem:s6+$0xA010] =	vst v14;
	v14 =	vmul.f32 v15, v0;
	v15 =	vmul.f32 v17, v1  }
0x1e1: {  	v5 =	vadd.f32 $-1.258291200e+07, v5;
	s12 =	sadd.s32 $0x400, s12;
	v4 =	vld [tilespmem:s20+$0x2000];
	[tilespmem:s6+$0xA110] =	vst v16;
	v18 =	vmax.f32 v18, $-1.270000000e+02;
	v13 =	vmul.f32 v13, v1  }
0x1e2: {  	v47 =	vld [tilespmem:s6+$0x2280];
	v11 =	vadd.f32 $1.258291200e+07, v11;
	v54 =	vmul.f32 v6, v1;
	s14 =	sor.u32 $0x300, s13;
	s13 =	sadd.s32 $0x10, s12;
	[tilespmem:s6+$0xA190] =	vst v15;
	v10 =	vmin.f32 v18, $1.270000000e+02  }
0x1e3: {  	v50 =	vmul.f32 v5, v1;
	s29 =	sor.u32 $0x300, s13;
	v14 =	vmax.f32 v14, $-1.270000000e+02;
	v15 =	vld [tilespmem:s14+$0x2000];
	v10 =	vadd.f32 $1.258291200e+07, v10;
	[tilespmem:s6+$0xA290] =	vst v13  }
0x1e4: {  	v14 =	vmin.f32 v14, $1.270000000e+02;
	v57 =	vmul.f32 v22, v0;
	v58 =	vmul.f32 v23, v0;
	v49 =	vld [tilespmem:s29+$0x2000]  }
0x1e5: {  	v14 =	vadd.f32 $1.258291200e+07, v14;
	v10 =	vadd.f32 $-1.258291200e+07, v10;
	v13 =	vmin.f32 v48, $1.270000000e+02  }
0x1e6: {  	v4 =	vmul.f32 v4, v0;
	v18 =	vmax.f32 v57, $-1.270000000e+02;
	v13 =	vadd.f32 $1.258291200e+07, v13  }
0x1e7: {  	s8 =	sor.u32 $0x380, s8;
	[tilespmem:s30+$0xA000] =	vst v3;
	v14 =	vadd.f32 $-1.258291200e+07, v14;
	v8 =	vmul.f32 v10, v1;
	v10 =	vmul.f32 v47, v0  }
0x1e8: {  	v20 =	vmax.f32 v58, $-1.270000000e+02;
	v3 =	vmul.f32 v15, v0;
	v15 =	vld [tilespmem:s8+$0x2000];
	v5 =	vadd.f32 $-1.258291200e+07, v13  }
0x1e9: {  	v14 =	vmul.f32 v14, v1;
	v13 =	vld [tilespmem:s20+$0x2010];
	v10 =	vmax.f32 v10, $-1.270000000e+02;
	v16 =	vmul.f32 v49, v0  }
0x1ea: {  	v10 =	vmin.f32 v10, $1.270000000e+02;
	v52 =	vmul.f32 v5, v1;
	v5 =	vadd.f32 $-1.258291200e+07, v9  }
0x1eb: {  	v51 =	vld [tilespmem:s20+$0x2090];
	v9 =	vadd.f32 $-1.258291200e+07, v11;
	v10 =	vadd.f32 $1.258291200e+07, v10;
	v16 =	vmax.f32 v16, $-1.270000000e+02  }
0x1ec: {  	v3 =	vmax.f32 v3, $-1.270000000e+02;
	v11 =	vld [tilespmem:s20+$0x2110];
	v55 =	vmul.f32 v5, v1;
	v6 =	vmin.f32 v16, $1.270000000e+02  }
0x1ed: {  	v53 =	vld [tilespmem:s20+$0x2190];
	v9 =	vmul.f32 v9, v1;
	v10 =	vadd.f32 $-1.258291200e+07, v10;
	v5 =	vadd.f32 $1.258291200e+07, v6  }
0x1ee: {  	v3 =	vmin.f32 v3, $1.270000000e+02;
	v13 =	vmul.f32 v13, v0;
	v6 =	vmul.f32 v15, v0  }
0x1ef: {  	v59 =	vld [tilespmem:s20+$0x2080];
	v10 =	vmul.f32 v10, v1;
	v15 =	vadd.f32 $1.258291200e+07, v3;
	v5 =	vadd.f32 $-1.258291200e+07, v5  }
0x1f0: {  	v3 =	vadd.f32 $-1.258291200e+07, v12;
	v12 =	vmul.f32 v51, v0;
	v13 =	vmax.f32 v13, $-1.270000000e+02  }
0x1f1: {  	[tilespmem:s18+$0xA000] =	vst v2;
	v11 =	vmul.f32 v11, v0;
	v13 =	vmin.f32 v13, $1.270000000e+02;
	v56 =	vmul.f32 v5, v1  }
0x1f2: {  	[tilespmem:s15+$0xA000] =	vst v8;
	v24 =	vmax.f32 v6, $-1.270000000e+02;
	v6 =	vadd.f32 $-1.258291200e+07, v15;
	v15 =	vmul.f32 v53, v0  }
0x1f3: {  	s30 =	sor.u32 $0x380, s13;
	v2 =	vmax.f32 v12, $-1.270000000e+02;
	v11 =	vmax.f32 v11, $-1.270000000e+02;
	v8 =	vadd.f32 $1.258291200e+07, v13;
	[tilespmem:s29+$0xA000] =	vst v56  }
0x1f4: {  	v13 =	vmin.f32 v20, $1.270000000e+02;
	[tilespmem:s6+$0xA280] =	vst v10;
	v10 =	vmul.f32 v59, v0;
	v12 =	vmax.f32 v15, $-1.270000000e+02;
	v15 =	vld [tilespmem:s30+$0x2000]  }
0x1f5: {  	[tilespmem:s0+$0xA000] =	vst v7;
	v2 =	vmin.f32 v2, $1.270000000e+02;
	v7 =	vmin.f32 v11, $1.270000000e+02;
	v13 =	vadd.f32 $1.258291200e+07, v13  }
0x1f6: {  	[tilespmem:s6+$0xA100] =	vst v54;
	v5 =	vmin.f32 v24, $1.270000000e+02;
	v2 =	vadd.f32 $1.258291200e+07, v2;
	v7 =	vadd.f32 $1.258291200e+07, v7  }
0x1f7: {  	[tilespmem:s6+$0xA080] =	vst v14;
	v14 =	vld [tilespmem:s20+$0x2100];
	v8 =	vadd.f32 $-1.258291200e+07, v8;
	v11 =	vmin.f32 v12, $1.270000000e+02;
	v13 =	vadd.f32 $-1.258291200e+07, v13  }
0x1f8: {  	[tilespmem:s21+$0xA000] =	vst v50;
	v60 =	vld [tilespmem:s20+$0x2180];
	v12 =	vmin.f32 v18, $1.270000000e+02;
	v11 =	vadd.f32 $1.258291200e+07, v11;
	v2 =	vadd.f32 $-1.258291200e+07, v2  }
0x1f9: {  	[tilespmem:s6+$0xA000] =	vst v52;
	v8 =	vmul.f32 v8, v1;
	v7 =	vadd.f32 $-1.258291200e+07, v7;
	v15 =	vmul.f32 v15, v0  }
0x1fa: {  	v61 =	vld [tilespmem:s20+$0x2200];
	[tilespmem:s6+$0xA180] =	vst v55;
	v12 =	vadd.f32 $1.258291200e+07, v12;
	v13 =	vmul.f32 v13, v1;
	v2 =	vmul.f32 v2, v1  }
0x1fb: {  	[tilespmem:s6+$0xA200] =	vst v9;
	v9 =	vld [tilespmem:s20+$0x2280];
	v11 =	vadd.f32 $-1.258291200e+07, v11;
	v7 =	vmul.f32 v7, v1;
	v15 =	vmax.f32 v15, $-1.270000000e+02  }
0x1fc: {  	s6 =	simm.s32 $0x5;
	v12 =	vadd.f32 $-1.258291200e+07, v12;
	[tilespmem:s20+$0xA010] =	vst v8;
	v8 =	vmul.f32 v14, v0;
	v15 =	vmin.f32 v15, $1.270000000e+02  }
0x1fd: {  	s19 =	sand.u32 $0x3, s6;
	[tilespmem:s20+$0xA090] =	vst v2;
	v2 =	vmax.f32 v4, $-1.270000000e+02;
	v4 =	vmul.f32 v60, v0;
	v15 =	vadd.f32 $1.258291200e+07, v15  }
0x1fe: {  	s18 =	sor.u32 $0x300, s12;
	s0 =	sshll.u32 s19, $0x5;
	v11 =	vmul.f32 v11, v1;
	v12 =	vmul.f32 v12, v1;
	[tilespmem:s20+$0xA110] =	vst v7;
	v7 =	vmax.f32 v10, $-1.270000000e+02  }
0x1ff: {  	s23 =	sadd.s32 $0x500, s0;
	[tilespmem:s20+$0xA290] =	vst v13;
	v10 =	vmul.f32 v61, v0;
	v14 =	vadd.f32 $-1.258291200e+07, v15;
	v15 =	vmax.f32 v4, $-1.270000000e+02;
	v4 =	vld [tilespmem:s18+$0x2000]  }
0x200: {  	s3 =	sor.u32 s7, s3;
	v62 =	vmul.f32 v9, v0;
	s12 =	sadd.s32 $0x10, s23;
	v63 =	vmin.f32 v2, $1.270000000e+02;
	[tilespmem:s20+$0xA190] =	vst v11;
	v11 =	vmax.f32 v8, $-1.270000000e+02  }
0x201: {  	s21 =	sor.u32 s24, s16;
	s24 =	sor.u32 s4, s17;
	s4 =	sor.u32 $0x300, s12;
	[tilespmem:s20+$0xA210] =	vst v12;
	v8 =	vmin.f32 v7, $1.270000000e+02;
	v10 =	vmax.f32 v10, $-1.270000000e+02;
	v14 =	vmul.f32 v14, v1  }
0x202: {  	s7 =	sor.u32 $0x380, s24;
	s0 =	sor.u32 $0x380, s3;
	s29 =	sor.u32 s26, s22;
	v12 =	vmin.f32 v11, $1.270000000e+02;
	v7 =	vld [tilespmem:s4+$0x2000];
	v9 =	vmin.f32 v15, $1.270000000e+02;
	v15 =	vmax.f32 v62, $-1.270000000e+02  }
0x203: {  	s3 =	sor.u32 $0x380, s21;
	s13 =	sor.u32 $0x300, s23;
	s16 =	sor.u32 $0x380, s29;
	v2 =	vld [tilespmem:s0+$0x2000];
	v11 =	vadd.f32 $1.258291200e+07, v63;
	v13 =	vmin.f32 v10, $1.270000000e+02;
	v10 =	vmin.f32 v15, $1.270000000e+02;
	[tilespmem:s30+$0xA000] =	vst v14  }
.LBB2_9:
0x204: {  	s22 =	sadd.s32 $0x20, s22;
	v8 =	vadd.f32 $1.258291200e+07, v8;
	v12 =	vadd.f32 $1.258291200e+07, v12;
	s26 =	sadd.s32 $0x100, s26;
	v4 =	vmul.f32 v4, v0  }
0x205: {  	v9 =	vadd.f32 $1.258291200e+07, v9;
	v13 =	vadd.f32 $1.258291200e+07, v13;
	v6 =	vmul.f32 v6, v1;
	s15 =	sand.u32 $0x60, s22;
	s17 =	sand.u32 $0x1C00, s26;
	s21 =	sor.u32 s26, s22  }
0x206: {  	v10 =	vadd.f32 $1.258291200e+07, v10;
	p2 =	slt.u32 s22, $0x3E0;
	v11 =	vadd.f32 $-1.258291200e+07, v11;
	s15 =	sor.u32 s15, s17;
	s17 =	sor.u32 $0x380, s21;
	v4 =	vmax.f32 v4, $-1.270000000e+02  }
0x207: {  	v8 =	vadd.f32 $-1.258291200e+07, v8;
	v12 =	vadd.f32 $-1.258291200e+07, v12;
	v14 =	vld [tilespmem:s15+$0x2010];
	v7 =	vmul.f32 v7, v0;
	[tilespmem:s14+$0xA000] =	vst v6;
	s14 =	smov.u32 s18;
	s18 =	smov.u32 s13  }
0x208: {  	v9 =	vadd.f32 $-1.258291200e+07, v9;
	v13 =	vadd.f32 $-1.258291200e+07, v13;
	v11 =	vmul.f32 v11, v1;
	v6 =	vld [tilespmem:s15+$0x2090]  }
0x209: {  	v10 =	vadd.f32 $-1.258291200e+07, v10;
	v8 =	vmul.f32 v8, v1;
	v15 =	vld [tilespmem:s15+$0x2110];
	v7 =	vmax.f32 v7, $-1.270000000e+02  }
0x20a: {  	v9 =	vmul.f32 v9, v1;
	v16 =	vld [tilespmem:s15+$0x2190];
	[tilespmem:s20+$0xA000] =	vst v11;
	v11 =	vmul.f32 v12, v1;
	v7 =	vmin.f32 v7, $1.270000000e+02  }
0x20b: {  	v10 =	vmul.f32 v10, v1;
	v12 =	vld [tilespmem:s15+$0x2210];
	[tilespmem:s20+$0xA080] =	vst v8;
	v8 =	vmul.f32 v13, v1;
	v7 =	vadd.f32 $1.258291200e+07, v7  }
0x20c: {  	v2 =	vmul.f32 v2, v0;
	v5 =	vadd.f32 $1.258291200e+07, v5;
	v4 =	vmin.f32 v4, $1.270000000e+02;
	v13 =	vld [tilespmem:s15+$0x2290];
	[tilespmem:s20+$0xA100] =	vst v11  }
0x20d: {  	v4 =	vadd.f32 $1.258291200e+07, v4;
	v11 =	vld [tilespmem:s15+$0x2000];
	[tilespmem:s20+$0xA180] =	vst v9;
	v7 =	vadd.f32 $-1.258291200e+07, v7;
	v9 =	vmul.f32 v3, v1  }
0x20e: {  	v2 =	vmax.f32 v2, $-1.270000000e+02;
	v14 =	vmul.f32 v14, v0;
	v3 =	vadd.f32 $-1.258291200e+07, v5;
	v17 =	vld [tilespmem:s15+$0x2080];
	[tilespmem:s20+$0xA200] =	vst v8  }
0x20f: {  	v18 =	vmul.f32 v6, v0;
	v6 =	vadd.f32 $-1.258291200e+07, v4;
	v8 =	vld [tilespmem:s15+$0x2100];
	[tilespmem:s20+$0xA280] =	vst v10;
	v7 =	vmul.f32 v7, v1;
	s20 =	smov.u32 s15  }
0x210: {  	v5 =	vmin.f32 v2, $1.270000000e+02;
	v4 =	vmul.f32 v15, v0;
	v15 =	vmul.f32 v16, v0;
	v10 =	vld [tilespmem:s20+$0x2180];
	[tilespmem:s11+$0xA000] =	vst v9;
	s11 =	smov.u32 s8;
	s8 =	smov.u32 s0;
	s0 =	smov.u32 s3  }
0x211: {  	v2 =	vmax.f32 v14, $-1.270000000e+02;
	s15 =	sor.u32 $0x380, s12;
	v12 =	vmul.f32 v12, v0;
	s3 =	smov.u32 s7;
	s7 =	smov.u32 s16;
	v9 =	vld [tilespmem:s20+$0x2200];
	v13 =	vmul.f32 v13, v0;
	[tilespmem:s4+$0xA000] =	vst v7  }
0x212: {  	v4 =	vmax.f32 v4, $-1.270000000e+02;
	s16 =	smov.u32 s17;
	v7 =	vmax.f32 v18, $-1.270000000e+02;
	v14 =	vmax.f32 v15, $-1.270000000e+02;
	v15 =	vld [tilespmem:s15+$0x2000]  }
0x213: {  	v2 =	vmin.f32 v2, $1.270000000e+02;
	v12 =	vmax.f32 v12, $-1.270000000e+02;
	v16 =	vld [tilespmem:s20+$0x2280];
	v13 =	vmax.f32 v13, $-1.270000000e+02  }
0x214: {  	v18 =	vmin.f32 v4, $1.270000000e+02;
	v7 =	vmin.f32 v7, $1.270000000e+02;
	v14 =	vmin.f32 v14, $1.270000000e+02;
	v4 =	vld [tilespmem:s18+$0x2000]  }
0x215: {  	v19 =	vadd.f32 $1.258291200e+07, v2;
	v7 =	vadd.f32 $1.258291200e+07, v7;
	v12 =	vmin.f32 v12, $1.270000000e+02;
	v2 =	vld [tilespmem:s0+$0x2000]  }
0x216: {  	v18 =	vadd.f32 $1.258291200e+07, v18;
	v14 =	vadd.f32 $1.258291200e+07, v14;
	v13 =	vmin.f32 v13, $1.270000000e+02  }
0x217: {  	v19 =	vadd.f32 $-1.258291200e+07, v19;
	v12 =	vadd.f32 $1.258291200e+07, v12;
	v15 =	vmul.f32 v15, v0  }
0x218: {  	v11 =	vmul.f32 v11, v0;
	v7 =	vadd.f32 $-1.258291200e+07, v7;
	v13 =	vadd.f32 $1.258291200e+07, v13  }
0x219: {  	v19 =	vmul.f32 v19, v1;
	v18 =	vadd.f32 $-1.258291200e+07, v18;
	v15 =	vmax.f32 v15, $-1.270000000e+02  }
0x21a: {  	v14 =	vadd.f32 $-1.258291200e+07, v14;
	v7 =	vmul.f32 v7, v1;
	v15 =	vmin.f32 v15, $1.270000000e+02  }
0x21b: {  	v18 =	vmul.f32 v18, v1;
	v12 =	vadd.f32 $-1.258291200e+07, v12;
	[tilespmem:s20+$0xA010] =	vst v19;
	v15 =	vadd.f32 $1.258291200e+07, v15  }
0x21c: {  	s6 =	sadd.s32 $0x1, s6;
	v17 =	vmul.f32 v17, v0;
	v13 =	vadd.f32 $-1.258291200e+07, v13;
	[tilespmem:s20+$0xA090] =	vst v7;
	v7 =	vmul.f32 v14, v1  }
0x21d: {  	s4 =	sand.u32 $0x3, s6;
	v8 =	vmul.f32 v8, v0;
	v12 =	vmul.f32 v12, v1;
	[tilespmem:s20+$0xA110] =	vst v18;
	v14 =	vadd.f32 $-1.258291200e+07, v15  }
0x21e: {  	s4 =	sshll.u32 s4, $0x5;
	v11 =	vmax.f32 v11, $-1.270000000e+02;
	v10 =	vmul.f32 v10, v0;
	[tilespmem:s20+$0xA190] =	vst v7;
	v7 =	vmul.f32 v13, v1  }
.Ltmp6:
0x21f: {  	s4 =	sadd.s32 s4, s26;
	v9 =	vmul.f32 v9, v0;
	v13 =	vmax.f32 v17, $-1.270000000e+02;
	[tilespmem:s20+$0xA210] =	vst v12;
	v12 =	vmul.f32 v14, v1;
	(pc) =	sbr.rel @p2 .LBB2_9-.Ltmp6, $4  }
0x220: {  	s13 =	sor.u32 $0x300, s4;
	s12 =	sadd.s32 $0x10, s4;
	v10 =	vmax.f32 v10, $-1.270000000e+02;
	v15 =	vmul.f32 v16, v0;
	v14 =	vmax.f32 v8, $-1.270000000e+02;
	[tilespmem:s20+$0xA290] =	vst v7  }
0x221: {  	v11 =	vmin.f32 v11, $1.270000000e+02;
	s4 =	sor.u32 $0x300, s12;
	v8 =	vmin.f32 v13, $1.270000000e+02;
	v13 =	vmax.f32 v9, $-1.270000000e+02;
	[tilespmem:s15+$0xA000] =	vst v12  }
0x222: {  	v9 =	vmin.f32 v10, $1.270000000e+02;
	v10 =	vmax.f32 v15, $-1.270000000e+02;
	v12 =	vmin.f32 v14, $1.270000000e+02;
	v7 =	vld [tilespmem:s4+$0x2000]  }
0x223: {  	v11 =	vadd.f32 $1.258291200e+07, v11;
	v13 =	vmin.f32 v13, $1.270000000e+02;
	v10 =	vmin.f32 v10, $1.270000000e+02  }
0x224: {  	v8 =	vadd.f32 $1.258291200e+07, v8  }
0x225: {  	v9 =	vadd.f32 $1.258291200e+07, v9;
	v11 =	vadd.f32 $-1.258291200e+07, v11  }
0x226: {  	v10 =	vadd.f32 $1.258291200e+07, v10;
	v8 =	vadd.f32 $-1.258291200e+07, v8  }
0x227: {  	v12 =	vadd.f32 $1.258291200e+07, v12;
	v9 =	vadd.f32 $-1.258291200e+07, v9;
	v11 =	vmul.f32 v11, v1  }
0x228: {  	v13 =	vadd.f32 $1.258291200e+07, v13;
	v10 =	vadd.f32 $-1.258291200e+07, v10;
	v8 =	vmul.f32 v8, v1  }
0x229: {  	v12 =	vadd.f32 $-1.258291200e+07, v12;
	v9 =	vmul.f32 v9, v1;
	[tilespmem:s20+$0xA000] =	vst v11  }
0x22a: {  	v13 =	vadd.f32 $-1.258291200e+07, v13;
	v10 =	vmul.f32 v10, v1;
	[tilespmem:s20+$0xA080] =	vst v8  }
0x22b: {  	v11 =	vmul.f32 v12, v1;
	[tilespmem:s20+$0xA180] =	vst v9  }
0x22c: {  	v7 =	vmul.f32 v7, v0;
	v8 =	vmul.f32 v13, v1;
	[tilespmem:s20+$0xA280] =	vst v10  }
0x22d: {  	[tilespmem:s20+$0xA100] =	vst v11  }
0x22e: {  	v7 =	vmax.f32 v7, $-1.270000000e+02;
	[tilespmem:s20+$0xA200] =	vst v8  }
0x22f: {  	v7 =	vmin.f32 v7, $1.270000000e+02;
	v8 =	vld [tilespmem:s13+$0x2000]  }
0x230: {  	v7 =	vadd.f32 $1.258291200e+07, v7;
	_ =	sdelay $0x1  }
0x231: {  	v7 =	vadd.f32 $-1.258291200e+07, v7  }
0x232: {  	v4 =	vmul.f32 v4, v0  }
0x233: {  	v7 =	vmul.f32 v7, v1;
	v8 =	vmul.f32 v8, v0  }
0x234: {  	v4 =	vmax.f32 v4, $-1.270000000e+02  }
0x235: {  	s6 =	sor.u32 $0x380, s12;
	v4 =	vmin.f32 v4, $1.270000000e+02;
	[tilespmem:s4+$0xA000] =	vst v7;
	v7 =	vmax.f32 v8, $-1.270000000e+02  }
0x236: {  	v4 =	vadd.f32 $1.258291200e+07, v4;
	v8 =	vld [tilespmem:s6+$0x2000];
	v7 =	vmin.f32 v7, $1.270000000e+02  }
0x237: {  	v7 =	vadd.f32 $1.258291200e+07, v7  }
0x238: {  	v4 =	vadd.f32 $-1.258291200e+07, v4  }
0x239: {  	v6 =	vmul.f32 v6, v1;
	v7 =	vadd.f32 $-1.258291200e+07, v7  }
0x23a: {  	v2 =	vmul.f32 v2, v0;
	v4 =	vmul.f32 v4, v1  }
0x23b: {  	[tilespmem:s14+$0xA000] =	vst v6;
	v6 =	vmul.f32 v8, v0;
	v7 =	vmul.f32 v7, v1  }
0x23c: {  	[tilespmem:s18+$0xA000] =	vst v4;
	v8 =	vld [tilespmem:s3+$0x2000]  }
0x23d: {  	v2 =	vmax.f32 v2, $-1.270000000e+02;
	v4 =	vmax.f32 v6, $-1.270000000e+02;
	v6 =	vld [tilespmem:s7+$0x2000];
	[tilespmem:s13+$0xA000] =	vst v7  }
0x23e: {  	v5 =	vadd.f32 $1.258291200e+07, v5;
	v2 =	vmin.f32 v2, $1.270000000e+02;
	v7 =	vld [tilespmem:s16+$0x2000]  }
0x23f: {  	v2 =	vadd.f32 $1.258291200e+07, v2  }
0x240: {  	v3 =	vmul.f32 v3, v1;
	v5 =	vadd.f32 $-1.258291200e+07, v5  }
0x241: {  	v2 =	vadd.f32 $-1.258291200e+07, v2;
	v4 =	vmin.f32 v4, $1.270000000e+02;
	v8 =	vmul.f32 v8, v0  }
0x242: {  	[tilespmem:s11+$0xA000] =	vst v3;
	v3 =	vmul.f32 v5, v1;
	v4 =	vadd.f32 $1.258291200e+07, v4;
	v6 =	vmul.f32 v6, v0  }
0x243: {  	v2 =	vmul.f32 v2, v1;
	v8 =	vmax.f32 v8, $-1.270000000e+02;
	v7 =	vmul.f32 v7, v0  }
0x244: {  	v4 =	vadd.f32 $-1.258291200e+07, v4;
	v8 =	vmin.f32 v8, $1.270000000e+02;
	v6 =	vmax.f32 v6, $-1.270000000e+02  }
0x245: {  	v8 =	vadd.f32 $1.258291200e+07, v8;
	v6 =	vmin.f32 v6, $1.270000000e+02;
	v7 =	vmax.f32 v7, $-1.270000000e+02  }
0x246: {  	[tilespmem:s8+$0xA000] =	vst v3;
	v4 =	vmul.f32 v4, v1;
	v6 =	vadd.f32 $1.258291200e+07, v6;
	v7 =	vmin.f32 v7, $1.270000000e+02  }
0x247: {  	[tilespmem:s0+$0xA000] =	vst v2;
	v5 =	vadd.f32 $-1.258291200e+07, v8;
	v7 =	vadd.f32 $1.258291200e+07, v7  }
0x248: {  	[tilespmem:s6+$0xA000] =	vst v4;
	v4 =	vadd.f32 $-1.258291200e+07, v6  }
0x249: {  	s8 =	sshll.u32 s9, $0x5;
	s0 =	rddreg [dreg:$0x4];
	v3 =	vmul.f32 v5, v1;
	v5 =	vadd.f32 $-1.258291200e+07, v7  }
0x24a: {  	s0 =	sadd.s32 s8, s0;
	v2 =	vmul.f32 v4, v1  }
0x24b: {  	s11 =	rddreg [dreg:$0x2];
	s0 =	sshll.u32 s0, $0x7;
	[tilespmem:s3+$0xA000] =	vst v3;
	v3 =	vmul.f32 v5, v1  }
0x24c: {  	s11 =	sadd.s32 s11, s0;
	[tilespmem:s7+$0xA000] =	vst v2  }
0x24d: {  	s12 =	simm.s32 $0xA000;
	s0 =	sadd.s32 $0x400, s11;
	[tilespmem:s16+$0xA000] =	vst v3  }
0x24e: {  	[hbm4b:s0+s5] =	stream.linear.scatter [tilespmem:s12], [sflag:$0x6], $0x2000, $0x38;
	[tilespmem:$0x10100] =	vst v63  }
0x24f: {  	p2 =	seq.s32 s9, $0x7;
	s0 =	rddreg [dreg:$0xd]  }
0x250: {  	s0 =	sadd.s32 @!p2 s10, s0  }
0x251: {  	s0 =	sshll.u32 @!p2 s0, $0xA  }
0x252: {  	s4 =	simm.s32 @!p2 $0x2000;
	s3 =	simm.s32 @!p2 $0x0;
	s0 =	sadd.s32 @!p2 s1, s0  }
0x253: {  	[tilespmem:s4], [sflag:$0x2] =	stream.linear.gather @!p2 [hbm4b:s0+s3], $0x2000, $0x38;
	[tilespmem:$0x10100] =	vst v63  }
0x254: {  	_ =	swait.ge [sflag:s31], $0x2000  }
0x255: {  	[sflag:s31] =	ssyncset.done $0x0  }
0x256: {  	s0 =	simm.s32 @!p0 $0x7;
	[sflag:s31] =	ssyncadd.s32 $0xFFFFE000  }
0x257: {  	s23 =	simm.s32 $0x0;
	s18 =	simm.s32 $0x0;
	_ =	swait.ge @!p0 [sflag:s0], $0x2000  }
0x258: {  	s14 =	sand.u32 $0x1C00, s18;
	s13 =	sand.u32 $0x60, s23;
	[sflag:s0] =	ssyncset.done @!p0 $0x0  }
0x259: {  	s4 =	sor.u32 s13, s14;
	[sflag:s0] =	ssyncadd.s32 @!p0 $0xFFFFE000  }
0x25a: {  	v2 =	vld [tilespmem:s4+$0x4010]  }
0x25b: {  	v3 =	vld [tilespmem:s4+$0x4090]  }
0x25c: {  	v4 =	vld [tilespmem:s4+$0x4110]  }
0x25d: {  	v5 =	vld [tilespmem:s4+$0x4190]  }
0x25e: {  	v6 =	vld [tilespmem:s4+$0x4210]  }
0x25f: {  	v7 =	vld [tilespmem:s4+$0x4290];
	_ =	sdelay $0x2  }
0x260: {  	v2 =	vmul.f32 v2, v0;
	v3 =	vmul.f32 v3, v0  }
0x261: {  	v4 =	vmul.f32 v4, v0;
	v5 =	vmul.f32 v5, v0  }
0x262: {  	v6 =	vmul.f32 v6, v0;
	v7 =	vmul.f32 v7, v0  }
0x263: {  	v2 =	vmax.f32 v2, $-1.270000000e+02;
	v3 =	vmax.f32 v3, $-1.270000000e+02;
	v4 =	vmax.f32 v4, $-1.270000000e+02  }
0x264: {  	s22 =	simm.s32 $0x20;
	s15 =	sand.u32 $0x3, s18;
	s3 =	simm.s32 $0x100;
	v8 =	vld [tilespmem:s4+$0x4000];
	v5 =	vmax.f32 v5, $-1.270000000e+02;
	v6 =	vmax.f32 v6, $-1.270000000e+02;
	v2 =	vmin.f32 v2, $1.270000000e+02  }
0x265: {  	s19 =	sand.u32 $0x60, s22;
	s20 =	sand.u32 $0x1C00, s3;
	s0 =	sshll.u32 s15, $0x5;
	v9 =	vld [tilespmem:s4+$0x4080];
	v7 =	vmax.f32 v7, $-1.270000000e+02;
	v3 =	vmin.f32 v3, $1.270000000e+02;
	v2 =	vadd.f32 $1.258291200e+07, v2  }
0x266: {  	v10 =	vld [tilespmem:s4+$0x4100];
	s6 =	sadd.s32 $0x0, s0;
	s0 =	sor.u32 s19, s20;
	v4 =	vmin.f32 v4, $1.270000000e+02;
	v5 =	vmin.f32 v5, $1.270000000e+02;
	v3 =	vadd.f32 $1.258291200e+07, v3  }
0x267: {  	v11 =	vld [tilespmem:s0+$0x4110];
	v6 =	vmin.f32 v6, $1.270000000e+02;
	v4 =	vadd.f32 $1.258291200e+07, v4;
	v2 =	vadd.f32 $-1.258291200e+07, v2  }
0x268: {  	v13 =	vld [tilespmem:s0+$0x4210];
	v7 =	vmin.f32 v7, $1.270000000e+02;
	v5 =	vadd.f32 $1.258291200e+07, v5;
	v3 =	vadd.f32 $-1.258291200e+07, v3  }
0x269: {  	v12 =	vld [tilespmem:s0+$0x4190];
	v6 =	vadd.f32 $1.258291200e+07, v6;
	v4 =	vadd.f32 $-1.258291200e+07, v4;
	v2 =	vmul.f32 v2, v1  }
0x26a: {  	v14 =	vld [tilespmem:s0+$0x4290];
	v7 =	vadd.f32 $1.258291200e+07, v7;
	v5 =	vadd.f32 $-1.258291200e+07, v5;
	v3 =	vmul.f32 v3, v1  }
0x26b: {  	[tilespmem:s4+$0xC010] =	vst v2;
	v2 =	vmul.f32 v4, v1;
	v4 =	vadd.f32 $-1.258291200e+07, v6;
	v6 =	vld [tilespmem:s4+$0x4180]  }
0x26c: {  	v11 =	vmul.f32 v11, v0;
	[tilespmem:s4+$0xC090] =	vst v3;
	v3 =	vmul.f32 v5, v1;
	v5 =	vadd.f32 $-1.258291200e+07, v7;
	v7 =	vld [tilespmem:s4+$0x4200]  }
0x26d: {  	v13 =	vmul.f32 v13, v0;
	[tilespmem:s4+$0xC110] =	vst v2;
	v2 =	vmul.f32 v4, v1  }
0x26e: {  	v4 =	vld [tilespmem:s4+$0x4280];
	[tilespmem:s4+$0xC190] =	vst v3;
	v3 =	vmul.f32 v5, v1;
	v5 =	vmul.f32 v9, v0  }
0x26f: {  	v12 =	vmul.f32 v12, v0;
	v14 =	vmul.f32 v14, v0;
	v13 =	vmax.f32 v13, $-1.270000000e+02;
	v9 =	vld [tilespmem:s0+$0x4010];
	[tilespmem:s4+$0xC210] =	vst v2  }
0x270: {  	v2 =	vmul.f32 v8, v0;
	[tilespmem:s4+$0xC290] =	vst v3;
	v3 =	vmul.f32 v10, v0;
	v5 =	vmax.f32 v5, $-1.270000000e+02  }
0x271: {  	s16 =	sadd.s32 $0x10, s6;
	v6 =	vmul.f32 v6, v0;
	v7 =	vmul.f32 v7, v0;
	v5 =	vmin.f32 v5, $1.270000000e+02  }
0x272: {  	s17 =	sor.u32 $0x300, s16;
	v2 =	vmax.f32 v2, $-1.270000000e+02;
	v3 =	vmax.f32 v3, $-1.270000000e+02;
	v5 =	vadd.f32 $1.258291200e+07, v5  }
0x273: {  	v8 =	vld [tilespmem:s17+$0x4000];
	v6 =	vmax.f32 v6, $-1.270000000e+02;
	v4 =	vmul.f32 v4, v0;
	v2 =	vmin.f32 v2, $1.270000000e+02  }
0x274: {  	v7 =	vmax.f32 v7, $-1.270000000e+02;
	v3 =	vmin.f32 v3, $1.270000000e+02;
	v9 =	vmul.f32 v9, v0  }
0x275: {  	v6 =	vmin.f32 v6, $1.270000000e+02;
	v2 =	vadd.f32 $1.258291200e+07, v2;
	v7 =	vmin.f32 v7, $1.270000000e+02  }
0x276: {  	v3 =	vadd.f32 $1.258291200e+07, v3;
	v5 =	vadd.f32 $-1.258291200e+07, v5;
	v4 =	vmax.f32 v4, $-1.270000000e+02  }
0x277: {  	v6 =	vadd.f32 $1.258291200e+07, v6;
	v7 =	vadd.f32 $1.258291200e+07, v7;
	v9 =	vmax.f32 v9, $-1.270000000e+02  }
0x278: {  	v8 =	vmul.f32 v8, v0;
	v2 =	vadd.f32 $-1.258291200e+07, v2;
	v3 =	vadd.f32 $-1.258291200e+07, v3  }
0x279: {  	v10 =	vld [tilespmem:s0+$0x4090];
	v5 =	vmul.f32 v5, v1;
	v9 =	vmin.f32 v9, $1.270000000e+02;
	v6 =	vadd.f32 $-1.258291200e+07, v6  }
0x27a: {  	v4 =	vmin.f32 v4, $1.270000000e+02;
	v7 =	vadd.f32 $-1.258291200e+07, v7;
	v9 =	vadd.f32 $1.258291200e+07, v9  }
0x27b: {  	v8 =	vmax.f32 v8, $-1.270000000e+02;
	v3 =	vmul.f32 v3, v1;
	[tilespmem:s4+$0xC080] =	vst v5;
	v5 =	vmin.f32 v13, $1.270000000e+02  }
0x27c: {  	v13 =	vld [tilespmem:s0+$0x4180];
	v8 =	vmin.f32 v8, $1.270000000e+02;
	v6 =	vmul.f32 v6, v1;
	v5 =	vadd.f32 $1.258291200e+07, v5  }
0x27d: {  	v4 =	vadd.f32 $1.258291200e+07, v4;
	v7 =	vmul.f32 v7, v1;
	v8 =	vadd.f32 $1.258291200e+07, v8;
	[tilespmem:s4+$0xC100] =	vst v3;
	v3 =	vld [tilespmem:s0+$0x4000]  }
0x27e: {  	v10 =	vmul.f32 v10, v0;
	v9 =	vadd.f32 $-1.258291200e+07, v9;
	[tilespmem:s4+$0xC180] =	vst v6;
	v6 =	vld [tilespmem:s0+$0x4080];
	v5 =	vadd.f32 $-1.258291200e+07, v5  }
0x27f: {  	v2 =	vmul.f32 v2, v1;
	v4 =	vadd.f32 $-1.258291200e+07, v4;
	[tilespmem:s4+$0xC200] =	vst v7;
	v7 =	vld [tilespmem:s0+$0x4100];
	v8 =	vadd.f32 $-1.258291200e+07, v8  }
0x280: {  	v9 =	vmul.f32 v9, v1;
	v5 =	vmul.f32 v5, v1  }
0x281: {  	v4 =	vmul.f32 v4, v1;
	v8 =	vmul.f32 v8, v1  }
0x282: {  	v14 =	vmax.f32 v14, $-1.270000000e+02;
	v3 =	vmul.f32 v3, v0;
	[tilespmem:s0+$0xC210] =	vst v5;
	v5 =	vmul.f32 v13, v0  }
0x283: {  	[tilespmem:s17+$0xC000] =	vst v8;
	v8 =	vmax.f32 v10, $-1.270000000e+02;
	v10 =	vmax.f32 v11, $-1.270000000e+02;
	v11 =	vmax.f32 v12, $-1.270000000e+02  }
0x284: {  	s21 =	simm.s32 $0x1;
	s8 =	sor.u32 $0x380, s16;
	v6 =	vmul.f32 v6, v0;
	v7 =	vmul.f32 v7, v0;
	v8 =	vmin.f32 v8, $1.270000000e+02  }
0x285: {  	s7 =	sand.u32 $0x3, s21;
	[tilespmem:s4+$0xC000] =	vst v2;
	v12 =	vld [tilespmem:s8+$0x4000];
	v10 =	vmin.f32 v10, $1.270000000e+02;
	v2 =	vmin.f32 v11, $1.270000000e+02;
	v11 =	vmin.f32 v14, $1.270000000e+02  }
0x286: {  	s7 =	sshll.u32 s7, $0x5;
	v3 =	vmax.f32 v3, $-1.270000000e+02;
	v8 =	vadd.f32 $1.258291200e+07, v8;
	v10 =	vadd.f32 $1.258291200e+07, v10  }
0x287: {  	s24 =	sadd.s32 $0x100, s7;
	s7 =	simm.s32 $0x200;
	s20 =	simm.s32 $0x40;
	v5 =	vmax.f32 v5, $-1.270000000e+02;
	v2 =	vadd.f32 $1.258291200e+07, v2;
	v11 =	vadd.f32 $1.258291200e+07, v11  }
0x288: {  	s16 =	sand.u32 $0x60, s20;
	s17 =	sand.u32 $0x1C00, s7;
	v6 =	vmax.f32 v6, $-1.270000000e+02;
	v7 =	vmax.f32 v7, $-1.270000000e+02;
	v3 =	vmin.f32 v3, $1.270000000e+02  }
0x289: {  	[tilespmem:s4+$0xC280] =	vst v4;
	s4 =	sor.u32 s16, s17;
	v5 =	vmin.f32 v5, $1.270000000e+02;
	v7 =	vmin.f32 v7, $1.270000000e+02;
	v8 =	vadd.f32 $-1.258291200e+07, v8  }
0x28a: {  	v13 =	vld [tilespmem:s4+$0x4110];
	v3 =	vadd.f32 $1.258291200e+07, v3;
	v5 =	vadd.f32 $1.258291200e+07, v5;
	v12 =	vmul.f32 v12, v0  }
0x28b: {  	v14 =	vld [tilespmem:s4+$0x4190];
	v10 =	vadd.f32 $-1.258291200e+07, v10;
	v2 =	vadd.f32 $-1.258291200e+07, v2;
	v8 =	vmul.f32 v8, v1  }
0x28c: {  	v15 =	vld [tilespmem:s4+$0x4210];
	v7 =	vadd.f32 $1.258291200e+07, v7;
	v3 =	vadd.f32 $-1.258291200e+07, v3;
	v12 =	vmax.f32 v12, $-1.270000000e+02  }
0x28d: {  	v16 =	vld [tilespmem:s4+$0x4290];
	v2 =	vmul.f32 v2, v1;
	[tilespmem:s0+$0xC090] =	vst v8;
	v8 =	vadd.f32 $-1.258291200e+07, v11;
	v12 =	vmin.f32 v12, $1.270000000e+02  }
0x28e: {  	[tilespmem:s0+$0xC010] =	vst v9;
	v5 =	vadd.f32 $-1.258291200e+07, v5;
	v9 =	vmul.f32 v10, v1;
	v10 =	vld [tilespmem:s0+$0x4200];
	v12 =	vadd.f32 $1.258291200e+07, v12  }
0x28f: {  	v6 =	vmin.f32 v6, $1.270000000e+02;
	v7 =	vadd.f32 $-1.258291200e+07, v7;
	v11 =	vld [tilespmem:s0+$0x4280];
	[tilespmem:s0+$0xC190] =	vst v2;
	v2 =	vmul.f32 v8, v1  }
0x290: {  	s29 =	sadd.s32 $0x10, s24;
	s26 =	sor.u32 $0x300, s6;
	v3 =	vmul.f32 v3, v1;
	v5 =	vmul.f32 v5, v1;
	[tilespmem:s0+$0xC110] =	vst v9;
	v8 =	vadd.f32 $-1.258291200e+07, v12  }
0x291: {  	s15 =	sor.u32 $0x300, s29;
	v6 =	vadd.f32 $1.258291200e+07, v6;
	v13 =	vmul.f32 v13, v0;
	v14 =	vmul.f32 v14, v0;
	v9 =	vld [tilespmem:s26+$0x4000];
	[tilespmem:s0+$0xC290] =	vst v2  }
0x292: {  	v7 =	vmul.f32 v7, v1;
	v2 =	vmul.f32 v8, v1;
	v8 =	vld [tilespmem:s15+$0x4000]  }
0x293: {  	v6 =	vadd.f32 $-1.258291200e+07, v6;
	v15 =	vmul.f32 v15, v0;
	[tilespmem:s0+$0xC180] =	vst v5;
	v5 =	vld [tilespmem:s4+$0x4080];
	v4 =	vmul.f32 v10, v0  }
0x294: {  	v16 =	vmul.f32 v16, v0;
	[tilespmem:s0+$0xC100] =	vst v7;
	v7 =	vld [tilespmem:s4+$0x4000];
	v10 =	vmul.f32 v11, v0  }
0x295: {  	v6 =	vmul.f32 v6, v1;
	v15 =	vmax.f32 v15, $-1.270000000e+02;
	v4 =	vmax.f32 v4, $-1.270000000e+02  }
0x296: {  	v9 =	vmul.f32 v9, v0;
	v4 =	vmin.f32 v4, $1.270000000e+02;
	v10 =	vmax.f32 v10, $-1.270000000e+02  }
0x297: {  	v12 =	vld [tilespmem:s4+$0x4090];
	v4 =	vadd.f32 $1.258291200e+07, v4;
	v10 =	vmin.f32 v10, $1.270000000e+02;
	v8 =	vmul.f32 v8, v0  }
0x298: {  	v11 =	vld [tilespmem:s4+$0x4010];
	v5 =	vmul.f32 v5, v0;
	v9 =	vmax.f32 v9, $-1.270000000e+02;
	v10 =	vadd.f32 $1.258291200e+07, v10  }
0x299: {  	v7 =	vmul.f32 v7, v0;
	v4 =	vadd.f32 $-1.258291200e+07, v4;
	v8 =	vmax.f32 v8, $-1.270000000e+02  }
0x29a: {  	v9 =	vmin.f32 v9, $1.270000000e+02;
	v10 =	vadd.f32 $-1.258291200e+07, v10;
	v8 =	vmin.f32 v8, $1.270000000e+02  }
0x29b: {  	[tilespmem:s0+$0xC000] =	vst v3;
	v5 =	vmax.f32 v5, $-1.270000000e+02;
	v4 =	vmul.f32 v4, v1;
	v8 =	vadd.f32 $1.258291200e+07, v8  }
0x29c: {  	[tilespmem:s0+$0xC080] =	vst v6;
	v12 =	vmul.f32 v12, v0;
	v7 =	vmax.f32 v7, $-1.270000000e+02;
	v10 =	vmul.f32 v10, v1  }
0x29d: {  	s19 =	simm.s32 $0x2;
	v5 =	vmin.f32 v5, $1.270000000e+02;
	v11 =	vmul.f32 v11, v0;
	[tilespmem:s0+$0xC200] =	vst v4;
	v8 =	vadd.f32 $-1.258291200e+07, v8  }
0x29e: {  	v9 =	vadd.f32 $1.258291200e+07, v9;
	v7 =	vmin.f32 v7, $1.270000000e+02;
	v5 =	vadd.f32 $1.258291200e+07, v5;
	[tilespmem:s0+$0xC280] =	vst v10;
	s0 =	sand.u32 $0x3, s19  }
0x29f: {  	s14 =	sor.u32 $0x380, s29;
	s16 =	simm.s32 $0x60;
	v7 =	vadd.f32 $1.258291200e+07, v7;
	v11 =	vmax.f32 v11, $-1.270000000e+02;
	s0 =	sshll.u32 s0, $0x5;
	v8 =	vmul.f32 v8, v1  }
0x2a0: {  	v9 =	vadd.f32 $-1.258291200e+07, v9;
	v5 =	vadd.f32 $-1.258291200e+07, v5;
	v11 =	vmin.f32 v11, $1.270000000e+02;
	s6 =	sadd.s32 $0x200, s0;
	s0 =	sor.u32 $0x300, s24;
	s24 =	simm.s32 $0x300  }
0x2a1: {  	v16 =	vmax.f32 v16, $-1.270000000e+02;
	v7 =	vadd.f32 $-1.258291200e+07, v7;
	v11 =	vadd.f32 $1.258291200e+07, v11;
	v10 =	vld [tilespmem:s4+$0x4180];
	s17 =	sand.u32 $0x1C00, s24;
	[tilespmem:s15+$0xC000] =	vst v8;
	s15 =	sand.u32 $0x60, s16  }
0x2a2: {  	v8 =	vmax.f32 v12, $-1.270000000e+02;
	v12 =	vmax.f32 v13, $-1.270000000e+02;
	v13 =	vmax.f32 v14, $-1.270000000e+02;
	v14 =	vld [tilespmem:s14+$0x4000];
	s30 =	sor.u32 s15, s17  }
0x2a3: {  	v9 =	vmul.f32 v9, v1;
	v5 =	vmul.f32 v5, v1;
	v11 =	vadd.f32 $-1.258291200e+07, v11;
	v34 =	vld [tilespmem:s30+$0x4190]  }
0x2a4: {  	v7 =	vmul.f32 v7, v1;
	v3 =	vmin.f32 v8, $1.270000000e+02;
	v8 =	vmin.f32 v12, $1.270000000e+02;
	v17 =	vld [tilespmem:s30+$0x4210]  }
0x2a5: {  	v11 =	vmul.f32 v11, v1;
	v3 =	vadd.f32 $1.258291200e+07, v3;
	v8 =	vadd.f32 $1.258291200e+07, v8;
	v18 =	vld [tilespmem:s30+$0x4290]  }
0x2a6: {  	v10 =	vmul.f32 v10, v0;
	v6 =	vmin.f32 v13, $1.270000000e+02;
	v12 =	vmin.f32 v15, $1.270000000e+02;
	v19 =	vld [tilespmem:s30+$0x4000]  }
0x2a7: {  	v13 =	vmin.f32 v16, $1.270000000e+02;
	v3 =	vadd.f32 $-1.258291200e+07, v3;
	v8 =	vadd.f32 $-1.258291200e+07, v8  }
0x2a8: {  	v15 =	vld [tilespmem:s4+$0x4200];
	v6 =	vadd.f32 $1.258291200e+07, v6;
	v12 =	vadd.f32 $1.258291200e+07, v12;
	v14 =	vmul.f32 v14, v0  }
0x2a9: {  	v4 =	vld [tilespmem:s4+$0x4100];
	v13 =	vadd.f32 $1.258291200e+07, v13;
	v3 =	vmul.f32 v3, v1;
	v8 =	vmul.f32 v8, v1  }
0x2aa: {  	v6 =	vadd.f32 $-1.258291200e+07, v6;
	v16 =	vmul.f32 v34, v0;
	v17 =	vmul.f32 v17, v0  }
0x2ab: {  	[tilespmem:s4+$0xC010] =	vst v11;
	v11 =	vadd.f32 $-1.258291200e+07, v12;
	v18 =	vmul.f32 v18, v0;
	v36 =	vmul.f32 v19, v0  }
0x2ac: {  	v14 =	vmax.f32 v14, $-1.270000000e+02;
	[tilespmem:s4+$0xC090] =	vst v3;
	v3 =	vmul.f32 v6, v1;
	v6 =	vadd.f32 $-1.258291200e+07, v13  }
0x2ad: {  	v13 =	vld [tilespmem:s4+$0x4280];
	[tilespmem:s4+$0xC110] =	vst v8;
	v8 =	vmul.f32 v11, v1;
	v11 =	vmul.f32 v15, v0;
	v12 =	vmin.f32 v14, $1.270000000e+02  }
0x2ae: {  	v15 =	vld [tilespmem:s30+$0x4110];
	v12 =	vadd.f32 $1.258291200e+07, v12;
	[tilespmem:s4+$0xC190] =	vst v3;
	v3 =	vmul.f32 v6, v1;
	v6 =	vmul.f32 v4, v0  }
0x2af: {  	s21 =	sadd.s32 $0x10, s6;
	v17 =	vmax.f32 v17, $-1.270000000e+02;
	v18 =	vmax.f32 v18, $-1.270000000e+02;
	[tilespmem:s4+$0xC210] =	vst v8;
	v8 =	vld [tilespmem:s0+$0x4000];
	v11 =	vmax.f32 v11, $-1.270000000e+02  }
0x2b0: {  	s29 =	sor.u32 $0x300, s21;
	v11 =	vmin.f32 v11, $1.270000000e+02;
	v4 =	vadd.f32 $-1.258291200e+07, v12;
	[tilespmem:s4+$0xC290] =	vst v3;
	v3 =	vmax.f32 v6, $-1.270000000e+02  }
0x2b1: {  	v6 =	vmax.f32 v10, $-1.270000000e+02;
	v11 =	vadd.f32 $1.258291200e+07, v11;
	v10 =	vld [tilespmem:s29+$0x4000];
	v3 =	vmin.f32 v3, $1.270000000e+02  }
0x2b2: {  	v12 =	vmul.f32 v13, v0;
	v6 =	vmin.f32 v6, $1.270000000e+02;
	v13 =	vld [tilespmem:s30+$0x4010];
	v3 =	vadd.f32 $1.258291200e+07, v3  }
0x2b3: {  	v15 =	vmul.f32 v15, v0;
	v6 =	vadd.f32 $1.258291200e+07, v6;
	v11 =	vadd.f32 $-1.258291200e+07, v11  }
0x2b4: {  	v12 =	vmax.f32 v12, $-1.270000000e+02;
	v8 =	vmul.f32 v8, v0;
	v3 =	vadd.f32 $-1.258291200e+07, v3  }
0x2b5: {  	v12 =	vmin.f32 v12, $1.270000000e+02;
	v6 =	vadd.f32 $-1.258291200e+07, v6;
	v11 =	vmul.f32 v11, v1  }
0x2b6: {  	v14 =	vld [tilespmem:s30+$0x4090];
	v12 =	vadd.f32 $1.258291200e+07, v12;
	v10 =	vmul.f32 v10, v0;
	v3 =	vmul.f32 v3, v1  }
0x2b7: {  	v8 =	vmax.f32 v8, $-1.270000000e+02;
	v6 =	vmul.f32 v6, v1;
	v13 =	vmul.f32 v13, v0;
	[tilespmem:s4+$0xC200] =	vst v11;
	v11 =	vld [tilespmem:s30+$0x4180]  }
0x2b8: {  	v4 =	vmul.f32 v4, v1;
	v8 =	vmin.f32 v8, $1.270000000e+02;
	v12 =	vadd.f32 $-1.258291200e+07, v12;
	[tilespmem:s4+$0xC100] =	vst v3;
	v3 =	vld [tilespmem:s30+$0x4080]  }
0x2b9: {  	v8 =	vadd.f32 $1.258291200e+07, v8;
	v10 =	vmax.f32 v10, $-1.270000000e+02;
	v13 =	vmax.f32 v13, $-1.270000000e+02;
	[tilespmem:s4+$0xC180] =	vst v6;
	v6 =	vld [tilespmem:s30+$0x4100]  }
0x2ba: {  	v10 =	vmin.f32 v10, $1.270000000e+02;
	v12 =	vmul.f32 v12, v1;
	v13 =	vmin.f32 v13, $1.270000000e+02  }
0x2bb: {  	[tilespmem:s4+$0xC000] =	vst v7;
	v10 =	vadd.f32 $1.258291200e+07, v10;
	v7 =	vadd.f32 $1.258291200e+07, v13;
	v13 =	vmin.f32 v17, $1.270000000e+02  }
0x2bc: {  	v8 =	vadd.f32 $-1.258291200e+07, v8;
	v13 =	vadd.f32 $1.258291200e+07, v13;
	v11 =	vmul.f32 v11, v0  }
0x2bd: {  	s19 =	simm.s32 $0x3;
	v14 =	vmul.f32 v14, v0;
	[tilespmem:s4+$0xC280] =	vst v12;
	v12 =	vld [tilespmem:s30+$0x4200];
	v10 =	vadd.f32 $-1.258291200e+07, v10;
	v7 =	vadd.f32 $-1.258291200e+07, v7  }
0x2be: {  	[tilespmem:s4+$0xC080] =	vst v5;
	s4 =	sand.u32 $0x3, s19;
	v3 =	vmul.f32 v3, v0;
	v6 =	vmul.f32 v6, v0;
	v11 =	vmax.f32 v11, $-1.270000000e+02  }
0x2bf: {  	s4 =	sshll.u32 s4, $0x5;
	v10 =	vmul.f32 v10, v1;
	v7 =	vmul.f32 v7, v1;
	v11 =	vmin.f32 v11, $1.270000000e+02  }
0x2c0: {  	[tilespmem:s26+$0xC000] =	vst v9;
	s17 =	simm.s32 $0x80;
	s13 =	sadd.s32 $0x300, s4;
	s4 =	simm.s32 $0x400;
	v3 =	vmax.f32 v3, $-1.270000000e+02;
	v6 =	vmax.f32 v6, $-1.270000000e+02;
	v9 =	vadd.f32 $1.258291200e+07, v11  }
0x2c1: {  	s26 =	sand.u32 $0x60, s17;
	s19 =	sand.u32 $0x1C00, s4;
	[tilespmem:s29+$0xC000] =	vst v10;
	v10 =	vmax.f32 v14, $-1.270000000e+02;
	v14 =	vmax.f32 v15, $-1.270000000e+02;
	v15 =	vmax.f32 v16, $-1.270000000e+02  }
0x2c2: {  	s12 =	sor.u32 s26, s19;
	[tilespmem:s30+$0xC010] =	vst v7;
	v7 =	vadd.f32 $-1.258291200e+07, v13;
	v12 =	vmul.f32 v12, v0;
	v6 =	vmin.f32 v6, $1.270000000e+02  }
0x2c3: {  	v39 =	vld [tilespmem:s12+$0x4110];
	v10 =	vmin.f32 v10, $1.270000000e+02;
	v14 =	vmin.f32 v14, $1.270000000e+02;
	v6 =	vadd.f32 $1.258291200e+07, v6  }
0x2c4: {  	v40 =	vld [tilespmem:s12+$0x4190];
	v15 =	vmin.f32 v15, $1.270000000e+02;
	v9 =	vadd.f32 $-1.258291200e+07, v9;
	v10 =	vadd.f32 $1.258291200e+07, v10  }
0x2c5: {  	s21 =	sor.u32 $0x380, s21;
	v3 =	vmin.f32 v3, $1.270000000e+02;
	v41 =	vld [tilespmem:s12+$0x4210];
	v5 =	vadd.f32 $1.258291200e+07, v14;
	v14 =	vadd.f32 $1.258291200e+07, v15  }
0x2c6: {  	v35 =	vld [tilespmem:s21+$0x4000];
	v15 =	vmin.f32 v18, $1.270000000e+02;
	v12 =	vmax.f32 v12, $-1.270000000e+02;
	v6 =	vadd.f32 $-1.258291200e+07, v6  }
0x2c7: {  	v20 =	vld [tilespmem:s12+$0x4290];
	v15 =	vadd.f32 $1.258291200e+07, v15;
	v9 =	vmul.f32 v9, v1;
	v10 =	vadd.f32 $-1.258291200e+07, v10  }
0x2c8: {  	v21 =	vld [tilespmem:s12+$0x4000];
	v5 =	vadd.f32 $-1.258291200e+07, v5;
	v6 =	vmul.f32 v6, v1;
	v17 =	vmul.f32 v39, v0  }
0x2c9: {  	v14 =	vadd.f32 $-1.258291200e+07, v14;
	v18 =	vmul.f32 v40, v0;
	v10 =	vmul.f32 v10, v1  }
0x2ca: {  	v12 =	vmin.f32 v12, $1.270000000e+02;
	v19 =	vmul.f32 v41, v0;
	[tilespmem:s30+$0xC180] =	vst v9;
	v5 =	vmul.f32 v5, v1  }
0x2cb: {  	v16 =	vmul.f32 v35, v0;
	[tilespmem:s30+$0xC090] =	vst v10;
	v10 =	vmul.f32 v14, v1;
	v14 =	vadd.f32 $-1.258291200e+07, v15  }
0x2cc: {  	s23 =	sor.u32 s18, s23;
	v11 =	vadd.f32 $1.258291200e+07, v12;
	v20 =	vmul.f32 v20, v0;
	[tilespmem:s30+$0xC110] =	vst v5;
	v5 =	vmul.f32 v7, v1  }
0x2cd: {  	s18 =	sor.u32 $0x380, s23;
	v38 =	vld [tilespmem:s12+$0x4090];
	v46 =	vmul.f32 v21, v0;
	v16 =	vmax.f32 v16, $-1.270000000e+02;
	[tilespmem:s30+$0xC190] =	vst v10;
	v10 =	vmul.f32 v14, v1  }
0x2ce: {  	s15 =	sadd.s32 $0x10, s13;
	v12 =	vld [tilespmem:s18+$0x4000];
	v11 =	vadd.f32 $-1.258291200e+07, v11;
	v42 =	vmax.f32 v17, $-1.270000000e+02;
	v16 =	vmin.f32 v16, $1.270000000e+02;
	[tilespmem:s30+$0xC210] =	vst v5  }
0x2cf: {  	s29 =	sor.u32 $0x300, s15;
	v9 =	vld [tilespmem:s12+$0x4180];
	v43 =	vmax.f32 v18, $-1.270000000e+02;
	v19 =	vmax.f32 v19, $-1.270000000e+02;
	v13 =	vadd.f32 $1.258291200e+07, v16;
	[tilespmem:s30+$0xC290] =	vst v10  }
0x2d0: {  	v20 =	vmax.f32 v20, $-1.270000000e+02;
	v48 =	vmax.f32 v46, $-1.270000000e+02;
	v15 =	vadd.f32 $1.258291200e+07, v3;
	v14 =	vld [tilespmem:s29+$0x4000]  }
0x2d1: {  	v37 =	vld [tilespmem:s30+$0x4280];
	v3 =	vmul.f32 v8, v1;
	v7 =	vadd.f32 $-1.258291200e+07, v13;
	v13 =	vmax.f32 v36, $-1.270000000e+02  }
0x2d2: {  	v11 =	vmul.f32 v11, v1;
	v17 =	vmin.f32 v43, $1.270000000e+02;
	v13 =	vmin.f32 v13, $1.270000000e+02  }
0x2d3: {  	[tilespmem:s30+$0xC100] =	vst v6;
	v6 =	vld [tilespmem:s12+$0x4100];
	v45 =	vmin.f32 v20, $1.270000000e+02;
	v12 =	vmul.f32 v12, v0;
	v13 =	vadd.f32 $1.258291200e+07, v13  }
0x2d4: {  	v17 =	vadd.f32 $1.258291200e+07, v17;
	v15 =	vadd.f32 $-1.258291200e+07, v15;
	v16 =	vmul.f32 v38, v0  }
0x2d5: {  	s6 =	sor.u32 $0x300, s6;
	v9 =	vmul.f32 v9, v0;
	v8 =	vadd.f32 $-1.258291200e+07, v13;
	v13 =	vmul.f32 v14, v0  }
0x2d6: {  	v5 =	vld [tilespmem:s6+$0x4000];
	v12 =	vmax.f32 v12, $-1.270000000e+02;
	v17 =	vadd.f32 $-1.258291200e+07, v17;
	v10 =	vmul.f32 v37, v0  }
0x2d7: {  	[tilespmem:s30+$0xC200] =	vst v11;
	v11 =	vld [tilespmem:s12+$0x4200];
	v15 =	vmul.f32 v15, v1;
	v12 =	vmin.f32 v12, $1.270000000e+02;
	v13 =	vmax.f32 v13, $-1.270000000e+02  }
0x2d8: {  	v6 =	vmul.f32 v6, v0;
	v9 =	vmax.f32 v9, $-1.270000000e+02;
	v13 =	vmin.f32 v13, $1.270000000e+02  }
0x2d9: {  	v9 =	vmin.f32 v9, $1.270000000e+02;
	v12 =	vadd.f32 $1.258291200e+07, v12;
	v14 =	vld [tilespmem:s12+$0x4010];
	v13 =	vadd.f32 $1.258291200e+07, v13  }
0x2da: {  	v7 =	vmul.f32 v7, v1;
	v10 =	vmax.f32 v10, $-1.270000000e+02;
	v6 =	vmax.f32 v6, $-1.270000000e+02  }
0x2db: {  	v9 =	vadd.f32 $1.258291200e+07, v9;
	v5 =	vmul.f32 v5, v0;
	v13 =	vadd.f32 $-1.258291200e+07, v13  }
0x2dc: {  	v10 =	vmin.f32 v10, $1.270000000e+02;
	v11 =	vmul.f32 v11, v0;
	v8 =	vmul.f32 v8, v1  }
0x2dd: {  	v6 =	vmin.f32 v6, $1.270000000e+02;
	v10 =	vadd.f32 $1.258291200e+07, v10;
	v13 =	vmul.f32 v13, v1  }
0x2de: {  	v6 =	vadd.f32 $1.258291200e+07, v6;
	v5 =	vmax.f32 v5, $-1.270000000e+02;
	[tilespmem:s30+$0xC000] =	vst v8;
	v14 =	vmul.f32 v14, v0  }
0x2df: {  	v10 =	vadd.f32 $-1.258291200e+07, v10;
	v8 =	vmin.f32 v19, $1.270000000e+02;
	[tilespmem:s29+$0xC000] =	vst v13;
	v13 =	vmax.f32 v16, $-1.270000000e+02  }
0x2e0: {  	v8 =	vadd.f32 $1.258291200e+07, v8;
	v14 =	vmax.f32 v14, $-1.270000000e+02;
	v13 =	vmin.f32 v13, $1.270000000e+02  }
0x2e1: {  	s26 =	simm.s32 $0x4;
	s15 =	sor.u32 $0x380, s15;
	v10 =	vmul.f32 v10, v1;
	v14 =	vmin.f32 v14, $1.270000000e+02;
	v13 =	vadd.f32 $1.258291200e+07, v13  }
0x2e2: {  	s23 =	sand.u32 $0x3, s26;
	s26 =	simm.s32 $0xA0;
	[tilespmem:s30+$0xC080] =	vst v15;
	v8 =	vadd.f32 $-1.258291200e+07, v8;
	v14 =	vadd.f32 $1.258291200e+07, v14;
	v16 =	vmin.f32 v42, $1.270000000e+02;
	v44 =	vld [tilespmem:s15+$0x4000]  }
0x2e3: {  	v15 =	vld [tilespmem:s12+$0x4080];
	v11 =	vmax.f32 v11, $-1.270000000e+02;
	[tilespmem:s30+$0xC280] =	vst v10;
	s30 =	simm.s32 $0x500;
	v16 =	vadd.f32 $1.258291200e+07, v16;
	v13 =	vadd.f32 $-1.258291200e+07, v13  }
0x2e4: {  	s3 =	sor.u32 s3, s22;
	[tilespmem:s0+$0xC000] =	vst v3;
	s0 =	sand.u32 $0x60, s26;
	v5 =	vmin.f32 v5, $1.270000000e+02;
	s22 =	sand.u32 $0x1C00, s30;
	v8 =	vmul.f32 v8, v1;
	v14 =	vadd.f32 $-1.258291200e+07, v14  }
0x2e5: {  	[tilespmem:s14+$0xC000] =	vst v4;
	v19 =	vadd.f32 $1.258291200e+07, v45;
	s22 =	sor.u32 s0, s22;
	v16 =	vadd.f32 $-1.258291200e+07, v16;
	v13 =	vmul.f32 v13, v1  }
0x2e6: {  	v11 =	vmin.f32 v11, $1.270000000e+02;
	v5 =	vadd.f32 $1.258291200e+07, v5;
	v22 =	vld [tilespmem:s22+$0x4210];
	[tilespmem:s12+$0xC210] =	vst v8;
	v14 =	vmul.f32 v14, v1  }
0x2e7: {  	v23 =	vld [tilespmem:s22+$0x4290];
	v16 =	vmul.f32 v16, v1;
	v18 =	vmul.f32 v44, v0;
	[tilespmem:s12+$0xC090] =	vst v13;
	v13 =	vadd.f32 $-1.258291200e+07, v19  }
0x2e8: {  	v6 =	vadd.f32 $-1.258291200e+07, v6;
	s29 =	sshll.u32 s23, $0x5;
	[tilespmem:s12+$0xC010] =	vst v14;
	v14 =	vmul.f32 v15, v0;
	v15 =	vmul.f32 v17, v1  }
0x2e9: {  	v5 =	vadd.f32 $-1.258291200e+07, v5;
	v4 =	vld [tilespmem:s22+$0x4000];
	s23 =	sor.u32 $0x300, s13;
	s13 =	sadd.s32 $0x400, s29;
	[tilespmem:s12+$0xC110] =	vst v16;
	v18 =	vmax.f32 v18, $-1.270000000e+02;
	v13 =	vmul.f32 v13, v1  }
0x2ea: {  	v47 =	vld [tilespmem:s12+$0x4280];
	v11 =	vadd.f32 $1.258291200e+07, v11;
	v54 =	vmul.f32 v6, v1;
	s29 =	sadd.s32 $0x10, s13;
	[tilespmem:s12+$0xC190] =	vst v15;
	v10 =	vmin.f32 v18, $1.270000000e+02  }
0x2eb: {  	v50 =	vmul.f32 v5, v1;
	s19 =	sor.u32 $0x300, s29;
	v14 =	vmax.f32 v14, $-1.270000000e+02;
	v15 =	vld [tilespmem:s23+$0x4000];
	v10 =	vadd.f32 $1.258291200e+07, v10;
	[tilespmem:s12+$0xC290] =	vst v13  }
0x2ec: {  	v57 =	vmul.f32 v22, v0;
	v58 =	vmul.f32 v23, v0;
	v14 =	vmin.f32 v14, $1.270000000e+02;
	v49 =	vld [tilespmem:s19+$0x4000]  }
0x2ed: {  	v14 =	vadd.f32 $1.258291200e+07, v14;
	v10 =	vadd.f32 $-1.258291200e+07, v10;
	v13 =	vmin.f32 v48, $1.270000000e+02  }
0x2ee: {  	v4 =	vmul.f32 v4, v0;
	v20 =	vmax.f32 v58, $-1.270000000e+02;
	v13 =	vadd.f32 $1.258291200e+07, v13  }
0x2ef: {  	s3 =	sor.u32 $0x380, s3;
	v14 =	vadd.f32 $-1.258291200e+07, v14;
	v8 =	vmul.f32 v10, v1;
	v10 =	vmul.f32 v47, v0  }
0x2f0: {  	v18 =	vmax.f32 v57, $-1.270000000e+02;
	v3 =	vmul.f32 v15, v0;
	v15 =	vld [tilespmem:s3+$0x4000];
	v5 =	vadd.f32 $-1.258291200e+07, v13  }
0x2f1: {  	v14 =	vmul.f32 v14, v1;
	v13 =	vld [tilespmem:s22+$0x4010];
	v10 =	vmax.f32 v10, $-1.270000000e+02;
	v16 =	vmul.f32 v49, v0  }
0x2f2: {  	v10 =	vmin.f32 v10, $1.270000000e+02;
	v52 =	vmul.f32 v5, v1;
	v5 =	vadd.f32 $-1.258291200e+07, v9  }
0x2f3: {  	v51 =	vld [tilespmem:s22+$0x4090];
	v9 =	vadd.f32 $-1.258291200e+07, v11;
	v10 =	vadd.f32 $1.258291200e+07, v10;
	v16 =	vmax.f32 v16, $-1.270000000e+02  }
0x2f4: {  	v3 =	vmax.f32 v3, $-1.270000000e+02;
	v11 =	vld [tilespmem:s22+$0x4110];
	v55 =	vmul.f32 v5, v1;
	v6 =	vmin.f32 v16, $1.270000000e+02  }
0x2f5: {  	v53 =	vld [tilespmem:s22+$0x4190];
	v9 =	vmul.f32 v9, v1;
	v10 =	vadd.f32 $-1.258291200e+07, v10;
	v5 =	vadd.f32 $1.258291200e+07, v6  }
0x2f6: {  	v3 =	vmin.f32 v3, $1.270000000e+02;
	v13 =	vmul.f32 v13, v0;
	v6 =	vmul.f32 v15, v0  }
0x2f7: {  	v59 =	vld [tilespmem:s22+$0x4080];
	v10 =	vmul.f32 v10, v1;
	v15 =	vadd.f32 $1.258291200e+07, v3;
	v5 =	vadd.f32 $-1.258291200e+07, v5  }
0x2f8: {  	v3 =	vadd.f32 $-1.258291200e+07, v12;
	v12 =	vmul.f32 v51, v0;
	v13 =	vmax.f32 v13, $-1.270000000e+02  }
0x2f9: {  	[tilespmem:s8+$0xC000] =	vst v2;
	v11 =	vmul.f32 v11, v0;
	v13 =	vmin.f32 v13, $1.270000000e+02;
	v56 =	vmul.f32 v5, v1  }
0x2fa: {  	[tilespmem:s15+$0xC000] =	vst v8;
	v24 =	vmax.f32 v6, $-1.270000000e+02;
	v6 =	vadd.f32 $-1.258291200e+07, v15;
	v15 =	vmul.f32 v53, v0  }
0x2fb: {  	s29 =	sor.u32 $0x380, s29;
	v2 =	vmax.f32 v12, $-1.270000000e+02;
	v11 =	vmax.f32 v11, $-1.270000000e+02;
	v8 =	vadd.f32 $1.258291200e+07, v13;
	[tilespmem:s19+$0xC000] =	vst v56  }
0x2fc: {  	v13 =	vmin.f32 v20, $1.270000000e+02;
	[tilespmem:s12+$0xC280] =	vst v10;
	v10 =	vmul.f32 v59, v0;
	v12 =	vmax.f32 v15, $-1.270000000e+02;
	v15 =	vld [tilespmem:s29+$0x4000]  }
0x2fd: {  	[tilespmem:s21+$0xC000] =	vst v7;
	v2 =	vmin.f32 v2, $1.270000000e+02;
	v7 =	vmin.f32 v11, $1.270000000e+02;
	v13 =	vadd.f32 $1.258291200e+07, v13  }
0x2fe: {  	[tilespmem:s12+$0xC100] =	vst v54;
	v5 =	vmin.f32 v24, $1.270000000e+02;
	v2 =	vadd.f32 $1.258291200e+07, v2;
	v7 =	vadd.f32 $1.258291200e+07, v7  }
0x2ff: {  	[tilespmem:s12+$0xC080] =	vst v14;
	v14 =	vld [tilespmem:s22+$0x4100];
	v8 =	vadd.f32 $-1.258291200e+07, v8;
	v11 =	vmin.f32 v12, $1.270000000e+02;
	v13 =	vadd.f32 $-1.258291200e+07, v13  }
0x300: {  	[tilespmem:s6+$0xC000] =	vst v50;
	v60 =	vld [tilespmem:s22+$0x4180];
	v12 =	vmin.f32 v18, $1.270000000e+02;
	v11 =	vadd.f32 $1.258291200e+07, v11;
	v2 =	vadd.f32 $-1.258291200e+07, v2  }
0x301: {  	[tilespmem:s12+$0xC000] =	vst v52;
	v8 =	vmul.f32 v8, v1;
	v7 =	vadd.f32 $-1.258291200e+07, v7;
	v15 =	vmul.f32 v15, v0  }
0x302: {  	v61 =	vld [tilespmem:s22+$0x4200];
	[tilespmem:s12+$0xC180] =	vst v55;
	v12 =	vadd.f32 $1.258291200e+07, v12;
	v13 =	vmul.f32 v13, v1;
	v2 =	vmul.f32 v2, v1  }
0x303: {  	[tilespmem:s12+$0xC200] =	vst v9;
	v9 =	vld [tilespmem:s22+$0x4280];
	v11 =	vadd.f32 $-1.258291200e+07, v11;
	v7 =	vmul.f32 v7, v1;
	v15 =	vmax.f32 v15, $-1.270000000e+02  }
0x304: {  	s6 =	simm.s32 $0x5;
	v12 =	vadd.f32 $-1.258291200e+07, v12;
	[tilespmem:s22+$0xC010] =	vst v8;
	v8 =	vmul.f32 v14, v0;
	v15 =	vmin.f32 v15, $1.270000000e+02  }
0x305: {  	s15 =	sand.u32 $0x3, s6;
	[tilespmem:s22+$0xC090] =	vst v2;
	v2 =	vmax.f32 v4, $-1.270000000e+02;
	v4 =	vmul.f32 v60, v0;
	v15 =	vadd.f32 $1.258291200e+07, v15  }
0x306: {  	s7 =	sor.u32 s7, s20;
	s20 =	sor.u32 $0x300, s13;
	s0 =	sshll.u32 s15, $0x5;
	v11 =	vmul.f32 v11, v1;
	v12 =	vmul.f32 v12, v1;
	[tilespmem:s22+$0xC110] =	vst v7;
	v7 =	vmax.f32 v10, $-1.270000000e+02  }
0x307: {  	s19 =	sadd.s32 $0x500, s0;
	[tilespmem:s22+$0xC290] =	vst v13;
	v10 =	vmul.f32 v61, v0;
	v14 =	vadd.f32 $-1.258291200e+07, v15;
	v15 =	vmax.f32 v4, $-1.270000000e+02;
	v4 =	vld [tilespmem:s20+$0x4000]  }
0x308: {  	s8 =	sor.u32 $0x2, s10;
	v62 =	vmul.f32 v9, v0;
	s12 =	sadd.s32 $0x10, s19;
	v63 =	vmin.f32 v2, $1.270000000e+02;
	[tilespmem:s22+$0xC190] =	vst v11;
	v11 =	vmax.f32 v8, $-1.270000000e+02  }
0x309: {  	s16 =	sor.u32 s24, s16;
	s21 =	sor.u32 s4, s17;
	s4 =	sor.u32 $0x300, s12;
	[tilespmem:s22+$0xC210] =	vst v12;
	v8 =	vmin.f32 v7, $1.270000000e+02;
	v10 =	vmax.f32 v10, $-1.270000000e+02;
	v14 =	vmul.f32 v14, v1  }
0x30a: {  	s14 =	sor.u32 $0x380, s21;
	s24 =	sor.u32 s30, s26;
	s0 =	sor.u32 $0x380, s7;
	v12 =	vmin.f32 v11, $1.270000000e+02;
	v7 =	vld [tilespmem:s4+$0x4000];
	v9 =	vmin.f32 v15, $1.270000000e+02;
	v15 =	vmax.f32 v62, $-1.270000000e+02  }
0x30b: {  	s7 =	sor.u32 $0x380, s16;
	s16 =	sor.u32 $0x380, s24;
	s13 =	sor.u32 $0x300, s19;
	v2 =	vld [tilespmem:s0+$0x4000];
	v11 =	vadd.f32 $1.258291200e+07, v63;
	v13 =	vmin.f32 v10, $1.270000000e+02;
	v10 =	vmin.f32 v15, $1.270000000e+02;
	[tilespmem:s29+$0xC000] =	vst v14  }
.LBB2_11:
0x30c: {  	s26 =	sadd.s32 $0x20, s26;
	v8 =	vadd.f32 $1.258291200e+07, v8;
	v12 =	vadd.f32 $1.258291200e+07, v12;
	s30 =	sadd.s32 $0x100, s30;
	v4 =	vmul.f32 v4, v0  }
0x30d: {  	v9 =	vadd.f32 $1.258291200e+07, v9;
	v13 =	vadd.f32 $1.258291200e+07, v13;
	v6 =	vmul.f32 v6, v1;
	s15 =	sand.u32 $0x60, s26;
	s17 =	sand.u32 $0x1C00, s30;
	s19 =	sor.u32 s30, s26  }
0x30e: {  	v10 =	vadd.f32 $1.258291200e+07, v10;
	p3 =	slt.u32 s26, $0x3E0;
	v11 =	vadd.f32 $-1.258291200e+07, v11;
	s15 =	sor.u32 s15, s17;
	s17 =	sor.u32 $0x380, s19;
	v4 =	vmax.f32 v4, $-1.270000000e+02  }
0x30f: {  	v8 =	vadd.f32 $-1.258291200e+07, v8;
	v12 =	vadd.f32 $-1.258291200e+07, v12;
	v14 =	vld [tilespmem:s15+$0x4010];
	v7 =	vmul.f32 v7, v0;
	[tilespmem:s23+$0xC000] =	vst v6;
	s23 =	smov.u32 s20;
	s20 =	smov.u32 s13  }
0x310: {  	v9 =	vadd.f32 $-1.258291200e+07, v9;
	v13 =	vadd.f32 $-1.258291200e+07, v13;
	v11 =	vmul.f32 v11, v1;
	v6 =	vld [tilespmem:s15+$0x4090]  }
0x311: {  	v10 =	vadd.f32 $-1.258291200e+07, v10;
	v8 =	vmul.f32 v8, v1;
	v15 =	vld [tilespmem:s15+$0x4110];
	v7 =	vmax.f32 v7, $-1.270000000e+02  }
0x312: {  	v9 =	vmul.f32 v9, v1;
	v16 =	vld [tilespmem:s15+$0x4190];
	[tilespmem:s22+$0xC000] =	vst v11;
	v11 =	vmul.f32 v12, v1;
	v7 =	vmin.f32 v7, $1.270000000e+02  }
0x313: {  	v10 =	vmul.f32 v10, v1;
	v12 =	vld [tilespmem:s15+$0x4210];
	[tilespmem:s22+$0xC080] =	vst v8;
	v8 =	vmul.f32 v13, v1;
	v7 =	vadd.f32 $1.258291200e+07, v7  }
0x314: {  	v2 =	vmul.f32 v2, v0;
	v5 =	vadd.f32 $1.258291200e+07, v5;
	v4 =	vmin.f32 v4, $1.270000000e+02;
	v13 =	vld [tilespmem:s15+$0x4290];
	[tilespmem:s22+$0xC100] =	vst v11  }
0x315: {  	v4 =	vadd.f32 $1.258291200e+07, v4;
	v11 =	vld [tilespmem:s15+$0x4000];
	[tilespmem:s22+$0xC180] =	vst v9;
	v7 =	vadd.f32 $-1.258291200e+07, v7;
	v9 =	vmul.f32 v3, v1  }
0x316: {  	v2 =	vmax.f32 v2, $-1.270000000e+02;
	v14 =	vmul.f32 v14, v0;
	v3 =	vadd.f32 $-1.258291200e+07, v5;
	v17 =	vld [tilespmem:s15+$0x4080];
	[tilespmem:s22+$0xC200] =	vst v8  }
0x317: {  	v18 =	vmul.f32 v6, v0;
	v6 =	vadd.f32 $-1.258291200e+07, v4;
	v8 =	vld [tilespmem:s15+$0x4100];
	[tilespmem:s22+$0xC280] =	vst v10;
	v7 =	vmul.f32 v7, v1;
	s22 =	smov.u32 s15  }
0x318: {  	v5 =	vmin.f32 v2, $1.270000000e+02;
	v4 =	vmul.f32 v15, v0;
	v15 =	vmul.f32 v16, v0;
	v10 =	vld [tilespmem:s22+$0x4180];
	[tilespmem:s18+$0xC000] =	vst v9;
	s18 =	smov.u32 s3;
	s3 =	smov.u32 s0;
	s0 =	smov.u32 s7  }
0x319: {  	v2 =	vmax.f32 v14, $-1.270000000e+02;
	s15 =	sor.u32 $0x380, s12;
	v12 =	vmul.f32 v12, v0;
	s7 =	smov.u32 s14;
	s14 =	smov.u32 s16;
	v9 =	vld [tilespmem:s22+$0x4200];
	v13 =	vmul.f32 v13, v0;
	[tilespmem:s4+$0xC000] =	vst v7  }
0x31a: {  	v4 =	vmax.f32 v4, $-1.270000000e+02;
	s16 =	smov.u32 s17;
	v7 =	vmax.f32 v18, $-1.270000000e+02;
	v14 =	vmax.f32 v15, $-1.270000000e+02;
	v15 =	vld [tilespmem:s15+$0x4000]  }
0x31b: {  	v2 =	vmin.f32 v2, $1.270000000e+02;
	v12 =	vmax.f32 v12, $-1.270000000e+02;
	v16 =	vld [tilespmem:s22+$0x4280];
	v13 =	vmax.f32 v13, $-1.270000000e+02  }
0x31c: {  	v18 =	vmin.f32 v4, $1.270000000e+02;
	v7 =	vmin.f32 v7, $1.270000000e+02;
	v14 =	vmin.f32 v14, $1.270000000e+02;
	v4 =	vld [tilespmem:s20+$0x4000]  }
0x31d: {  	v19 =	vadd.f32 $1.258291200e+07, v2;
	v7 =	vadd.f32 $1.258291200e+07, v7;
	v12 =	vmin.f32 v12, $1.270000000e+02;
	v2 =	vld [tilespmem:s0+$0x4000]  }
0x31e: {  	v18 =	vadd.f32 $1.258291200e+07, v18;
	v14 =	vadd.f32 $1.258291200e+07, v14;
	v13 =	vmin.f32 v13, $1.270000000e+02  }
0x31f: {  	v19 =	vadd.f32 $-1.258291200e+07, v19;
	v12 =	vadd.f32 $1.258291200e+07, v12;
	v15 =	vmul.f32 v15, v0  }
0x320: {  	v11 =	vmul.f32 v11, v0;
	v7 =	vadd.f32 $-1.258291200e+07, v7;
	v13 =	vadd.f32 $1.258291200e+07, v13  }
0x321: {  	v19 =	vmul.f32 v19, v1;
	v18 =	vadd.f32 $-1.258291200e+07, v18;
	v15 =	vmax.f32 v15, $-1.270000000e+02  }
0x322: {  	v14 =	vadd.f32 $-1.258291200e+07, v14;
	v7 =	vmul.f32 v7, v1;
	v15 =	vmin.f32 v15, $1.270000000e+02  }
0x323: {  	v18 =	vmul.f32 v18, v1;
	v12 =	vadd.f32 $-1.258291200e+07, v12;
	[tilespmem:s22+$0xC010] =	vst v19;
	v15 =	vadd.f32 $1.258291200e+07, v15  }
0x324: {  	s6 =	sadd.s32 $0x1, s6;
	v17 =	vmul.f32 v17, v0;
	v13 =	vadd.f32 $-1.258291200e+07, v13;
	[tilespmem:s22+$0xC090] =	vst v7;
	v7 =	vmul.f32 v14, v1  }
0x325: {  	s4 =	sand.u32 $0x3, s6;
	v8 =	vmul.f32 v8, v0;
	v12 =	vmul.f32 v12, v1;
	[tilespmem:s22+$0xC110] =	vst v18;
	v14 =	vadd.f32 $-1.258291200e+07, v15  }
0x326: {  	s4 =	sshll.u32 s4, $0x5;
	v11 =	vmax.f32 v11, $-1.270000000e+02;
	v10 =	vmul.f32 v10, v0;
	[tilespmem:s22+$0xC190] =	vst v7;
	v7 =	vmul.f32 v13, v1  }
.Ltmp7:
0x327: {  	s4 =	sadd.s32 s4, s30;
	v9 =	vmul.f32 v9, v0;
	v13 =	vmax.f32 v17, $-1.270000000e+02;
	[tilespmem:s22+$0xC210] =	vst v12;
	v12 =	vmul.f32 v14, v1;
	(pc) =	sbr.rel @p3 .LBB2_11-.Ltmp7, $4  }
0x328: {  	s13 =	sor.u32 $0x300, s4;
	s12 =	sadd.s32 $0x10, s4;
	v10 =	vmax.f32 v10, $-1.270000000e+02;
	v15 =	vmul.f32 v16, v0;
	v14 =	vmax.f32 v8, $-1.270000000e+02;
	[tilespmem:s22+$0xC290] =	vst v7  }
0x329: {  	v11 =	vmin.f32 v11, $1.270000000e+02;
	s4 =	sor.u32 $0x300, s12;
	v8 =	vmin.f32 v13, $1.270000000e+02;
	v13 =	vmax.f32 v9, $-1.270000000e+02;
	[tilespmem:s15+$0xC000] =	vst v12  }
0x32a: {  	v9 =	vmin.f32 v10, $1.270000000e+02;
	v10 =	vmax.f32 v15, $-1.270000000e+02;
	v12 =	vmin.f32 v14, $1.270000000e+02;
	v7 =	vld [tilespmem:s4+$0x4000]  }
0x32b: {  	v11 =	vadd.f32 $1.258291200e+07, v11;
	v13 =	vmin.f32 v13, $1.270000000e+02;
	v10 =	vmin.f32 v10, $1.270000000e+02  }
0x32c: {  	v8 =	vadd.f32 $1.258291200e+07, v8  }
0x32d: {  	v12 =	vadd.f32 $1.258291200e+07, v12;
	v11 =	vadd.f32 $-1.258291200e+07, v11  }
0x32e: {  	v9 =	vadd.f32 $1.258291200e+07, v9;
	v8 =	vadd.f32 $-1.258291200e+07, v8  }
0x32f: {  	v13 =	vadd.f32 $1.258291200e+07, v13;
	v12 =	vadd.f32 $-1.258291200e+07, v12;
	v11 =	vmul.f32 v11, v1  }
0x330: {  	v10 =	vadd.f32 $1.258291200e+07, v10;
	v9 =	vadd.f32 $-1.258291200e+07, v9;
	v8 =	vmul.f32 v8, v1  }
0x331: {  	v13 =	vadd.f32 $-1.258291200e+07, v13;
	v53 =	vmul.f32 v12, v1;
	[tilespmem:s22+$0xC000] =	vst v11  }
0x332: {  	v10 =	vadd.f32 $-1.258291200e+07, v10;
	v9 =	vmul.f32 v9, v1;
	[tilespmem:s22+$0xC080] =	vst v8  }
0x333: {  	v54 =	vmul.f32 v13, v1;
	[tilespmem:s22+$0xC100] =	vst v53  }
0x334: {  	v10 =	vmul.f32 v10, v1;
	[tilespmem:s22+$0xC180] =	vst v9  }
0x335: {  	v7 =	vmul.f32 v7, v0;
	[tilespmem:s22+$0xC200] =	vst v54  }
0x336: {  	[tilespmem:s22+$0xC280] =	vst v10  }
0x337: {  	v7 =	vmax.f32 v7, $-1.270000000e+02;
	v8 =	vld [tilespmem:s13+$0x4000]  }
0x338: {  	v7 =	vmin.f32 v7, $1.270000000e+02  }
0x339: {  	v7 =	vadd.f32 $1.258291200e+07, v7;
	_ =	sdelay $0x1  }
0x33a: {  	v4 =	vmul.f32 v4, v0;
	v7 =	vadd.f32 $-1.258291200e+07, v7  }
0x33b: {  	v8 =	vmul.f32 v8, v0  }
0x33c: {  	v4 =	vmax.f32 v4, $-1.270000000e+02;
	v7 =	vmul.f32 v7, v1  }
0x33d: {  	v4 =	vmin.f32 v4, $1.270000000e+02;
	v55 =	vmax.f32 v8, $-1.270000000e+02  }
0x33e: {  	v4 =	vadd.f32 $1.258291200e+07, v4;
	[tilespmem:s4+$0xC000] =	vst v7;
	v7 =	vmin.f32 v55, $1.270000000e+02  }
0x33f: {  	v7 =	vadd.f32 $1.258291200e+07, v7  }
0x340: {  	s26 =	sor.u32 $0x380, s12;
	v4 =	vadd.f32 $-1.258291200e+07, v4  }
0x341: {  	v6 =	vmul.f32 v6, v1;
	v56 =	vld [tilespmem:s26+$0x4000];
	v7 =	vadd.f32 $-1.258291200e+07, v7  }
0x342: {  	v4 =	vmul.f32 v4, v1  }
0x343: {  	v2 =	vmul.f32 v2, v0;
	[tilespmem:s23+$0xC000] =	vst v6;
	v7 =	vmul.f32 v7, v1  }
0x344: {  	v58 =	vld [tilespmem:s7+$0x4000];
	[tilespmem:s20+$0xC000] =	vst v4  }
0x345: {  	v2 =	vmax.f32 v2, $-1.270000000e+02;
	v60 =	vld [tilespmem:s14+$0x4000];
	[tilespmem:s13+$0xC000] =	vst v7  }
0x346: {  	v5 =	vadd.f32 $1.258291200e+07, v5;
	v2 =	vmin.f32 v2, $1.270000000e+02;
	v57 =	vmul.f32 v56, v0;
	v7 =	vld [tilespmem:s16+$0x4000]  }
0x347: {  	v2 =	vadd.f32 $1.258291200e+07, v2  }
0x348: {  	v3 =	vmul.f32 v3, v1;
	v5 =	vadd.f32 $-1.258291200e+07, v5;
	v59 =	vmax.f32 v57, $-1.270000000e+02  }
0x349: {  	v2 =	vadd.f32 $-1.258291200e+07, v2;
	v8 =	vmul.f32 v58, v0;
	v4 =	vmin.f32 v59, $1.270000000e+02  }
0x34a: {  	[tilespmem:s18+$0xC000] =	vst v3;
	v3 =	vmul.f32 v5, v1;
	v6 =	vmul.f32 v60, v0;
	v4 =	vadd.f32 $1.258291200e+07, v4  }
0x34b: {  	v2 =	vmul.f32 v2, v1;
	v8 =	vmax.f32 v8, $-1.270000000e+02;
	v7 =	vmul.f32 v7, v0  }
0x34c: {  	v8 =	vmin.f32 v8, $1.270000000e+02;
	v6 =	vmax.f32 v6, $-1.270000000e+02;
	v4 =	vadd.f32 $-1.258291200e+07, v4  }
0x34d: {  	v8 =	vadd.f32 $1.258291200e+07, v8;
	v6 =	vmin.f32 v6, $1.270000000e+02;
	v7 =	vmax.f32 v7, $-1.270000000e+02  }
0x34e: {  	[tilespmem:s3+$0xC000] =	vst v3;
	v6 =	vadd.f32 $1.258291200e+07, v6;
	v4 =	vmul.f32 v4, v1;
	v7 =	vmin.f32 v7, $1.270000000e+02  }
0x34f: {  	[tilespmem:s0+$0xC000] =	vst v2;
	v61 =	vadd.f32 $-1.258291200e+07, v8;
	v7 =	vadd.f32 $1.258291200e+07, v7  }
0x350: {  	v62 =	vadd.f32 $-1.258291200e+07, v6;
	[tilespmem:s26+$0xC000] =	vst v4  }
0x351: {  	v3 =	vmul.f32 v61, v1;
	s0 =	rddreg [dreg:$0xb];
	v63 =	vadd.f32 $-1.258291200e+07, v7  }
.Ltmp8:
0x352: {  	v2 =	vmul.f32 v62, v1;
	s0 =	sadd.s32 s0, s8;
	(pc) =	sbr.rel @p1 .LBB2_14-.Ltmp8, $4  }
0x353: {  	[tilespmem:s7+$0xC000] =	vst v3;
	s0 =	sshll.u32 s0, $0xA;
	v3 =	vmul.f32 v63, v1  }
0x354: {  	s29 =	rddreg [dreg:$0x2];
	[tilespmem:s14+$0xC000] =	vst v2;
	s0 =	sand.u32 $0x1FFFF800, s0  }
0x355: {  	s30 =	simm.s32 $0xC000;
	s0 =	sadd.s32 s29, s0;
	[tilespmem:s16+$0xC000] =	vst v3  }
0x356: {  	[hbm4b:s0+s5] =	stream.linear.scatter [tilespmem:s30], [sflag:$0x7], $0x2000, $0x38;
	[tilespmem:$0x10100] =	vst v63  }
.Ltmp9:
0x357: {  	(pc) =	sbr.rel .LBB2_15-.Ltmp9, $4  }
0x358: {  	_ = 	snop  }
0x359: {  	_ =	swait.ge [sflag:s2], $0x2000  }
0x35a: {  	[sflag:s2] =	ssyncset.done $0x0  }
0x35b: {  	[sflag:s2] =	ssyncadd.s32 $0xFFFFE000  }
.LBB2_14:
0x35c: {  	s0 =	rddreg [dreg:$0xe]  }
0x35d: {  	s0 =	sadd.s32 s10, s0  }
0x35e: {  	s0 =	sshll.u32 s0, $0xA  }
0x35f: {  	s0 =	sand.u32 $0x1FFFF800, s0  }
.Ltmp10:
0x360: {  	s3 =	simm.s32 $0x4000;
	s0 =	sadd.s32 s1, s0;
	(pc) =	sbr.rel @p0 .LBB2_16-.Ltmp10, $4  }
0x361: {  	[tilespmem:s3], [sflag:$0x3] =	stream.linear.gather [hbm4b:s0+s5], $0x2000, $0x38;
	[tilespmem:$0x10100] =	vst v63  }
0x362: {  	_ =	swait.ge [sflag:s2], $0x2000  }
0x363: {  	[sflag:s2] =	ssyncset.done $0x0  }
0x364: {  	[sflag:s2] =	ssyncadd.s32 $0xFFFFE000  }
.LBB2_15:
0x365: {  	s0 =	simm.s32 $0x8  }
0x366: {  	_ =	swait.ge [sflag:s0], $0x2000  }
0x367: {  	[sflag:s0] =	ssyncset.done $0x0  }
0x368: {  	[sflag:s0] =	ssyncadd.s32 $0xFFFFE000  }
.LBB2_16:
0x369: {  	s18 =	simm.s32 $0x0;
	s23 =	simm.s32 $0x0  }
0x36a: {  	s0 =	sand.u32 $0x60, s23;
	s3 =	sand.u32 $0x1C00, s18  }
0x36b: {  	s4 =	sor.u32 s0, s3  }
0x36c: {  	v2 =	vld [tilespmem:s4+$0x6010]  }
0x36d: {  	v3 =	vld [tilespmem:s4+$0x6090]  }
0x36e: {  	v4 =	vld [tilespmem:s4+$0x6110]  }
0x36f: {  	v5 =	vld [tilespmem:s4+$0x6190]  }
0x370: {  	v6 =	vld [tilespmem:s4+$0x6210]  }
0x371: {  	v7 =	vld [tilespmem:s4+$0x6290];
	_ =	sdelay $0x2  }
0x372: {  	v2 =	vmul.f32 v2, v0;
	v3 =	vmul.f32 v3, v0  }
0x373: {  	v4 =	vmul.f32 v4, v0;
	v5 =	vmul.f32 v5, v0  }
0x374: {  	v6 =	vmul.f32 v6, v0;
	v7 =	vmul.f32 v7, v0  }
0x375: {  	v2 =	vmax.f32 v2, $-1.270000000e+02;
	v3 =	vmax.f32 v3, $-1.270000000e+02;
	v4 =	vmax.f32 v4, $-1.270000000e+02  }
0x376: {  	s22 =	simm.s32 $0x20;
	s12 =	sand.u32 $0x3, s18;
	s3 =	simm.s32 $0x100;
	v8 =	vld [tilespmem:s4+$0x6000];
	v5 =	vmax.f32 v5, $-1.270000000e+02;
	v6 =	vmax.f32 v6, $-1.270000000e+02;
	v2 =	vmin.f32 v2, $1.270000000e+02  }
0x377: {  	s13 =	sand.u32 $0x60, s22;
	s0 =	sshll.u32 s12, $0x5;
	v9 =	vld [tilespmem:s4+$0x6080];
	s12 =	sand.u32 $0x1C00, s3;
	v7 =	vmax.f32 v7, $-1.270000000e+02;
	v3 =	vmin.f32 v3, $1.270000000e+02;
	v2 =	vadd.f32 $1.258291200e+07, v2  }
0x378: {  	v10 =	vld [tilespmem:s4+$0x6100];
	s6 =	sadd.s32 $0x0, s0;
	s0 =	sor.u32 s13, s12;
	v4 =	vmin.f32 v4, $1.270000000e+02;
	v5 =	vmin.f32 v5, $1.270000000e+02;
	v3 =	vadd.f32 $1.258291200e+07, v3  }
0x379: {  	v11 =	vld [tilespmem:s0+$0x6110];
	v6 =	vmin.f32 v6, $1.270000000e+02;
	v4 =	vadd.f32 $1.258291200e+07, v4;
	v2 =	vadd.f32 $-1.258291200e+07, v2  }
0x37a: {  	v13 =	vld [tilespmem:s0+$0x6210];
	v7 =	vmin.f32 v7, $1.270000000e+02;
	v5 =	vadd.f32 $1.258291200e+07, v5;
	v3 =	vadd.f32 $-1.258291200e+07, v3  }
0x37b: {  	v12 =	vld [tilespmem:s0+$0x6190];
	v6 =	vadd.f32 $1.258291200e+07, v6;
	v4 =	vadd.f32 $-1.258291200e+07, v4;
	v2 =	vmul.f32 v2, v1  }
0x37c: {  	v14 =	vld [tilespmem:s0+$0x6290];
	v7 =	vadd.f32 $1.258291200e+07, v7;
	v5 =	vadd.f32 $-1.258291200e+07, v5;
	v3 =	vmul.f32 v3, v1  }
0x37d: {  	[tilespmem:s4+$0xE010] =	vst v2;
	v2 =	vmul.f32 v4, v1;
	v4 =	vadd.f32 $-1.258291200e+07, v6;
	v6 =	vld [tilespmem:s4+$0x6180]  }
0x37e: {  	v11 =	vmul.f32 v11, v0;
	[tilespmem:s4+$0xE090] =	vst v3;
	v3 =	vmul.f32 v5, v1;
	v5 =	vadd.f32 $-1.258291200e+07, v7;
	v7 =	vld [tilespmem:s4+$0x6200]  }
0x37f: {  	v13 =	vmul.f32 v13, v0;
	[tilespmem:s4+$0xE110] =	vst v2;
	v2 =	vmul.f32 v4, v1  }
0x380: {  	v4 =	vld [tilespmem:s4+$0x6280];
	[tilespmem:s4+$0xE190] =	vst v3;
	v3 =	vmul.f32 v5, v1;
	v5 =	vmul.f32 v9, v0  }
0x381: {  	v12 =	vmul.f32 v12, v0;
	v14 =	vmul.f32 v14, v0;
	v13 =	vmax.f32 v13, $-1.270000000e+02;
	v9 =	vld [tilespmem:s0+$0x6010];
	[tilespmem:s4+$0xE210] =	vst v2  }
0x382: {  	v2 =	vmul.f32 v8, v0;
	[tilespmem:s4+$0xE290] =	vst v3;
	v3 =	vmul.f32 v10, v0;
	v5 =	vmax.f32 v5, $-1.270000000e+02  }
0x383: {  	s7 =	sadd.s32 $0x10, s6;
	v6 =	vmul.f32 v6, v0;
	v7 =	vmul.f32 v7, v0;
	v5 =	vmin.f32 v5, $1.270000000e+02  }
0x384: {  	s8 =	sor.u32 $0x300, s7;
	v2 =	vmax.f32 v2, $-1.270000000e+02;
	v3 =	vmax.f32 v3, $-1.270000000e+02;
	v5 =	vadd.f32 $1.258291200e+07, v5  }
0x385: {  	v8 =	vld [tilespmem:s8+$0x6000];
	v6 =	vmax.f32 v6, $-1.270000000e+02;
	v4 =	vmul.f32 v4, v0;
	v2 =	vmin.f32 v2, $1.270000000e+02  }
0x386: {  	v7 =	vmax.f32 v7, $-1.270000000e+02;
	v3 =	vmin.f32 v3, $1.270000000e+02;
	v9 =	vmul.f32 v9, v0  }
0x387: {  	v6 =	vmin.f32 v6, $1.270000000e+02;
	v2 =	vadd.f32 $1.258291200e+07, v2;
	v7 =	vmin.f32 v7, $1.270000000e+02  }
0x388: {  	v3 =	vadd.f32 $1.258291200e+07, v3;
	v5 =	vadd.f32 $-1.258291200e+07, v5;
	v4 =	vmax.f32 v4, $-1.270000000e+02  }
0x389: {  	v6 =	vadd.f32 $1.258291200e+07, v6;
	v7 =	vadd.f32 $1.258291200e+07, v7;
	v9 =	vmax.f32 v9, $-1.270000000e+02  }
0x38a: {  	v8 =	vmul.f32 v8, v0;
	v2 =	vadd.f32 $-1.258291200e+07, v2;
	v3 =	vadd.f32 $-1.258291200e+07, v3  }
0x38b: {  	v10 =	vld [tilespmem:s0+$0x6090];
	v5 =	vmul.f32 v5, v1;
	v9 =	vmin.f32 v9, $1.270000000e+02;
	v6 =	vadd.f32 $-1.258291200e+07, v6  }
0x38c: {  	v4 =	vmin.f32 v4, $1.270000000e+02;
	v7 =	vadd.f32 $-1.258291200e+07, v7;
	v9 =	vadd.f32 $1.258291200e+07, v9  }
0x38d: {  	v8 =	vmax.f32 v8, $-1.270000000e+02;
	v3 =	vmul.f32 v3, v1;
	[tilespmem:s4+$0xE080] =	vst v5;
	v5 =	vmin.f32 v13, $1.270000000e+02  }
0x38e: {  	v13 =	vld [tilespmem:s0+$0x6180];
	v8 =	vmin.f32 v8, $1.270000000e+02;
	v6 =	vmul.f32 v6, v1;
	v5 =	vadd.f32 $1.258291200e+07, v5  }
0x38f: {  	v4 =	vadd.f32 $1.258291200e+07, v4;
	v7 =	vmul.f32 v7, v1;
	v8 =	vadd.f32 $1.258291200e+07, v8;
	[tilespmem:s4+$0xE100] =	vst v3;
	v3 =	vld [tilespmem:s0+$0x6000]  }
0x390: {  	v10 =	vmul.f32 v10, v0;
	v9 =	vadd.f32 $-1.258291200e+07, v9;
	[tilespmem:s4+$0xE180] =	vst v6;
	v6 =	vld [tilespmem:s0+$0x6080];
	v5 =	vadd.f32 $-1.258291200e+07, v5  }
0x391: {  	v2 =	vmul.f32 v2, v1;
	v4 =	vadd.f32 $-1.258291200e+07, v4;
	[tilespmem:s4+$0xE200] =	vst v7;
	v7 =	vld [tilespmem:s0+$0x6100];
	v8 =	vadd.f32 $-1.258291200e+07, v8  }
0x392: {  	v9 =	vmul.f32 v9, v1;
	v5 =	vmul.f32 v5, v1  }
0x393: {  	v4 =	vmul.f32 v4, v1;
	v8 =	vmul.f32 v8, v1  }
0x394: {  	v14 =	vmax.f32 v14, $-1.270000000e+02;
	v3 =	vmul.f32 v3, v0;
	[tilespmem:s0+$0xE210] =	vst v5;
	v5 =	vmul.f32 v13, v0  }
0x395: {  	[tilespmem:s8+$0xE000] =	vst v8;
	v8 =	vmax.f32 v10, $-1.270000000e+02;
	v10 =	vmax.f32 v11, $-1.270000000e+02;
	v11 =	vmax.f32 v12, $-1.270000000e+02  }
0x396: {  	v6 =	vmul.f32 v6, v0;
	v7 =	vmul.f32 v7, v0;
	v8 =	vmin.f32 v8, $1.270000000e+02  }
0x397: {  	s14 =	simm.s32 $0x1;
	[tilespmem:s4+$0xE000] =	vst v2;
	v10 =	vmin.f32 v10, $1.270000000e+02;
	v2 =	vmin.f32 v11, $1.270000000e+02;
	v11 =	vmin.f32 v14, $1.270000000e+02  }
0x398: {  	s8 =	sor.u32 $0x380, s7;
	s7 =	sand.u32 $0x3, s14;
	v3 =	vmax.f32 v3, $-1.270000000e+02;
	v8 =	vadd.f32 $1.258291200e+07, v8;
	v10 =	vadd.f32 $1.258291200e+07, v10  }
0x399: {  	s7 =	sshll.u32 s7, $0x5;
	v5 =	vmax.f32 v5, $-1.270000000e+02;
	v2 =	vadd.f32 $1.258291200e+07, v2;
	v11 =	vadd.f32 $1.258291200e+07, v11  }
0x39a: {  	s20 =	simm.s32 $0x200;
	v12 =	vld [tilespmem:s8+$0x6000];
	s15 =	sadd.s32 $0x100, s7;
	v6 =	vmax.f32 v6, $-1.270000000e+02;
	v3 =	vmin.f32 v3, $1.270000000e+02;
	s7 =	simm.s32 $0x40;
	v5 =	vmin.f32 v5, $1.270000000e+02  }
0x39b: {  	s17 =	sand.u32 $0x1C00, s20;
	v7 =	vmax.f32 v7, $-1.270000000e+02;
	v3 =	vadd.f32 $1.258291200e+07, v3;
	s16 =	sand.u32 $0x60, s7;
	v5 =	vadd.f32 $1.258291200e+07, v5  }
0x39c: {  	[tilespmem:s4+$0xE280] =	vst v4;
	v6 =	vmin.f32 v6, $1.270000000e+02;
	v8 =	vadd.f32 $-1.258291200e+07, v8;
	v10 =	vadd.f32 $-1.258291200e+07, v10;
	s4 =	sor.u32 s16, s17  }
0x39d: {  	v7 =	vmin.f32 v7, $1.270000000e+02;
	v2 =	vadd.f32 $-1.258291200e+07, v2;
	v6 =	vadd.f32 $1.258291200e+07, v6;
	v13 =	vld [tilespmem:s4+$0x6110]  }
0x39e: {  	v7 =	vadd.f32 $1.258291200e+07, v7;
	v3 =	vadd.f32 $-1.258291200e+07, v3;
	v14 =	vld [tilespmem:s4+$0x6190];
	v8 =	vmul.f32 v8, v1  }
0x39f: {  	[tilespmem:s0+$0xE010] =	vst v9;
	v5 =	vadd.f32 $-1.258291200e+07, v5;
	v12 =	vmul.f32 v12, v0;
	v9 =	vmul.f32 v10, v1;
	v10 =	vld [tilespmem:s0+$0x6200]  }
0x3a0: {  	v15 =	vld [tilespmem:s4+$0x6210];
	v2 =	vmul.f32 v2, v1;
	v6 =	vadd.f32 $-1.258291200e+07, v6;
	v7 =	vadd.f32 $-1.258291200e+07, v7;
	[tilespmem:s0+$0xE090] =	vst v8  }
0x3a1: {  	s26 =	sor.u32 $0x300, s6;
	v5 =	vmul.f32 v5, v1;
	v12 =	vmax.f32 v12, $-1.270000000e+02;
	v8 =	vadd.f32 $-1.258291200e+07, v11;
	v11 =	vld [tilespmem:s0+$0x6280];
	[tilespmem:s0+$0xE110] =	vst v9  }
0x3a2: {  	[tilespmem:s0+$0xE190] =	vst v2;
	v9 =	vld [tilespmem:s26+$0x6000];
	v7 =	vmul.f32 v7, v1;
	v12 =	vmin.f32 v12, $1.270000000e+02  }
0x3a3: {  	v3 =	vmul.f32 v3, v1;
	v6 =	vmul.f32 v6, v1;
	[tilespmem:s0+$0xE180] =	vst v5;
	v5 =	vld [tilespmem:s4+$0x6080];
	v12 =	vadd.f32 $1.258291200e+07, v12  }
0x3a4: {  	v2 =	vmul.f32 v8, v1;
	[tilespmem:s0+$0xE100] =	vst v7;
	v7 =	vld [tilespmem:s4+$0x6000];
	v4 =	vmul.f32 v10, v0  }
0x3a5: {  	s13 =	sadd.s32 $0x10, s15;
	v13 =	vmul.f32 v13, v0;
	v14 =	vmul.f32 v14, v0;
	v8 =	vadd.f32 $-1.258291200e+07, v12  }
0x3a6: {  	s14 =	sor.u32 $0x300, s13;
	v15 =	vmul.f32 v15, v0;
	[tilespmem:s0+$0xE290] =	vst v2;
	v10 =	vmul.f32 v11, v0;
	v4 =	vmax.f32 v4, $-1.270000000e+02  }
0x3a7: {  	v9 =	vmul.f32 v9, v0;
	v2 =	vmul.f32 v8, v1;
	v8 =	vld [tilespmem:s14+$0x6000];
	v4 =	vmin.f32 v4, $1.270000000e+02  }
0x3a8: {  	v11 =	vld [tilespmem:s4+$0x6010];
	v5 =	vmul.f32 v5, v0;
	v10 =	vmax.f32 v10, $-1.270000000e+02;
	v4 =	vadd.f32 $1.258291200e+07, v4  }
0x3a9: {  	v9 =	vmax.f32 v9, $-1.270000000e+02;
	v7 =	vmul.f32 v7, v0;
	v10 =	vmin.f32 v10, $1.270000000e+02  }
0x3aa: {  	v9 =	vmin.f32 v9, $1.270000000e+02;
	v5 =	vmax.f32 v5, $-1.270000000e+02;
	v10 =	vadd.f32 $1.258291200e+07, v10  }
0x3ab: {  	v4 =	vadd.f32 $-1.258291200e+07, v4;
	v9 =	vadd.f32 $1.258291200e+07, v9;
	v7 =	vmax.f32 v7, $-1.270000000e+02  }
0x3ac: {  	v16 =	vld [tilespmem:s4+$0x6290];
	v5 =	vmin.f32 v5, $1.270000000e+02;
	v8 =	vmul.f32 v8, v0;
	v10 =	vadd.f32 $-1.258291200e+07, v10  }
0x3ad: {  	[tilespmem:s0+$0xE000] =	vst v3;
	v12 =	vld [tilespmem:s4+$0x6090];
	v11 =	vmul.f32 v11, v0;
	v7 =	vmin.f32 v7, $1.270000000e+02;
	v4 =	vmul.f32 v4, v1  }
0x3ae: {  	[tilespmem:s0+$0xE080] =	vst v6;
	v5 =	vadd.f32 $1.258291200e+07, v5;
	v8 =	vmax.f32 v8, $-1.270000000e+02;
	v10 =	vmul.f32 v10, v1  }
0x3af: {  	s19 =	simm.s32 $0x2;
	v9 =	vadd.f32 $-1.258291200e+07, v9;
	v11 =	vmax.f32 v11, $-1.270000000e+02;
	[tilespmem:s0+$0xE200] =	vst v4;
	v8 =	vmin.f32 v8, $1.270000000e+02  }
0x3b0: {  	s24 =	simm.s32 $0x300;
	v7 =	vadd.f32 $1.258291200e+07, v7;
	v11 =	vmin.f32 v11, $1.270000000e+02;
	v8 =	vadd.f32 $1.258291200e+07, v8;
	[tilespmem:s0+$0xE280] =	vst v10;
	v10 =	vld [tilespmem:s4+$0x6180];
	s0 =	sand.u32 $0x3, s19  }
0x3b1: {  	s16 =	simm.s32 $0x60;
	s17 =	sand.u32 $0x1C00, s24;
	v16 =	vmul.f32 v16, v0;
	v5 =	vadd.f32 $-1.258291200e+07, v5;
	v11 =	vadd.f32 $1.258291200e+07, v11;
	s0 =	sshll.u32 s0, $0x5  }
0x3b2: {  	v12 =	vmul.f32 v12, v0;
	v7 =	vadd.f32 $-1.258291200e+07, v7;
	v8 =	vadd.f32 $-1.258291200e+07, v8;
	s6 =	sadd.s32 $0x200, s0;
	s0 =	sor.u32 $0x300, s15;
	s15 =	sand.u32 $0x60, s16  }
0x3b3: {  	v9 =	vmul.f32 v9, v1;
	v5 =	vmul.f32 v5, v1;
	v11 =	vadd.f32 $-1.258291200e+07, v11;
	s30 =	sor.u32 s15, s17  }
0x3b4: {  	v15 =	vmax.f32 v15, $-1.270000000e+02;
	v7 =	vmul.f32 v7, v1;
	v8 =	vmul.f32 v8, v1;
	v34 =	vld [tilespmem:s30+$0x6190]  }
0x3b5: {  	v16 =	vmax.f32 v16, $-1.270000000e+02;
	v11 =	vmul.f32 v11, v1;
	v17 =	vld [tilespmem:s30+$0x6210];
	v10 =	vmul.f32 v10, v0  }
0x3b6: {  	v18 =	vld [tilespmem:s30+$0x6290];
	[tilespmem:s14+$0xE000] =	vst v8;
	s14 =	sor.u32 $0x380, s13;
	v8 =	vmax.f32 v12, $-1.270000000e+02;
	v12 =	vmax.f32 v13, $-1.270000000e+02;
	v13 =	vmax.f32 v14, $-1.270000000e+02  }
0x3b7: {  	v14 =	vld [tilespmem:s14+$0x6000];
	v3 =	vmin.f32 v8, $1.270000000e+02;
	v8 =	vmin.f32 v12, $1.270000000e+02;
	v6 =	vmin.f32 v13, $1.270000000e+02  }
0x3b8: {  	v19 =	vld [tilespmem:s30+$0x6000];
	v12 =	vmin.f32 v15, $1.270000000e+02;
	v3 =	vadd.f32 $1.258291200e+07, v3;
	v8 =	vadd.f32 $1.258291200e+07, v8  }
0x3b9: {  	v13 =	vmin.f32 v16, $1.270000000e+02;
	v6 =	vadd.f32 $1.258291200e+07, v6;
	v12 =	vadd.f32 $1.258291200e+07, v12  }
0x3ba: {  	v15 =	vld [tilespmem:s4+$0x6200];
	v13 =	vadd.f32 $1.258291200e+07, v13;
	v16 =	vmul.f32 v34, v0;
	v3 =	vadd.f32 $-1.258291200e+07, v3  }
0x3bb: {  	v4 =	vld [tilespmem:s4+$0x6100];
	v17 =	vmul.f32 v17, v0;
	v18 =	vmul.f32 v18, v0;
	v8 =	vadd.f32 $-1.258291200e+07, v8  }
0x3bc: {  	v6 =	vadd.f32 $-1.258291200e+07, v6;
	v14 =	vmul.f32 v14, v0;
	v3 =	vmul.f32 v3, v1  }
0x3bd: {  	[tilespmem:s4+$0xE010] =	vst v11;
	v36 =	vmul.f32 v19, v0;
	v11 =	vadd.f32 $-1.258291200e+07, v12;
	v8 =	vmul.f32 v8, v1  }
0x3be: {  	v14 =	vmax.f32 v14, $-1.270000000e+02;
	[tilespmem:s4+$0xE090] =	vst v3;
	v3 =	vmul.f32 v6, v1;
	v6 =	vadd.f32 $-1.258291200e+07, v13  }
0x3bf: {  	v13 =	vld [tilespmem:s4+$0x6280];
	[tilespmem:s4+$0xE110] =	vst v8;
	v8 =	vmul.f32 v11, v1;
	v11 =	vmul.f32 v15, v0;
	v12 =	vmin.f32 v14, $1.270000000e+02  }
0x3c0: {  	v15 =	vld [tilespmem:s30+$0x6110];
	v12 =	vadd.f32 $1.258291200e+07, v12;
	[tilespmem:s4+$0xE190] =	vst v3;
	v3 =	vmul.f32 v6, v1;
	v6 =	vmul.f32 v4, v0  }
0x3c1: {  	s21 =	sadd.s32 $0x10, s6;
	v17 =	vmax.f32 v17, $-1.270000000e+02;
	v18 =	vmax.f32 v18, $-1.270000000e+02;
	[tilespmem:s4+$0xE210] =	vst v8;
	v8 =	vld [tilespmem:s0+$0x6000];
	v11 =	vmax.f32 v11, $-1.270000000e+02  }
0x3c2: {  	s29 =	sor.u32 $0x300, s21;
	v11 =	vmin.f32 v11, $1.270000000e+02;
	v4 =	vadd.f32 $-1.258291200e+07, v12;
	[tilespmem:s4+$0xE290] =	vst v3;
	v3 =	vmax.f32 v6, $-1.270000000e+02  }
0x3c3: {  	v6 =	vmax.f32 v10, $-1.270000000e+02;
	v11 =	vadd.f32 $1.258291200e+07, v11;
	v10 =	vld [tilespmem:s29+$0x6000];
	v3 =	vmin.f32 v3, $1.270000000e+02  }
0x3c4: {  	v12 =	vmul.f32 v13, v0;
	v6 =	vmin.f32 v6, $1.270000000e+02;
	v13 =	vld [tilespmem:s30+$0x6010];
	v3 =	vadd.f32 $1.258291200e+07, v3  }
0x3c5: {  	v15 =	vmul.f32 v15, v0;
	v6 =	vadd.f32 $1.258291200e+07, v6;
	v11 =	vadd.f32 $-1.258291200e+07, v11  }
0x3c6: {  	v12 =	vmax.f32 v12, $-1.270000000e+02;
	v8 =	vmul.f32 v8, v0;
	v3 =	vadd.f32 $-1.258291200e+07, v3  }
0x3c7: {  	v12 =	vmin.f32 v12, $1.270000000e+02;
	v6 =	vadd.f32 $-1.258291200e+07, v6;
	v11 =	vmul.f32 v11, v1  }
0x3c8: {  	v14 =	vld [tilespmem:s30+$0x6090];
	v12 =	vadd.f32 $1.258291200e+07, v12;
	v10 =	vmul.f32 v10, v0;
	v3 =	vmul.f32 v3, v1  }
0x3c9: {  	v8 =	vmax.f32 v8, $-1.270000000e+02;
	v6 =	vmul.f32 v6, v1;
	v13 =	vmul.f32 v13, v0;
	[tilespmem:s4+$0xE200] =	vst v11;
	v11 =	vld [tilespmem:s30+$0x6180]  }
0x3ca: {  	v4 =	vmul.f32 v4, v1;
	v8 =	vmin.f32 v8, $1.270000000e+02;
	v12 =	vadd.f32 $-1.258291200e+07, v12;
	[tilespmem:s4+$0xE100] =	vst v3;
	v3 =	vld [tilespmem:s30+$0x6080]  }
0x3cb: {  	v8 =	vadd.f32 $1.258291200e+07, v8;
	v10 =	vmax.f32 v10, $-1.270000000e+02;
	v13 =	vmax.f32 v13, $-1.270000000e+02;
	[tilespmem:s4+$0xE180] =	vst v6;
	v6 =	vld [tilespmem:s30+$0x6100]  }
0x3cc: {  	v10 =	vmin.f32 v10, $1.270000000e+02;
	v12 =	vmul.f32 v12, v1;
	v13 =	vmin.f32 v13, $1.270000000e+02  }
0x3cd: {  	[tilespmem:s4+$0xE000] =	vst v7;
	v10 =	vadd.f32 $1.258291200e+07, v10;
	v7 =	vadd.f32 $1.258291200e+07, v13;
	v13 =	vmin.f32 v17, $1.270000000e+02  }
0x3ce: {  	v8 =	vadd.f32 $-1.258291200e+07, v8;
	v13 =	vadd.f32 $1.258291200e+07, v13;
	v11 =	vmul.f32 v11, v0  }
0x3cf: {  	s19 =	simm.s32 $0x3;
	v14 =	vmul.f32 v14, v0;
	[tilespmem:s4+$0xE280] =	vst v12;
	v12 =	vld [tilespmem:s30+$0x6200];
	v10 =	vadd.f32 $-1.258291200e+07, v10;
	v7 =	vadd.f32 $-1.258291200e+07, v7  }
0x3d0: {  	[tilespmem:s4+$0xE080] =	vst v5;
	s4 =	sand.u32 $0x3, s19;
	v3 =	vmul.f32 v3, v0;
	v6 =	vmul.f32 v6, v0;
	v11 =	vmax.f32 v11, $-1.270000000e+02  }
0x3d1: {  	s4 =	sshll.u32 s4, $0x5;
	v10 =	vmul.f32 v10, v1;
	v7 =	vmul.f32 v7, v1;
	v11 =	vmin.f32 v11, $1.270000000e+02  }
0x3d2: {  	[tilespmem:s26+$0xE000] =	vst v9;
	s17 =	simm.s32 $0x80;
	s13 =	sadd.s32 $0x300, s4;
	s4 =	simm.s32 $0x400;
	v3 =	vmax.f32 v3, $-1.270000000e+02;
	v6 =	vmax.f32 v6, $-1.270000000e+02;
	v9 =	vadd.f32 $1.258291200e+07, v11  }
0x3d3: {  	s26 =	sand.u32 $0x60, s17;
	s19 =	sand.u32 $0x1C00, s4;
	[tilespmem:s29+$0xE000] =	vst v10;
	v10 =	vmax.f32 v14, $-1.270000000e+02;
	v14 =	vmax.f32 v15, $-1.270000000e+02;
	v15 =	vmax.f32 v16, $-1.270000000e+02  }
0x3d4: {  	s12 =	sor.u32 s26, s19;
	[tilespmem:s30+$0xE010] =	vst v7;
	v7 =	vadd.f32 $-1.258291200e+07, v13;
	v12 =	vmul.f32 v12, v0;
	v6 =	vmin.f32 v6, $1.270000000e+02  }
0x3d5: {  	v39 =	vld [tilespmem:s12+$0x6110];
	v10 =	vmin.f32 v10, $1.270000000e+02;
	v14 =	vmin.f32 v14, $1.270000000e+02;
	v6 =	vadd.f32 $1.258291200e+07, v6  }
0x3d6: {  	v40 =	vld [tilespmem:s12+$0x6190];
	v15 =	vmin.f32 v15, $1.270000000e+02;
	v9 =	vadd.f32 $-1.258291200e+07, v9;
	v10 =	vadd.f32 $1.258291200e+07, v10  }
0x3d7: {  	s21 =	sor.u32 $0x380, s21;
	v3 =	vmin.f32 v3, $1.270000000e+02;
	v41 =	vld [tilespmem:s12+$0x6210];
	v5 =	vadd.f32 $1.258291200e+07, v14;
	v14 =	vadd.f32 $1.258291200e+07, v15  }
0x3d8: {  	v35 =	vld [tilespmem:s21+$0x6000];
	v15 =	vmin.f32 v18, $1.270000000e+02;
	v12 =	vmax.f32 v12, $-1.270000000e+02;
	v6 =	vadd.f32 $-1.258291200e+07, v6  }
0x3d9: {  	v20 =	vld [tilespmem:s12+$0x6290];
	v15 =	vadd.f32 $1.258291200e+07, v15;
	v9 =	vmul.f32 v9, v1;
	v10 =	vadd.f32 $-1.258291200e+07, v10  }
0x3da: {  	v21 =	vld [tilespmem:s12+$0x6000];
	v5 =	vadd.f32 $-1.258291200e+07, v5;
	v6 =	vmul.f32 v6, v1;
	v17 =	vmul.f32 v39, v0  }
0x3db: {  	v14 =	vadd.f32 $-1.258291200e+07, v14;
	v18 =	vmul.f32 v40, v0;
	v10 =	vmul.f32 v10, v1  }
0x3dc: {  	v12 =	vmin.f32 v12, $1.270000000e+02;
	v19 =	vmul.f32 v41, v0;
	[tilespmem:s30+$0xE180] =	vst v9;
	v5 =	vmul.f32 v5, v1  }
0x3dd: {  	v16 =	vmul.f32 v35, v0;
	[tilespmem:s30+$0xE090] =	vst v10;
	v10 =	vmul.f32 v14, v1;
	v14 =	vadd.f32 $-1.258291200e+07, v15  }
0x3de: {  	s23 =	sor.u32 s18, s23;
	v11 =	vadd.f32 $1.258291200e+07, v12;
	v20 =	vmul.f32 v20, v0;
	[tilespmem:s30+$0xE110] =	vst v5;
	v5 =	vmul.f32 v7, v1  }
0x3df: {  	s18 =	sor.u32 $0x380, s23;
	v38 =	vld [tilespmem:s12+$0x6090];
	v46 =	vmul.f32 v21, v0;
	v16 =	vmax.f32 v16, $-1.270000000e+02;
	[tilespmem:s30+$0xE190] =	vst v10;
	v10 =	vmul.f32 v14, v1  }
0x3e0: {  	s15 =	sadd.s32 $0x10, s13;
	v12 =	vld [tilespmem:s18+$0x6000];
	v11 =	vadd.f32 $-1.258291200e+07, v11;
	v42 =	vmax.f32 v17, $-1.270000000e+02;
	v16 =	vmin.f32 v16, $1.270000000e+02;
	[tilespmem:s30+$0xE210] =	vst v5  }
0x3e1: {  	s29 =	sor.u32 $0x300, s15;
	v9 =	vld [tilespmem:s12+$0x6180];
	v43 =	vmax.f32 v18, $-1.270000000e+02;
	v19 =	vmax.f32 v19, $-1.270000000e+02;
	v13 =	vadd.f32 $1.258291200e+07, v16;
	[tilespmem:s30+$0xE290] =	vst v10  }
0x3e2: {  	v20 =	vmax.f32 v20, $-1.270000000e+02;
	v48 =	vmax.f32 v46, $-1.270000000e+02;
	v15 =	vadd.f32 $1.258291200e+07, v3;
	v14 =	vld [tilespmem:s29+$0x6000]  }
0x3e3: {  	v37 =	vld [tilespmem:s30+$0x6280];
	v3 =	vmul.f32 v8, v1;
	v7 =	vadd.f32 $-1.258291200e+07, v13;
	v13 =	vmax.f32 v36, $-1.270000000e+02  }
0x3e4: {  	v11 =	vmul.f32 v11, v1;
	v17 =	vmin.f32 v43, $1.270000000e+02;
	v13 =	vmin.f32 v13, $1.270000000e+02  }
0x3e5: {  	[tilespmem:s30+$0xE100] =	vst v6;
	v6 =	vld [tilespmem:s12+$0x6100];
	v45 =	vmin.f32 v20, $1.270000000e+02;
	v12 =	vmul.f32 v12, v0;
	v13 =	vadd.f32 $1.258291200e+07, v13  }
0x3e6: {  	v17 =	vadd.f32 $1.258291200e+07, v17;
	v15 =	vadd.f32 $-1.258291200e+07, v15;
	v16 =	vmul.f32 v38, v0  }
0x3e7: {  	s6 =	sor.u32 $0x300, s6;
	v9 =	vmul.f32 v9, v0;
	v8 =	vadd.f32 $-1.258291200e+07, v13;
	v13 =	vmul.f32 v14, v0  }
0x3e8: {  	v5 =	vld [tilespmem:s6+$0x6000];
	v12 =	vmax.f32 v12, $-1.270000000e+02;
	v17 =	vadd.f32 $-1.258291200e+07, v17;
	v10 =	vmul.f32 v37, v0  }
0x3e9: {  	[tilespmem:s30+$0xE200] =	vst v11;
	v11 =	vld [tilespmem:s12+$0x6200];
	v15 =	vmul.f32 v15, v1;
	v12 =	vmin.f32 v12, $1.270000000e+02;
	v13 =	vmax.f32 v13, $-1.270000000e+02  }
0x3ea: {  	v6 =	vmul.f32 v6, v0;
	v9 =	vmax.f32 v9, $-1.270000000e+02;
	v13 =	vmin.f32 v13, $1.270000000e+02  }
0x3eb: {  	v9 =	vmin.f32 v9, $1.270000000e+02;
	v12 =	vadd.f32 $1.258291200e+07, v12;
	v14 =	vld [tilespmem:s12+$0x6010];
	v13 =	vadd.f32 $1.258291200e+07, v13  }
0x3ec: {  	v7 =	vmul.f32 v7, v1;
	v10 =	vmax.f32 v10, $-1.270000000e+02;
	v6 =	vmax.f32 v6, $-1.270000000e+02  }
0x3ed: {  	v9 =	vadd.f32 $1.258291200e+07, v9;
	v5 =	vmul.f32 v5, v0;
	v13 =	vadd.f32 $-1.258291200e+07, v13  }
0x3ee: {  	v10 =	vmin.f32 v10, $1.270000000e+02;
	v11 =	vmul.f32 v11, v0;
	v8 =	vmul.f32 v8, v1  }
0x3ef: {  	v6 =	vmin.f32 v6, $1.270000000e+02;
	v10 =	vadd.f32 $1.258291200e+07, v10;
	v13 =	vmul.f32 v13, v1  }
0x3f0: {  	v6 =	vadd.f32 $1.258291200e+07, v6;
	v5 =	vmax.f32 v5, $-1.270000000e+02;
	[tilespmem:s30+$0xE000] =	vst v8;
	v14 =	vmul.f32 v14, v0  }
0x3f1: {  	v10 =	vadd.f32 $-1.258291200e+07, v10;
	v8 =	vmin.f32 v19, $1.270000000e+02;
	[tilespmem:s29+$0xE000] =	vst v13;
	v13 =	vmax.f32 v16, $-1.270000000e+02  }
0x3f2: {  	v8 =	vadd.f32 $1.258291200e+07, v8;
	v14 =	vmax.f32 v14, $-1.270000000e+02;
	v13 =	vmin.f32 v13, $1.270000000e+02  }
0x3f3: {  	s15 =	sor.u32 $0x380, s15;
	v10 =	vmul.f32 v10, v1;
	v14 =	vmin.f32 v14, $1.270000000e+02;
	v13 =	vadd.f32 $1.258291200e+07, v13  }
0x3f4: {  	s26 =	simm.s32 $0xA0;
	[tilespmem:s30+$0xE080] =	vst v15;
	v8 =	vadd.f32 $-1.258291200e+07, v8;
	v14 =	vadd.f32 $1.258291200e+07, v14;
	v16 =	vmin.f32 v42, $1.270000000e+02;
	v44 =	vld [tilespmem:s15+$0x6000]  }
0x3f5: {  	v15 =	vld [tilespmem:s12+$0x6080];
	v11 =	vmax.f32 v11, $-1.270000000e+02;
	[tilespmem:s30+$0xE280] =	vst v10;
	s30 =	simm.s32 $0x500;
	v16 =	vadd.f32 $1.258291200e+07, v16;
	v13 =	vadd.f32 $-1.258291200e+07, v13  }
0x3f6: {  	s3 =	sor.u32 s3, s22;
	[tilespmem:s0+$0xE000] =	vst v3;
	s0 =	sand.u32 $0x60, s26;
	v5 =	vmin.f32 v5, $1.270000000e+02;
	s22 =	sand.u32 $0x1C00, s30;
	v8 =	vmul.f32 v8, v1;
	v14 =	vadd.f32 $-1.258291200e+07, v14  }
0x3f7: {  	[tilespmem:s14+$0xE000] =	vst v4;
	v19 =	vadd.f32 $1.258291200e+07, v45;
	s22 =	sor.u32 s0, s22;
	v16 =	vadd.f32 $-1.258291200e+07, v16;
	v13 =	vmul.f32 v13, v1  }
0x3f8: {  	v11 =	vmin.f32 v11, $1.270000000e+02;
	v5 =	vadd.f32 $1.258291200e+07, v5;
	v22 =	vld [tilespmem:s22+$0x6210];
	[tilespmem:s12+$0xE210] =	vst v8;
	s29 =	simm.s32 $0x4;
	v14 =	vmul.f32 v14, v1  }
0x3f9: {  	v23 =	vld [tilespmem:s22+$0x6290];
	s19 =	sand.u32 $0x3, s29;
	v16 =	vmul.f32 v16, v1;
	v18 =	vmul.f32 v44, v0;
	[tilespmem:s12+$0xE090] =	vst v13;
	v13 =	vadd.f32 $-1.258291200e+07, v19  }
0x3fa: {  	v6 =	vadd.f32 $-1.258291200e+07, v6;
	s19 =	sshll.u32 s19, $0x5;
	[tilespmem:s12+$0xE010] =	vst v14;
	v14 =	vmul.f32 v15, v0;
	v15 =	vmul.f32 v17, v1  }
0x3fb: {  	s23 =	sor.u32 $0x300, s13;
	v5 =	vadd.f32 $-1.258291200e+07, v5;
	v4 =	vld [tilespmem:s22+$0x6000];
	s13 =	sadd.s32 $0x400, s19;
	[tilespmem:s12+$0xE110] =	vst v16;
	v18 =	vmax.f32 v18, $-1.270000000e+02;
	v13 =	vmul.f32 v13, v1  }
0x3fc: {  	v47 =	vld [tilespmem:s12+$0x6280];
	v11 =	vadd.f32 $1.258291200e+07, v11;
	v54 =	vmul.f32 v6, v1;
	s29 =	sadd.s32 $0x10, s13;
	[tilespmem:s12+$0xE190] =	vst v15;
	v10 =	vmin.f32 v18, $1.270000000e+02  }
0x3fd: {  	v50 =	vmul.f32 v5, v1;
	s19 =	sor.u32 $0x300, s29;
	v14 =	vmax.f32 v14, $-1.270000000e+02;
	v15 =	vld [tilespmem:s23+$0x6000];
	v10 =	vadd.f32 $1.258291200e+07, v10;
	[tilespmem:s12+$0xE290] =	vst v13  }
0x3fe: {  	v57 =	vmul.f32 v22, v0;
	v58 =	vmul.f32 v23, v0;
	v14 =	vmin.f32 v14, $1.270000000e+02;
	v49 =	vld [tilespmem:s19+$0x6000]  }
0x3ff: {  	v14 =	vadd.f32 $1.258291200e+07, v14;
	v10 =	vadd.f32 $-1.258291200e+07, v10;
	v13 =	vmin.f32 v48, $1.270000000e+02  }
0x400: {  	v4 =	vmul.f32 v4, v0;
	v20 =	vmax.f32 v58, $-1.270000000e+02;
	v13 =	vadd.f32 $1.258291200e+07, v13  }
0x401: {  	s3 =	sor.u32 $0x380, s3;
	v14 =	vadd.f32 $-1.258291200e+07, v14;
	v8 =	vmul.f32 v10, v1;
	v10 =	vmul.f32 v47, v0  }
0x402: {  	v18 =	vmax.f32 v57, $-1.270000000e+02;
	v3 =	vmul.f32 v15, v0;
	v15 =	vld [tilespmem:s3+$0x6000];
	v5 =	vadd.f32 $-1.258291200e+07, v13  }
0x403: {  	v14 =	vmul.f32 v14, v1;
	v13 =	vld [tilespmem:s22+$0x6010];
	v10 =	vmax.f32 v10, $-1.270000000e+02;
	v16 =	vmul.f32 v49, v0  }
0x404: {  	v10 =	vmin.f32 v10, $1.270000000e+02;
	v52 =	vmul.f32 v5, v1;
	v5 =	vadd.f32 $-1.258291200e+07, v9  }
0x405: {  	v51 =	vld [tilespmem:s22+$0x6090];
	v9 =	vadd.f32 $-1.258291200e+07, v11;
	v10 =	vadd.f32 $1.258291200e+07, v10;
	v16 =	vmax.f32 v16, $-1.270000000e+02  }
0x406: {  	v3 =	vmax.f32 v3, $-1.270000000e+02;
	v11 =	vld [tilespmem:s22+$0x6110];
	v55 =	vmul.f32 v5, v1;
	v6 =	vmin.f32 v16, $1.270000000e+02  }
0x407: {  	v53 =	vld [tilespmem:s22+$0x6190];
	v9 =	vmul.f32 v9, v1;
	v10 =	vadd.f32 $-1.258291200e+07, v10;
	v5 =	vadd.f32 $1.258291200e+07, v6  }
0x408: {  	v3 =	vmin.f32 v3, $1.270000000e+02;
	v13 =	vmul.f32 v13, v0;
	v6 =	vmul.f32 v15, v0  }
0x409: {  	v59 =	vld [tilespmem:s22+$0x6080];
	v10 =	vmul.f32 v10, v1;
	v15 =	vadd.f32 $1.258291200e+07, v3;
	v5 =	vadd.f32 $-1.258291200e+07, v5  }
0x40a: {  	v3 =	vadd.f32 $-1.258291200e+07, v12;
	v12 =	vmul.f32 v51, v0;
	v13 =	vmax.f32 v13, $-1.270000000e+02  }
0x40b: {  	[tilespmem:s8+$0xE000] =	vst v2;
	v11 =	vmul.f32 v11, v0;
	v13 =	vmin.f32 v13, $1.270000000e+02;
	v56 =	vmul.f32 v5, v1  }
0x40c: {  	[tilespmem:s15+$0xE000] =	vst v8;
	v24 =	vmax.f32 v6, $-1.270000000e+02;
	v6 =	vadd.f32 $-1.258291200e+07, v15;
	v15 =	vmul.f32 v53, v0  }
0x40d: {  	s29 =	sor.u32 $0x380, s29;
	v2 =	vmax.f32 v12, $-1.270000000e+02;
	v11 =	vmax.f32 v11, $-1.270000000e+02;
	v8 =	vadd.f32 $1.258291200e+07, v13;
	[tilespmem:s19+$0xE000] =	vst v56  }
0x40e: {  	v13 =	vmin.f32 v20, $1.270000000e+02;
	[tilespmem:s12+$0xE280] =	vst v10;
	v10 =	vmul.f32 v59, v0;
	v12 =	vmax.f32 v15, $-1.270000000e+02;
	v15 =	vld [tilespmem:s29+$0x6000]  }
0x40f: {  	[tilespmem:s21+$0xE000] =	vst v7;
	v2 =	vmin.f32 v2, $1.270000000e+02;
	v7 =	vmin.f32 v11, $1.270000000e+02;
	v13 =	vadd.f32 $1.258291200e+07, v13  }
0x410: {  	[tilespmem:s12+$0xE100] =	vst v54;
	v5 =	vmin.f32 v24, $1.270000000e+02;
	v2 =	vadd.f32 $1.258291200e+07, v2;
	v7 =	vadd.f32 $1.258291200e+07, v7  }
0x411: {  	[tilespmem:s12+$0xE080] =	vst v14;
	v14 =	vld [tilespmem:s22+$0x6100];
	v8 =	vadd.f32 $-1.258291200e+07, v8;
	v11 =	vmin.f32 v12, $1.270000000e+02;
	v13 =	vadd.f32 $-1.258291200e+07, v13  }
0x412: {  	[tilespmem:s6+$0xE000] =	vst v50;
	v60 =	vld [tilespmem:s22+$0x6180];
	v12 =	vmin.f32 v18, $1.270000000e+02;
	v11 =	vadd.f32 $1.258291200e+07, v11;
	v2 =	vadd.f32 $-1.258291200e+07, v2  }
0x413: {  	[tilespmem:s12+$0xE000] =	vst v52;
	v8 =	vmul.f32 v8, v1;
	v7 =	vadd.f32 $-1.258291200e+07, v7;
	v15 =	vmul.f32 v15, v0  }
0x414: {  	v61 =	vld [tilespmem:s22+$0x6200];
	[tilespmem:s12+$0xE180] =	vst v55;
	v12 =	vadd.f32 $1.258291200e+07, v12;
	v13 =	vmul.f32 v13, v1;
	v2 =	vmul.f32 v2, v1  }
0x415: {  	[tilespmem:s12+$0xE200] =	vst v9;
	v9 =	vld [tilespmem:s22+$0x6280];
	v11 =	vadd.f32 $-1.258291200e+07, v11;
	v7 =	vmul.f32 v7, v1;
	v15 =	vmax.f32 v15, $-1.270000000e+02  }
0x416: {  	s6 =	simm.s32 $0x5;
	v12 =	vadd.f32 $-1.258291200e+07, v12;
	[tilespmem:s22+$0xE010] =	vst v8;
	v8 =	vmul.f32 v14, v0;
	v15 =	vmin.f32 v15, $1.270000000e+02  }
0x417: {  	s15 =	sand.u32 $0x3, s6;
	[tilespmem:s22+$0xE090] =	vst v2;
	v2 =	vmax.f32 v4, $-1.270000000e+02;
	v4 =	vmul.f32 v60, v0;
	v15 =	vadd.f32 $1.258291200e+07, v15  }
0x418: {  	s0 =	sshll.u32 s15, $0x5;
	s19 =	sor.u32 s24, s16;
	s16 =	sor.u32 $0x300, s13;
	v11 =	vmul.f32 v11, v1;
	v12 =	vmul.f32 v12, v1;
	[tilespmem:s22+$0xE110] =	vst v7;
	v7 =	vmax.f32 v10, $-1.270000000e+02  }
0x419: {  	s7 =	sor.u32 s20, s7;
	s20 =	sadd.s32 $0x500, s0;
	[tilespmem:s22+$0xE290] =	vst v13;
	v10 =	vmul.f32 v61, v0;
	v14 =	vadd.f32 $-1.258291200e+07, v15;
	v15 =	vmax.f32 v4, $-1.270000000e+02;
	v4 =	vld [tilespmem:s16+$0x6000]  }
0x41a: {  	s12 =	sadd.s32 $0x10, s20;
	v62 =	vmul.f32 v9, v0;
	v63 =	vmin.f32 v2, $1.270000000e+02;
	[tilespmem:s22+$0xE190] =	vst v11;
	v11 =	vmax.f32 v8, $-1.270000000e+02  }
0x41b: {  	s21 =	sor.u32 s4, s17;
	s4 =	sor.u32 $0x300, s12;
	[tilespmem:s22+$0xE210] =	vst v12;
	v8 =	vmin.f32 v7, $1.270000000e+02;
	v10 =	vmax.f32 v10, $-1.270000000e+02;
	v14 =	vmul.f32 v14, v1  }
0x41c: {  	s8 =	sor.u32 $0x380, s21;
	s0 =	sor.u32 $0x380, s7;
	s24 =	sor.u32 s30, s26;
	v12 =	vmin.f32 v11, $1.270000000e+02;
	v7 =	vld [tilespmem:s4+$0x6000];
	v9 =	vmin.f32 v15, $1.270000000e+02;
	v15 =	vmax.f32 v62, $-1.270000000e+02  }
0x41d: {  	s13 =	sor.u32 $0x300, s20;
	s7 =	sor.u32 $0x380, s19;
	s14 =	sor.u32 $0x380, s24;
	v2 =	vld [tilespmem:s0+$0x6000];
	v11 =	vadd.f32 $1.258291200e+07, v63;
	v13 =	vmin.f32 v10, $1.270000000e+02;
	v10 =	vmin.f32 v15, $1.270000000e+02;
	[tilespmem:s29+$0xE000] =	vst v14  }
.LBB2_17:
0x41e: {  	s26 =	sadd.s32 $0x20, s26;
	v8 =	vadd.f32 $1.258291200e+07, v8;
	v12 =	vadd.f32 $1.258291200e+07, v12;
	s30 =	sadd.s32 $0x100, s30;
	v4 =	vmul.f32 v4, v0  }
0x41f: {  	v9 =	vadd.f32 $1.258291200e+07, v9;
	v13 =	vadd.f32 $1.258291200e+07, v13;
	v6 =	vmul.f32 v6, v1;
	s15 =	sand.u32 $0x60, s26;
	s17 =	sand.u32 $0x1C00, s30;
	s19 =	sor.u32 s30, s26  }
0x420: {  	v10 =	vadd.f32 $1.258291200e+07, v10;
	p0 =	slt.u32 s26, $0x3E0;
	v11 =	vadd.f32 $-1.258291200e+07, v11;
	s15 =	sor.u32 s15, s17;
	s17 =	sor.u32 $0x380, s19;
	v4 =	vmax.f32 v4, $-1.270000000e+02  }
0x421: {  	v8 =	vadd.f32 $-1.258291200e+07, v8;
	v12 =	vadd.f32 $-1.258291200e+07, v12;
	v14 =	vld [tilespmem:s15+$0x6010];
	v7 =	vmul.f32 v7, v0;
	[tilespmem:s23+$0xE000] =	vst v6;
	s23 =	smov.u32 s16;
	s16 =	smov.u32 s13  }
0x422: {  	v9 =	vadd.f32 $-1.258291200e+07, v9;
	v13 =	vadd.f32 $-1.258291200e+07, v13;
	v11 =	vmul.f32 v11, v1;
	v6 =	vld [tilespmem:s15+$0x6090]  }
0x423: {  	v10 =	vadd.f32 $-1.258291200e+07, v10;
	v8 =	vmul.f32 v8, v1;
	v15 =	vld [tilespmem:s15+$0x6110];
	v7 =	vmax.f32 v7, $-1.270000000e+02  }
0x424: {  	v9 =	vmul.f32 v9, v1;
	v16 =	vld [tilespmem:s15+$0x6190];
	[tilespmem:s22+$0xE000] =	vst v11;
	v11 =	vmul.f32 v12, v1;
	v7 =	vmin.f32 v7, $1.270000000e+02  }
0x425: {  	v10 =	vmul.f32 v10, v1;
	v12 =	vld [tilespmem:s15+$0x6210];
	[tilespmem:s22+$0xE080] =	vst v8;
	v8 =	vmul.f32 v13, v1;
	v7 =	vadd.f32 $1.258291200e+07, v7  }
0x426: {  	v2 =	vmul.f32 v2, v0;
	v5 =	vadd.f32 $1.258291200e+07, v5;
	v4 =	vmin.f32 v4, $1.270000000e+02;
	v13 =	vld [tilespmem:s15+$0x6290];
	[tilespmem:s22+$0xE100] =	vst v11  }
0x427: {  	v4 =	vadd.f32 $1.258291200e+07, v4;
	v11 =	vld [tilespmem:s15+$0x6000];
	[tilespmem:s22+$0xE180] =	vst v9;
	v7 =	vadd.f32 $-1.258291200e+07, v7;
	v9 =	vmul.f32 v3, v1  }
0x428: {  	v2 =	vmax.f32 v2, $-1.270000000e+02;
	v14 =	vmul.f32 v14, v0;
	v3 =	vadd.f32 $-1.258291200e+07, v5;
	v17 =	vld [tilespmem:s15+$0x6080];
	[tilespmem:s22+$0xE200] =	vst v8  }
0x429: {  	v18 =	vmul.f32 v6, v0;
	v6 =	vadd.f32 $-1.258291200e+07, v4;
	v8 =	vld [tilespmem:s15+$0x6100];
	[tilespmem:s22+$0xE280] =	vst v10;
	v7 =	vmul.f32 v7, v1;
	s22 =	smov.u32 s15  }
0x42a: {  	v5 =	vmin.f32 v2, $1.270000000e+02;
	v4 =	vmul.f32 v15, v0;
	v15 =	vmul.f32 v16, v0;
	v10 =	vld [tilespmem:s22+$0x6180];
	[tilespmem:s18+$0xE000] =	vst v9;
	s18 =	smov.u32 s3;
	s3 =	smov.u32 s0;
	s0 =	smov.u32 s7  }
0x42b: {  	v2 =	vmax.f32 v14, $-1.270000000e+02;
	s15 =	sor.u32 $0x380, s12;
	v12 =	vmul.f32 v12, v0;
	s7 =	smov.u32 s8;
	s8 =	smov.u32 s14;
	v9 =	vld [tilespmem:s22+$0x6200];
	v13 =	vmul.f32 v13, v0;
	[tilespmem:s4+$0xE000] =	vst v7  }
0x42c: {  	v4 =	vmax.f32 v4, $-1.270000000e+02;
	s14 =	smov.u32 s17;
	v7 =	vmax.f32 v18, $-1.270000000e+02;
	v14 =	vmax.f32 v15, $-1.270000000e+02;
	v15 =	vld [tilespmem:s15+$0x6000]  }
0x42d: {  	v2 =	vmin.f32 v2, $1.270000000e+02;
	v12 =	vmax.f32 v12, $-1.270000000e+02;
	v16 =	vld [tilespmem:s22+$0x6280];
	v13 =	vmax.f32 v13, $-1.270000000e+02  }
0x42e: {  	v18 =	vmin.f32 v4, $1.270000000e+02;
	v7 =	vmin.f32 v7, $1.270000000e+02;
	v14 =	vmin.f32 v14, $1.270000000e+02;
	v4 =	vld [tilespmem:s16+$0x6000]  }
0x42f: {  	v19 =	vadd.f32 $1.258291200e+07, v2;
	v7 =	vadd.f32 $1.258291200e+07, v7;
	v12 =	vmin.f32 v12, $1.270000000e+02;
	v2 =	vld [tilespmem:s0+$0x6000]  }
0x430: {  	v18 =	vadd.f32 $1.258291200e+07, v18;
	v14 =	vadd.f32 $1.258291200e+07, v14;
	v13 =	vmin.f32 v13, $1.270000000e+02  }
0x431: {  	v19 =	vadd.f32 $-1.258291200e+07, v19;
	v12 =	vadd.f32 $1.258291200e+07, v12;
	v15 =	vmul.f32 v15, v0  }
0x432: {  	v11 =	vmul.f32 v11, v0;
	v7 =	vadd.f32 $-1.258291200e+07, v7;
	v13 =	vadd.f32 $1.258291200e+07, v13  }
0x433: {  	v19 =	vmul.f32 v19, v1;
	v18 =	vadd.f32 $-1.258291200e+07, v18;
	v15 =	vmax.f32 v15, $-1.270000000e+02  }
0x434: {  	v14 =	vadd.f32 $-1.258291200e+07, v14;
	v7 =	vmul.f32 v7, v1;
	v15 =	vmin.f32 v15, $1.270000000e+02  }
0x435: {  	v18 =	vmul.f32 v18, v1;
	v12 =	vadd.f32 $-1.258291200e+07, v12;
	[tilespmem:s22+$0xE010] =	vst v19;
	v15 =	vadd.f32 $1.258291200e+07, v15  }
0x436: {  	s6 =	sadd.s32 $0x1, s6;
	v17 =	vmul.f32 v17, v0;
	v13 =	vadd.f32 $-1.258291200e+07, v13;
	[tilespmem:s22+$0xE090] =	vst v7;
	v7 =	vmul.f32 v14, v1  }
0x437: {  	s4 =	sand.u32 $0x3, s6;
	v8 =	vmul.f32 v8, v0;
	v12 =	vmul.f32 v12, v1;
	[tilespmem:s22+$0xE110] =	vst v18;
	v14 =	vadd.f32 $-1.258291200e+07, v15  }
0x438: {  	s4 =	sshll.u32 s4, $0x5;
	v11 =	vmax.f32 v11, $-1.270000000e+02;
	v10 =	vmul.f32 v10, v0;
	[tilespmem:s22+$0xE190] =	vst v7;
	v7 =	vmul.f32 v13, v1  }
.Ltmp11:
0x439: {  	s4 =	sadd.s32 s4, s30;
	v9 =	vmul.f32 v9, v0;
	v13 =	vmax.f32 v17, $-1.270000000e+02;
	[tilespmem:s22+$0xE210] =	vst v12;
	v12 =	vmul.f32 v14, v1;
	(pc) =	sbr.rel @p0 .LBB2_17-.Ltmp11, $4  }
0x43a: {  	s13 =	sor.u32 $0x300, s4;
	s12 =	sadd.s32 $0x10, s4;
	v10 =	vmax.f32 v10, $-1.270000000e+02;
	v15 =	vmul.f32 v16, v0;
	v14 =	vmax.f32 v8, $-1.270000000e+02;
	[tilespmem:s22+$0xE290] =	vst v7  }
0x43b: {  	v11 =	vmin.f32 v11, $1.270000000e+02;
	s4 =	sor.u32 $0x300, s12;
	v8 =	vmin.f32 v13, $1.270000000e+02;
	v13 =	vmax.f32 v9, $-1.270000000e+02;
	[tilespmem:s15+$0xE000] =	vst v12  }
0x43c: {  	v9 =	vmin.f32 v10, $1.270000000e+02;
	v10 =	vmax.f32 v15, $-1.270000000e+02;
	v12 =	vmin.f32 v14, $1.270000000e+02;
	v7 =	vld [tilespmem:s4+$0x6000]  }
0x43d: {  	v11 =	vadd.f32 $1.258291200e+07, v11;
	v13 =	vmin.f32 v13, $1.270000000e+02;
	v10 =	vmin.f32 v10, $1.270000000e+02  }
0x43e: {  	v8 =	vadd.f32 $1.258291200e+07, v8  }
0x43f: {  	v12 =	vadd.f32 $1.258291200e+07, v12;
	v11 =	vadd.f32 $-1.258291200e+07, v11  }
0x440: {  	v9 =	vadd.f32 $1.258291200e+07, v9;
	v8 =	vadd.f32 $-1.258291200e+07, v8  }
0x441: {  	v13 =	vadd.f32 $1.258291200e+07, v13;
	v12 =	vadd.f32 $-1.258291200e+07, v12;
	v11 =	vmul.f32 v11, v1  }
0x442: {  	v10 =	vadd.f32 $1.258291200e+07, v10;
	v9 =	vadd.f32 $-1.258291200e+07, v9;
	v8 =	vmul.f32 v8, v1  }
0x443: {  	v13 =	vadd.f32 $-1.258291200e+07, v13;
	v53 =	vmul.f32 v12, v1;
	[tilespmem:s22+$0xE000] =	vst v11  }
0x444: {  	v10 =	vadd.f32 $-1.258291200e+07, v10;
	v9 =	vmul.f32 v9, v1;
	[tilespmem:s22+$0xE080] =	vst v8  }
0x445: {  	v54 =	vmul.f32 v13, v1;
	[tilespmem:s22+$0xE100] =	vst v53  }
0x446: {  	v10 =	vmul.f32 v10, v1;
	[tilespmem:s22+$0xE180] =	vst v9  }
0x447: {  	v7 =	vmul.f32 v7, v0;
	[tilespmem:s22+$0xE200] =	vst v54  }
0x448: {  	[tilespmem:s22+$0xE280] =	vst v10  }
0x449: {  	v7 =	vmax.f32 v7, $-1.270000000e+02;
	v8 =	vld [tilespmem:s13+$0x6000]  }
0x44a: {  	v7 =	vmin.f32 v7, $1.270000000e+02  }
0x44b: {  	v7 =	vadd.f32 $1.258291200e+07, v7  }
0x44c: {  	v4 =	vmul.f32 v4, v0  }
0x44d: {  	v7 =	vadd.f32 $-1.258291200e+07, v7  }
0x44e: {  	v4 =	vmax.f32 v4, $-1.270000000e+02;
	v8 =	vmul.f32 v8, v0  }
0x44f: {  	v4 =	vmin.f32 v4, $1.270000000e+02;
	v7 =	vmul.f32 v7, v1  }
0x450: {  	v4 =	vadd.f32 $1.258291200e+07, v4;
	v55 =	vmax.f32 v8, $-1.270000000e+02  }
0x451: {  	[tilespmem:s4+$0xE000] =	vst v7;
	v7 =	vmin.f32 v55, $1.270000000e+02  }
0x452: {  	v4 =	vadd.f32 $-1.258291200e+07, v4;
	v7 =	vadd.f32 $1.258291200e+07, v7  }
0x453: {  	v6 =	vmul.f32 v6, v1  }
0x454: {  	v4 =	vmul.f32 v4, v1;
	v7 =	vadd.f32 $-1.258291200e+07, v7  }
0x455: {  	[tilespmem:s23+$0xE000] =	vst v6  }
0x456: {  	v58 =	vld [tilespmem:s7+$0x6000];
	[tilespmem:s16+$0xE000] =	vst v4;
	v7 =	vmul.f32 v7, v1  }
0x457: {  	s26 =	sor.u32 $0x380, s12;
	v2 =	vmul.f32 v2, v0;
	v60 =	vld [tilespmem:s8+$0x6000]  }
0x458: {  	v5 =	vadd.f32 $1.258291200e+07, v5;
	v56 =	vld [tilespmem:s26+$0x6000];
	[tilespmem:s13+$0xE000] =	vst v7  }
0x459: {  	v2 =	vmax.f32 v2, $-1.270000000e+02;
	v7 =	vld [tilespmem:s14+$0x6000]  }
0x45a: {  	v3 =	vmul.f32 v3, v1;
	v5 =	vadd.f32 $-1.258291200e+07, v5;
	v2 =	vmin.f32 v2, $1.270000000e+02  }
0x45b: {  	v2 =	vadd.f32 $1.258291200e+07, v2;
	v8 =	vmul.f32 v58, v0  }
0x45c: {  	[tilespmem:s18+$0xE000] =	vst v3;
	v3 =	vmul.f32 v5, v1;
	v6 =	vmul.f32 v60, v0  }
0x45d: {  	v2 =	vadd.f32 $-1.258291200e+07, v2;
	v8 =	vmax.f32 v8, $-1.270000000e+02;
	v57 =	vmul.f32 v56, v0  }
0x45e: {  	v8 =	vmin.f32 v8, $1.270000000e+02;
	v6 =	vmax.f32 v6, $-1.270000000e+02;
	v7 =	vmul.f32 v7, v0  }
0x45f: {  	v8 =	vadd.f32 $1.258291200e+07, v8;
	v6 =	vmin.f32 v6, $1.270000000e+02;
	v59 =	vmax.f32 v57, $-1.270000000e+02  }
0x460: {  	v6 =	vadd.f32 $1.258291200e+07, v6;
	v4 =	vmin.f32 v59, $1.270000000e+02;
	v7 =	vmax.f32 v7, $-1.270000000e+02  }
0x461: {  	v61 =	vadd.f32 $-1.258291200e+07, v8;
	v4 =	vadd.f32 $1.258291200e+07, v4;
	v7 =	vmin.f32 v7, $1.270000000e+02  }
0x462: {  	v2 =	vmul.f32 v2, v1;
	v62 =	vadd.f32 $-1.258291200e+07, v6;
	v7 =	vadd.f32 $1.258291200e+07, v7  }
0x463: {  	[tilespmem:s3+$0xE000] =	vst v3;
	v3 =	vmul.f32 v61, v1;
	v4 =	vadd.f32 $-1.258291200e+07, v4  }
0x464: {  	[tilespmem:s0+$0xE000] =	vst v2;
	v2 =	vmul.f32 v62, v1;
	v63 =	vadd.f32 $-1.258291200e+07, v7  }
.Ltmp12:
0x465: {  	[tilespmem:s7+$0xE000] =	vst v3;
	v4 =	vmul.f32 v4, v1;
	(pc) =	sbr.rel @p2 .LBB2_20-.Ltmp12, $4  }
0x466: {  	[tilespmem:s8+$0xE000] =	vst v2;
	v3 =	vmul.f32 v63, v1  }
0x467: {  	[tilespmem:s26+$0xE000] =	vst v4  }
0x468: {  	s29 =	sadd.s32 $0xC00, s11;
	s30 =	simm.s32 $0xE000;
	[tilespmem:s14+$0xE000] =	vst v3  }
0x469: {  	[hbm4b:s29+s5] =	stream.linear.scatter [tilespmem:s30], [sflag:$0x8], $0x2000, $0x38;
	[tilespmem:$0x10100] =	vst v63  }
.Ltmp13:
0x46a: {  	s0 =	rddreg [dreg:$0xf];
	(pc) =	sbr.rel .LBB2_2-.Ltmp13, $4  }
0x46b: {  	s0 =	sadd.s32 s10, s0  }
0x46c: {  	s0 =	sshll.u32 s0, $0xA  }
0x46d: {  	s3 =	simm.s32 $0x6000;
	s9 =	sadd.s32 $0x1, s9;
	s0 =	sadd.s32 s1, s0  }
0x46e: {  	[tilespmem:s3], [sflag:$0x4] =	stream.linear.gather [hbm4b:s0+s5], $0x2000, $0x38;
	[tilespmem:$0x10100] =	vst v63  }
.LBB2_21:
0x46f: {  	_ =	sfence.sel $0x180000  }
0x470: {  	[bflag:$0x0] =	sbarrier.arrive $0xFFFF  }
0x471: {  	_ =	strace $0x90000047  }
0x472: {  	s0 =	stileid.u32;
	[bflag:$0x2] =	sbarrier.arrive $0xFFFF  }
0x473: {  	p0 =	sne.s32 s0, $0x0;
	s0 =	rddreg [dreg:$0x3]  }
0x474: {  	s0 =	sadd.s32 @!p0 $0x100000, s0  }
0x475: {  	[sflag:s0] =	ssyncadd.tile.s32 @!p0 $0x1;
	_ =	shalt  }
.Lfunc_end2:
_tile_overlayer_lowered:
.L_overlay_start_2:
0x476: {  	(tag) =	ssettag $0x2  }
0x477: {  	s0 =	rddreg [dreg:$0x0];
	s2 =	stileid.u32  }
0x478: {  	s1 =	rddreg [dreg:$0x1];
	p0 =	sne.s32 s2, $0x0  }
0x479: {  	s3 =	rddreg [dreg:$0x2];
	[bflag:$0x3] =	sbarrier.arrive $0xFFFF;
	s2 =	simm.s32 @!p0 $0x1C09  }
0x47a: {  	[timem:s3], [sflag:s2] =	dma.local @!p0 [hbm:s0], s1  }
0x47b: {  	s0 =	simm.s32 @!p0 $0x9  }
0x47c: {  	_ =	swait.ge @!p0 [sflag:s0], s1  }
0x47d: {  	s1 =	ssub.s32 @!p0 $0x0, s1;
	[sflag:s0] =	ssyncset.done @!p0 $0x0  }
0x47e: {  	[sflag:s0] =	ssyncadd.s32 @!p0 s1  }
0x47f: {  	[bflag:$0x3] =	sbarrier.arrive $0xFFFF  }
0x480: {  	_ =	shalt  }

</sc_bundles>
